<compile_context>
chip_gen: v7x
topology: tpu7x:2x2x1
jax: 0.10.2.dev20260603
libtpu: 0.0.44.dev20260713+nightly
codegen_flags: <defaults>
</compile_context>

<pallas_src>
import functools

import jax
import jax.numpy as jnp
from jax import lax
from jax.experimental import pallas as pl
from jax.experimental.pallas import tpu as pltpu
from jax.experimental.pallas import tpu_sc as plsc

N = 10000
E = 160000
C = 256
HALF = 128
NC = 2
NS = 16
NB = 80
BE = 125
NPAD = 10240
ROWS_PER_SUB = NPAD // NS
ZCHUNK = 120
RB = 1000


def _sc_segment_sum(x2, gidx, didx_in):
    mesh = plsc.VectorSubcoreMesh(core_axis_name="c", subcore_axis_name="s")

    @functools.partial(
        pl.kernel,
        out_type=jax.ShapeDtypeStruct((NC, NPAD, HALF), jnp.float32),
        mesh=mesh,
        scratch_types=[
            pltpu.VMEM((NB // 2, BE), jnp.int32),
            pltpu.VMEM((NB // 2, BE), jnp.int32),
            pltpu.VMEM((BE, HALF), jnp.float32),
            pltpu.VMEM((BE, HALF), jnp.float32),
            pltpu.VMEM_SHARED((NPAD, HALF), jnp.float32),
            pltpu.SemaphoreType.DMA,
            pltpu.SemaphoreType.DMA,
        ],
    )
    def seg_sum(x2_hbm, gidx_hbm, didx_hbm, out_hbm, sidx, didx, gbuf, gbuf1,
                acc, sem, sem1):
        core = lax.axis_index("c")
        sub = lax.axis_index("s")

        zero = jnp.zeros((16,), jnp.float32)

        @pl.loop(0, BE)
        def _(i):
            for j in range(HALF // 16):
                gbuf[i, pl.ds(j * 16, 16)] = zero

        @pl.loop(0, ROWS_PER_SUB // ZCHUNK)
        def _(i):
            pltpu.sync_copy(
                gbuf.at[pl.ds(0, ZCHUNK)],
                acc.at[pl.ds(sub * ROWS_PER_SUB + i * ZCHUNK, ZCHUNK)],
            )

        pltpu.sync_copy(
            gbuf.at[pl.ds(0, ROWS_PER_SUB % ZCHUNK)],
            acc.at[pl.ds(sub * ROWS_PER_SUB + (ROWS_PER_SUB // ZCHUNK) * ZCHUNK,
                         ROWS_PER_SUB % ZCHUNK)],
        )

        plsc.subcore_barrier()

        NH = NB // 2
        bufs = (gbuf, gbuf1)
        sems = (sem, sem1)
        for phase in range(2):
            pltpu.sync_copy(gidx_hbm.at[core, sub, pl.ds(phase * NH, NH)], sidx)
            pltpu.sync_copy(didx_hbm.at[sub, pl.ds(phase * NH, NH)], didx)

            @pl.loop(0, NH, step=8)
            def _(b):
                handles = [
                    pltpu.async_copy(x2_hbm.at[sidx.at[b]], bufs[0], sems[0])
                ]
                for u in range(8):
                    if u + 1 < 8:
                        handles.append(pltpu.async_copy(
                            x2_hbm.at[sidx.at[b + u + 1]],
                            bufs[(u + 1) % 2], sems[(u + 1) % 2]))
                    handles[u].wait()
                    pltpu.sync_copy(bufs[u % 2], acc.at[didx.at[b + u]],
                                    add=True)

        plsc.subcore_barrier()

        pltpu.sync_copy(
            acc.at[pl.ds(sub * ROWS_PER_SUB, ROWS_PER_SUB)],
            out_hbm.at[core, pl.ds(sub * ROWS_PER_SUB, ROWS_PER_SUB)],
        )

    return seg_sum(x2, gidx, didx_in)


def _tc_mlp(x, agg, Wa, ba, Wb, bb, relu_out):

    def body(x_ref, a0_ref, a1_ref, wa_ref, ba_ref, wb_ref, bb_ref, o_ref):
        h = x_ref[...] + jnp.concatenate([a0_ref[0], a1_ref[0]], axis=1)
        t = jnp.dot(h, wa_ref[...], preferred_element_type=jnp.float32)
        t = jnp.maximum(t + ba_ref[...], 0.0)
        o = jnp.dot(t, wb_ref[...], preferred_element_type=jnp.float32)
        o = o + bb_ref[...]
        if relu_out:
            o = jnp.maximum(o, 0.0)
        o_ref[...] = o

    return pl.pallas_call(
        body,
        grid=(N // RB,),
        in_specs=[
            pl.BlockSpec((RB, C), lambda i: (i, 0)),
            pl.BlockSpec((1, RB, HALF), lambda i: (0, i, 0)),
            pl.BlockSpec((1, RB, HALF), lambda i: (1, i, 0)),
            pl.BlockSpec((C, C), lambda i: (0, 0)),
            pl.BlockSpec((1, C), lambda i: (0, 0)),
            pl.BlockSpec((C, C), lambda i: (0, 0)),
            pl.BlockSpec((1, C), lambda i: (0, 0)),
        ],
        out_specs=pl.BlockSpec((RB, C), lambda i: (i, 0)),
        out_shape=jax.ShapeDtypeStruct((N, C), jnp.float32),
    )(x, agg, agg, Wa, ba.reshape(1, C), Wb, bb.reshape(1, C))


def kernel(x, edge_index, W1a, b1a, W1b, b1b, W2a, b2a, W2b, b2b):
    src = edge_index[0]
    dst = edge_index[1]
    g0 = src * 2
    gidx = jnp.stack([g0, g0 + 1]).reshape(NC, NS, NB, BE)
    didx = dst.reshape(NS, NB, BE)

    agg1 = _sc_segment_sum(x.reshape(2 * N, HALF), gidx, didx)
    h1 = _tc_mlp(x, agg1, W1a, b1a, W1b, b1b, True)
    agg2 = _sc_segment_sum(h1.reshape(2 * N, HALF), gidx, didx)
    out = _tc_mlp(h1, agg2, W2a, b2a, W2b, b2b, False)
    return out

# --- scband reference (transcript-rebuilt; emitter-appended) ---
"""Pipeline reference for scband-gin-9732395892855 (READ-ONLY COPY).

The authoritative reference and input builder live on the scoring server;
editing this copy changes nothing except your own understanding.
"""

import jax, jax.numpy as jnp
import numpy as np

N, E, C, H, O = 10000, 160000, 256, 256, 256


def setup_inputs(seed: int = 0) -> dict:
    key = jax.random.key(seed)
    ks = jax.random.split(key, 10)
    x = jax.random.normal(ks[0], (N, C), dtype=jnp.float32)
    edge_index = jax.random.randint(ks[1], (2, E), 0, N, dtype=jnp.int32)
    s = 1.0 / np.sqrt(C)
    sh = 1.0 / np.sqrt(H)
    W1a = jax.random.uniform(ks[2], (C, H), jnp.float32, -s, s)
    b1a = jax.random.uniform(ks[3], (H,), jnp.float32, -s, s)
    W1b = jax.random.uniform(ks[4], (H, H), jnp.float32, -sh, sh)
    b1b = jax.random.uniform(ks[5], (H,), jnp.float32, -sh, sh)
    W2a = jax.random.uniform(ks[6], (H, H), jnp.float32, -sh, sh)
    b2a = jax.random.uniform(ks[7], (H,), jnp.float32, -sh, sh)
    W2b = jax.random.uniform(ks[8], (H, O), jnp.float32, -sh, sh)
    b2b = jax.random.uniform(ks[9], (O,), jnp.float32, -sh, sh)
    return {"x": x, "edge_index": edge_index, "W1a": W1a, "b1a": b1a, "W1b": W1b, "b1b": b1b, "W2a": W2a, "b2a": b2a, "W2b": W2b, "b2b": b2b}


def _gin_conv(x, edge_index, Wa, ba, Wb, bb, eps=0.0):
    src = edge_index[0]
    dst = edge_index[1]
    msgs = jnp.take(x, src, axis=0)
    agg = jax.ops.segment_sum(msgs, dst, num_segments=x.shape[0])
    h = (1.0 + eps) * x + agg
    h = h @ Wa + ba
    h = jax.nn.relu(h)
    h = h @ Wb + bb
    return h


def reference(x, edge_index, W1a, b1a, W1b, b1b, W2a, b2a, W2b, b2b):
    # GIN forward (eval mode: dropout is identity)
    h = jax.nn.relu(_gin_conv(x, edge_index, W1a, b1a, W1b, b1b))
    out = _gin_conv(h, edge_index, W2a, b2a, W2b, b2b)
    return out

if __name__ == "__main__":
    import jax
    _d = setup_inputs()
    print(jax.jit(kernel)(*tuple(_d.values())))

</pallas_src>

<mosaic_0001>
#map = affine_map<(d0, d1) -> (0, 0)>
#map1 = affine_map<(d0, d1) -> (0, 0, 0, 0)>
#map2 = affine_map<(d0, d1) -> (0, 0, 0)>
module attributes {stable_mosaic.version = 14 : i64} {
  func.func @seg_sum(%arg0: i32, %arg1: i32, %arg2: memref<20000x128xf32, #tpu.memory_space<hbm>>, %arg3: memref<2x16x80x125xi32, #tpu.memory_space<hbm>>, %arg4: memref<16x80x125xi32, #tpu.memory_space<hbm>>, %arg5: memref<2x10240x128xf32, #tpu.memory_space<hbm>>, %arg6: memref<40x125xi32, #tpu.memory_space<vmem>>, %arg7: memref<40x125xi32, #tpu.memory_space<vmem>>, %arg8: memref<125x128xf32, #tpu.memory_space<vmem>>, %arg9: memref<125x128xf32, #tpu.memory_space<vmem>>, %arg10: memref<10240x128xf32, #tpu.memory_space<vmem_shared>>, %arg11: memref<!tpu.dma_semaphore, #tpu.memory_space<semaphore_mem>>, %arg12: memref<!tpu.dma_semaphore, #tpu.memory_space<semaphore_mem>>) attributes {dimension_semantics = [#tpu.dimension_semantics<core_parallel>, #tpu.dimension_semantics<subcore_parallel>], iteration_bounds = array<i64: 2, 16>, scalar_prefetch = 0 : i64, scratch_operands = 7 : i64, tpu.core_type = #tpu.core_type<sc_vector_subcore>, window_params = [{transform_indices = #map}, {transform_indices = #map1}, {transform_indices = #map2}, {transform_indices = #map2}]} {
    %broadcast_in_dim3A = arith.constant 0.000000e+00 : f32
    %broadcast_in_dim3A_0 = vector.broadcast %broadcast_in_dim3A : f32 to vector<16xf32>
    %scan3A = arith.constant 0 : i32
    %scan3A_1 = arith.constant 125 : i32
    %scan3A_2 = arith.addi %scan3A, %scan3A_1 : i32
    %scan3A_3 = arith.constant 1 : i32
    scf.for %scan3A_27 = %scan3A to %scan3A_2 step %scan3A_3  : i32 {
      %mul3A_28 = arith.constant 1 : i32
      %mul3A_29 = arith.muli %scan3A_27, %mul3A_28 : i32
      %add3A_30 = arith.constant 0 : i32
      %add3A_31 = arith.addi %add3A_30, %mul3A_29 : i32
      %swap3A = arith.index_cast %add3A_31 : i32 to index
      %swap3A_32 = arith.constant 0 : index
      %swap3A_33 = tpu.vector_load %arg8[%swap3A, %swap3A_32] {strides = array<i32>} : memref<125x128xf32, #tpu.memory_space<vmem>>, vector<1x16xf32>,
      %swap3A_34 = vector.shape_cast %swap3A_33 : vector<1x16xf32> to vector<16xf32>
      %swap3A_35 = vector.shape_cast %broadcast_in_dim3A_0 : vector<16xf32> to vector<1x16xf32>
      tpu.vector_store %arg8[%swap3A, %swap3A_32], %swap3A_35 {strides = array<i32>} : memref<125x128xf32, #tpu.memory_space<vmem>>, vector<1x16xf32>,
      %swap3A_36 = arith.index_cast %add3A_31 : i32 to index
      %swap3A_37 = arith.constant 16 : index
      %swap3A_38 = tpu.vector_load %arg8[%swap3A_36, %swap3A_37] {strides = array<i32>} : memref<125x128xf32, #tpu.memory_space<vmem>>, vector<1x16xf32>,
      %swap3A_39 = vector.shape_cast %swap3A_38 : vector<1x16xf32> to vector<16xf32>
      %swap3A_40 = vector.shape_cast %broadcast_in_dim3A_0 : vector<16xf32> to vector<1x16xf32>
      tpu.vector_store %arg8[%swap3A_36, %swap3A_37], %swap3A_40 {strides = array<i32>} : memref<125x128xf32, #tpu.memory_space<vmem>>, vector<1x16xf32>,
      %swap3A_41 = arith.index_cast %add3A_31 : i32 to index
      %swap3A_42 = arith.constant 32 : index
      %swap3A_43 = tpu.vector_load %arg8[%swap3A_41, %swap3A_42] {strides = array<i32>} : memref<125x128xf32, #tpu.memory_space<vmem>>, vector<1x16xf32>,
      %swap3A_44 = vector.shape_cast %swap3A_43 : vector<1x16xf32> to vector<16xf32>
      %swap3A_45 = vector.shape_cast %broadcast_in_dim3A_0 : vector<16xf32> to vector<1x16xf32>
      tpu.vector_store %arg8[%swap3A_41, %swap3A_42], %swap3A_45 {strides = array<i32>} : memref<125x128xf32, #tpu.memory_space<vmem>>, vector<1x16xf32>,
      %swap3A_46 = arith.index_cast %add3A_31 : i32 to index
      %swap3A_47 = arith.constant 48 : index
      %swap3A_48 = tpu.vector_load %arg8[%swap3A_46, %swap3A_47] {strides = array<i32>} : memref<125x128xf32, #tpu.memory_space<vmem>>, vector<1x16xf32>,
      %swap3A_49 = vector.shape_cast %swap3A_48 : vector<1x16xf32> to vector<16xf32>
      %swap3A_50 = vector.shape_cast %broadcast_in_dim3A_0 : vector<16xf32> to vector<1x16xf32>
      tpu.vector_store %arg8[%swap3A_46, %swap3A_47], %swap3A_50 {strides = array<i32>} : memref<125x128xf32, #tpu.memory_space<vmem>>, vector<1x16xf32>,
      %swap3A_51 = arith.index_cast %add3A_31 : i32 to index
      %swap3A_52 = arith.constant 64 : index
      %swap3A_53 = tpu.vector_load %arg8[%swap3A_51, %swap3A_52] {strides = array<i32>} : memref<125x128xf32, #tpu.memory_space<vmem>>, vector<1x16xf32>,
      %swap3A_54 = vector.shape_cast %swap3A_53 : vector<1x16xf32> to vector<16xf32>
      %swap3A_55 = vector.shape_cast %broadcast_in_dim3A_0 : vector<16xf32> to vector<1x16xf32>
      tpu.vector_store %arg8[%swap3A_51, %swap3A_52], %swap3A_55 {strides = array<i32>} : memref<125x128xf32, #tpu.memory_space<vmem>>, vector<1x16xf32>,
      %swap3A_56 = arith.index_cast %add3A_31 : i32 to index
      %swap3A_57 = arith.constant 80 : index
      %swap3A_58 = tpu.vector_load %arg8[%swap3A_56, %swap3A_57] {strides = array<i32>} : memref<125x128xf32, #tpu.memory_space<vmem>>, vector<1x16xf32>,
      %swap3A_59 = vector.shape_cast %swap3A_58 : vector<1x16xf32> to vector<16xf32>
      %swap3A_60 = vector.shape_cast %broadcast_in_dim3A_0 : vector<16xf32> to vector<1x16xf32>
      tpu.vector_store %arg8[%swap3A_56, %swap3A_57], %swap3A_60 {strides = array<i32>} : memref<125x128xf32, #tpu.memory_space<vmem>>, vector<1x16xf32>,
      %swap3A_61 = arith.index_cast %add3A_31 : i32 to index
      %swap3A_62 = arith.constant 96 : index
      %swap3A_63 = tpu.vector_load %arg8[%swap3A_61, %swap3A_62] {strides = array<i32>} : memref<125x128xf32, #tpu.memory_space<vmem>>, vector<1x16xf32>,
      %swap3A_64 = vector.shape_cast %swap3A_63 : vector<1x16xf32> to vector<16xf32>
      %swap3A_65 = vector.shape_cast %broadcast_in_dim3A_0 : vector<16xf32> to vector<1x16xf32>
      tpu.vector_store %arg8[%swap3A_61, %swap3A_62], %swap3A_65 {strides = array<i32>} : memref<125x128xf32, #tpu.memory_space<vmem>>, vector<1x16xf32>,
      %swap3A_66 = arith.index_cast %add3A_31 : i32 to index
      %swap3A_67 = arith.constant 112 : index
      %swap3A_68 = tpu.vector_load %arg8[%swap3A_66, %swap3A_67] {strides = array<i32>} : memref<125x128xf32, #tpu.memory_space<vmem>>, vector<1x16xf32>,
      %swap3A_69 = vector.shape_cast %swap3A_68 : vector<1x16xf32> to vector<16xf32>
      %swap3A_70 = vector.shape_cast %broadcast_in_dim3A_0 : vector<16xf32> to vector<1x16xf32>
      tpu.vector_store %arg8[%swap3A_66, %swap3A_67], %swap3A_70 {strides = array<i32>} : memref<125x128xf32, #tpu.memory_space<vmem>>, vector<1x16xf32>,
    }
    %scan3A_4 = arith.constant 125 : i32
    %scan3A_5 = arith.constant 0 : i32
    %scan3A_6 = arith.constant 5 : i32
    %scan3A_7 = arith.addi %scan3A_5, %scan3A_6 : i32
    %scan3A_8 = arith.constant 1 : i32
    scf.for %scan3A_27 = %scan3A_5 to %scan3A_7 step %scan3A_8  : i32 {
      %mul3A_28 = arith.constant 1 : i32
      %mul3A_29 = arith.muli %scan3A_27, %mul3A_28 : i32
      %add3A_30 = arith.constant 0 : i32
      %add3A_31 = arith.addi %add3A_30, %mul3A_29 : i32
      %mul3A_32 = arith.constant 640 : i32
      %mul3A_33 = arith.muli %arg1, %mul3A_32 : i32
      %mul3A_34 = arith.constant 120 : i32
      %mul3A_35 = arith.muli %add3A_31, %mul3A_34 : i32
      %add3A_36 = arith.addi %mul3A_33, %mul3A_35 : i32
      "tpu.region"() ({
        %run_scoped3A = tpu.sem_alloc : memref<!tpu.dma_semaphore, #tpu.memory_space<semaphore_mem>>
        %dma_start3A = arith.constant 0 : i32
        %dma_start3A_37 = arith.constant 0 : i32
        %dma_start3A_38 = tpu.memref_slice %arg8[%dma_start3A, %dma_start3A_37] : memref<125x128xf32, #tpu.memory_space<vmem>> -> memref<120x128xf32, #tpu.memory_space<vmem>>
        %dma_start3A_39 = arith.constant 0 : i32
        %dma_start3A_40 = tpu.memref_slice %arg10[%add3A_36, %dma_start3A_39] : memref<10240x128xf32, #tpu.memory_space<vmem_shared>> -> memref<120x128xf32, #tpu.memory_space<vmem_shared>>
        %dma_start3A_41 = arith.constant 0 : i32
        %dma_start3A_42 = tpu.memref_slice %arg10[%add3A_36, %dma_start3A_41] : memref<10240x128xf32, #tpu.memory_space<vmem_shared>> -> memref<120x128xf32, #tpu.memory_space<vmem_shared>>
        %dma_start3A_43 = arith.constant 0 : i32
        %dma_start3A_44 = arith.constant 0 : i32
        %dma_start3A_45 = tpu.memref_slice %arg8[%dma_start3A_43, %dma_start3A_44] : memref<125x128xf32, #tpu.memory_space<vmem>> -> memref<120x128xf32, #tpu.memory_space<vmem>>
        tpu.enqueue_dma source(%dma_start3A_45 : memref<120x128xf32, #tpu.memory_space<vmem>>) target(%dma_start3A_42 : memref<120x128xf32, #tpu.memory_space<vmem_shared>>) target_semaphore(%run_scoped3A : memref<!tpu.dma_semaphore, #tpu.memory_space<semaphore_mem>>)
        %dma_wait3A = arith.constant 0 : i32
        %dma_wait3A_46 = arith.constant 0 : i32
        %dma_wait3A_47 = tpu.memref_slice %arg8[%dma_wait3A, %dma_wait3A_46] : memref<125x128xf32, #tpu.memory_space<vmem>> -> memref<120x128xf32, #tpu.memory_space<vmem>>
        %dma_wait3A_48 = arith.constant 0 : i32
        %dma_wait3A_49 = tpu.memref_slice %arg10[%add3A_36, %dma_wait3A_48] : memref<10240x128xf32, #tpu.memory_space<vmem_shared>> -> memref<120x128xf32, #tpu.memory_space<vmem_shared>>
        %dma_wait3A_50 = arith.constant 0 : i32
        %dma_wait3A_51 = tpu.memref_slice %arg10[%add3A_36, %dma_wait3A_50] : memref<10240x128xf32, #tpu.memory_space<vmem_shared>> -> memref<120x128xf32, #tpu.memory_space<vmem_shared>>
        %dma_wait3A_52 = arith.constant 0 : i32
        %dma_wait3A_53 = arith.constant 0 : i32
        %dma_wait3A_54 = tpu.memref_slice %arg8[%dma_wait3A_52, %dma_wait3A_53] : memref<125x128xf32, #tpu.memory_space<vmem>> -> memref<120x128xf32, #tpu.memory_space<vmem>>
        tpu.wait_dma2 semaphore(%run_scoped3A : memref<!tpu.dma_semaphore, #tpu.memory_space<semaphore_mem>>) src(%dma_wait3A_54 : memref<120x128xf32, #tpu.memory_space<vmem>>) dst(%dma_wait3A_51 : memref<120x128xf32, #tpu.memory_space<vmem_shared>>)
        tpu.yield
      }) : () -> ()
    }
    %scan3A_9 = arith.constant 5 : i32
    %mul3A = arith.constant 640 : i32
    %mul3A_10 = arith.muli %arg1, %mul3A : i32
    %add3A = arith.constant 600 : i32
    %add3A_11 = arith.addi %mul3A_10, %add3A : i32
    "tpu.region"() ({
      %run_scoped3A = tpu.sem_alloc : memref<!tpu.dma_semaphore, #tpu.memory_space<semaphore_mem>>
      %dma_start3A = arith.constant 0 : i32
      %dma_start3A_27 = arith.constant 0 : i32
      %dma_start3A_28 = tpu.memref_slice %arg8[%dma_start3A, %dma_start3A_27] : memref<125x128xf32, #tpu.memory_space<vmem>> -> memref<40x128xf32, #tpu.memory_space<vmem>>
      %dma_start3A_29 = arith.constant 0 : i32
      %dma_start3A_30 = tpu.memref_slice %arg10[%add3A_11, %dma_start3A_29] : memref<10240x128xf32, #tpu.memory_space<vmem_shared>> -> memref<40x128xf32, #tpu.memory_space<vmem_shared>>
      %dma_start3A_31 = arith.constant 0 : i32
      %dma_start3A_32 = tpu.memref_slice %arg10[%add3A_11, %dma_start3A_31] : memref<10240x128xf32, #tpu.memory_space<vmem_shared>> -> memref<40x128xf32, #tpu.memory_space<vmem_shared>>
      %dma_start3A_33 = arith.constant 0 : i32
      %dma_start3A_34 = arith.constant 0 : i32
      %dma_start3A_35 = tpu.memref_slice %arg8[%dma_start3A_33, %dma_start3A_34] : memref<125x128xf32, #tpu.memory_space<vmem>> -> memref<40x128xf32, #tpu.memory_space<vmem>>
      tpu.enqueue_dma source(%dma_start3A_35 : memref<40x128xf32, #tpu.memory_space<vmem>>) target(%dma_start3A_32 : memref<40x128xf32, #tpu.memory_space<vmem_shared>>) target_semaphore(%run_scoped3A : memref<!tpu.dma_semaphore, #tpu.memory_space<semaphore_mem>>)
      %dma_wait3A = arith.constant 0 : i32
      %dma_wait3A_36 = arith.constant 0 : i32
      %dma_wait3A_37 = tpu.memref_slice %arg8[%dma_wait3A, %dma_wait3A_36] : memref<125x128xf32, #tpu.memory_space<vmem>> -> memref<40x128xf32, #tpu.memory_space<vmem>>
      %dma_wait3A_38 = arith.constant 0 : i32
      %dma_wait3A_39 = tpu.memref_slice %arg10[%add3A_11, %dma_wait3A_38] : memref<10240x128xf32, #tpu.memory_space<vmem_shared>> -> memref<40x128xf32, #tpu.memory_space<vmem_shared>>
      %dma_wait3A_40 = arith.constant 0 : i32
      %dma_wait3A_41 = tpu.memref_slice %arg10[%add3A_11, %dma_wait3A_40] : memref<10240x128xf32, #tpu.memory_space<vmem_shared>> -> memref<40x128xf32, #tpu.memory_space<vmem_shared>>
      %dma_wait3A_42 = arith.constant 0 : i32
      %dma_wait3A_43 = arith.constant 0 : i32
      %dma_wait3A_44 = tpu.memref_slice %arg8[%dma_wait3A_42, %dma_wait3A_43] : memref<125x128xf32, #tpu.memory_space<vmem>> -> memref<40x128xf32, #tpu.memory_space<vmem>>
      tpu.wait_dma2 semaphore(%run_scoped3A : memref<!tpu.dma_semaphore, #tpu.memory_space<semaphore_mem>>) src(%dma_wait3A_44 : memref<40x128xf32, #tpu.memory_space<vmem>>) dst(%dma_wait3A_41 : memref<40x128xf32, #tpu.memory_space<vmem_shared>>)
      tpu.yield
    }) : () -> ()
    %barrier3A = arith.constant 0 : index
    tpu.barrier barrier_id(%barrier3A)
    "tpu.region"() ({
      %run_scoped3A = tpu.sem_alloc : memref<!tpu.dma_semaphore, #tpu.memory_space<semaphore_mem>>
      %dma_start3A = arith.constant 0 : i32
      %dma_start3A_27 = arith.constant 0 : i32
      %dma_start3A_28 = tpu.memref_slice %arg3[%arg0, %arg1, %dma_start3A, %dma_start3A_27] : memref<2x16x80x125xi32, #tpu.memory_space<hbm>> -> memref<1x1x40x125xi32, #tpu.memory_space<hbm>>
      %dma_start3A_29 = tpu.memref_squeeze %dma_start3A_28 : memref<1x1x40x125xi32, #tpu.memory_space<hbm>> -> memref<40x125xi32, #tpu.memory_space<hbm>>
      %dma_start3A_30 = arith.constant 0 : i32
      %dma_start3A_31 = arith.constant 0 : i32
      %dma_start3A_32 = tpu.memref_slice %arg3[%arg0, %arg1, %dma_start3A_30, %dma_start3A_31] : memref<2x16x80x125xi32, #tpu.memory_space<hbm>> -> memref<1x1x40x125xi32, #tpu.memory_space<hbm>>
      %dma_start3A_33 = tpu.memref_squeeze %dma_start3A_32 : memref<1x1x40x125xi32, #tpu.memory_space<hbm>> -> memref<40x125xi32, #tpu.memory_space<hbm>>
      tpu.enqueue_dma source(%dma_start3A_33 : memref<40x125xi32, #tpu.memory_space<hbm>>) target(%arg6 : memref<40x125xi32, #tpu.memory_space<vmem>>) target_semaphore(%run_scoped3A : memref<!tpu.dma_semaphore, #tpu.memory_space<semaphore_mem>>)
      %dma_wait3A = arith.constant 0 : i32
      %dma_wait3A_34 = arith.constant 0 : i32
      %dma_wait3A_35 = tpu.memref_slice %arg3[%arg0, %arg1, %dma_wait3A, %dma_wait3A_34] : memref<2x16x80x125xi32, #tpu.memory_space<hbm>> -> memref<1x1x40x125xi32, #tpu.memory_space<hbm>>
      %dma_wait3A_36 = tpu.memref_squeeze %dma_wait3A_35 : memref<1x1x40x125xi32, #tpu.memory_space<hbm>> -> memref<40x125xi32, #tpu.memory_space<hbm>>
      %dma_wait3A_37 = arith.constant 0 : i32
      %dma_wait3A_38 = arith.constant 0 : i32
      %dma_wait3A_39 = tpu.memref_slice %arg3[%arg0, %arg1, %dma_wait3A_37, %dma_wait3A_38] : memref<2x16x80x125xi32, #tpu.memory_space<hbm>> -> memref<1x1x40x125xi32, #tpu.memory_space<hbm>>
      %dma_wait3A_40 = tpu.memref_squeeze %dma_wait3A_39 : memref<1x1x40x125xi32, #tpu.memory_space<hbm>> -> memref<40x125xi32, #tpu.memory_space<hbm>>
      tpu.wait_dma2 semaphore(%run_scoped3A : memref<!tpu.dma_semaphore, #tpu.memory_space<semaphore_mem>>) src(%dma_wait3A_40 : memref<40x125xi32, #tpu.memory_space<hbm>>) dst(%arg6 : memref<40x125xi32, #tpu.memory_space<vmem>>)
      tpu.yield
    }) : () -> ()
    "tpu.region"() ({
      %run_scoped3A = tpu.sem_alloc : memref<!tpu.dma_semaphore, #tpu.memory_space<semaphore_mem>>
      %dma_start3A = arith.constant 0 : i32
      %dma_start3A_27 = arith.constant 0 : i32
      %dma_start3A_28 = tpu.memref_slice %arg4[%arg1, %dma_start3A, %dma_start3A_27] : memref<16x80x125xi32, #tpu.memory_space<hbm>> -> memref<1x40x125xi32, #tpu.memory_space<hbm>>
      %dma_start3A_29 = tpu.memref_squeeze %dma_start3A_28 : memref<1x40x125xi32, #tpu.memory_space<hbm>> -> memref<40x125xi32, #tpu.memory_space<hbm>>
      %dma_start3A_30 = arith.constant 0 : i32
      %dma_start3A_31 = arith.constant 0 : i32
      %dma_start3A_32 = tpu.memref_slice %arg4[%arg1, %dma_start3A_30, %dma_start3A_31] : memref<16x80x125xi32, #tpu.memory_space<hbm>> -> memref<1x40x125xi32, #tpu.memory_space<hbm>>
      %dma_start3A_33 = tpu.memref_squeeze %dma_start3A_32 : memref<1x40x125xi32, #tpu.memory_space<hbm>> -> memref<40x125xi32, #tpu.memory_space<hbm>>
      tpu.enqueue_dma source(%dma_start3A_33 : memref<40x125xi32, #tpu.memory_space<hbm>>) target(%arg7 : memref<40x125xi32, #tpu.memory_space<vmem>>) target_semaphore(%run_scoped3A : memref<!tpu.dma_semaphore, #tpu.memory_space<semaphore_mem>>)
      %dma_wait3A = arith.constant 0 : i32
      %dma_wait3A_34 = arith.constant 0 : i32
      %dma_wait3A_35 = tpu.memref_slice %arg4[%arg1, %dma_wait3A, %dma_wait3A_34] : memref<16x80x125xi32, #tpu.memory_space<hbm>> -> memref<1x40x125xi32, #tpu.memory_space<hbm>>
      %dma_wait3A_36 = tpu.memref_squeeze %dma_wait3A_35 : memref<1x40x125xi32, #tpu.memory_space<hbm>> -> memref<40x125xi32, #tpu.memory_space<hbm>>
      %dma_wait3A_37 = arith.constant 0 : i32
      %dma_wait3A_38 = arith.constant 0 : i32
      %dma_wait3A_39 = tpu.memref_slice %arg4[%arg1, %dma_wait3A_37, %dma_wait3A_38] : memref<16x80x125xi32, #tpu.memory_space<hbm>> -> memref<1x40x125xi32, #tpu.memory_space<hbm>>
      %dma_wait3A_40 = tpu.memref_squeeze %dma_wait3A_39 : memref<1x40x125xi32, #tpu.memory_space<hbm>> -> memref<40x125xi32, #tpu.memory_space<hbm>>
      tpu.wait_dma2 semaphore(%run_scoped3A : memref<!tpu.dma_semaphore, #tpu.memory_space<semaphore_mem>>) src(%dma_wait3A_40 : memref<40x125xi32, #tpu.memory_space<hbm>>) dst(%arg7 : memref<40x125xi32, #tpu.memory_space<vmem>>)
      tpu.yield
    }) : () -> ()
    %scan3A_12 = arith.constant 0 : i32
    %scan3A_13 = arith.constant 5 : i32
    %scan3A_14 = arith.addi %scan3A_12, %scan3A_13 : i32
    %scan3A_15 = arith.constant 1 : i32
    scf.for %scan3A_27 = %scan3A_12 to %scan3A_14 step %scan3A_15  : i32 {
      %mul3A_28 = arith.constant 8 : i32
      %mul3A_29 = arith.muli %scan3A_27, %mul3A_28 : i32
      %add3A_30 = arith.constant 0 : i32
      %add3A_31 = arith.addi %add3A_30, %mul3A_29 : i32
      %dma_start3A = arith.constant 0 : i32
      %dma_start3A_32 = tpu.memref_slice %arg6[%add3A_31, %dma_start3A] : memref<40x125xi32, #tpu.memory_space<vmem>> -> memref<1x125xi32, #tpu.memory_space<vmem>>
      %dma_start3A_33 = tpu.memref_squeeze %dma_start3A_32 : memref<1x125xi32, #tpu.memory_space<vmem>> -> memref<125xi32, #tpu.memory_space<vmem>>
      %dma_start3A_34 = arith.constant 0 : i32
      %dma_start3A_35 = arith.constant 0 : i32
      %dma_start3A_36 = tpu.memref_slice %arg2[%dma_start3A_34, %dma_start3A_35] : memref<20000x128xf32, #tpu.memory_space<hbm>> -> memref<20000x128xf32, #tpu.memory_space<hbm>>
      tpu.enqueue_indirect_dma source(%dma_start3A_36 : memref<20000x128xf32, #tpu.memory_space<hbm>>) target(%arg8 : memref<125x128xf32, #tpu.memory_space<vmem>>) offsets(%dma_start3A_33 : memref<125xi32, #tpu.memory_space<vmem>>) semaphore(%arg11 : memref<!tpu.dma_semaphore, #tpu.memory_space<semaphore_mem>>)
      %add3A_37 = arith.constant 0 : i32
      %add3A_38 = arith.addi %add3A_31, %add3A_37 : i32
      %add3A_39 = arith.constant 1 : i32
      %add3A_40 = arith.addi %add3A_38, %add3A_39 : i32
      %dma_start3A_41 = arith.constant 0 : i32
      %dma_start3A_42 = tpu.memref_slice %arg6[%add3A_40, %dma_start3A_41] : memref<40x125xi32, #tpu.memory_space<vmem>> -> memref<1x125xi32, #tpu.memory_space<vmem>>
      %dma_start3A_43 = tpu.memref_squeeze %dma_start3A_42 : memref<1x125xi32, #tpu.memory_space<vmem>> -> memref<125xi32, #tpu.memory_space<vmem>>
      %dma_start3A_44 = arith.constant 0 : i32
      %dma_start3A_45 = arith.constant 0 : i32
      %dma_start3A_46 = tpu.memref_slice %arg2[%dma_start3A_44, %dma_start3A_45] : memref<20000x128xf32, #tpu.memory_space<hbm>> -> memref<20000x128xf32, #tpu.memory_space<hbm>>
      tpu.enqueue_indirect_dma source(%dma_start3A_46 : memref<20000x128xf32, #tpu.memory_space<hbm>>) target(%arg9 : memref<125x128xf32, #tpu.memory_space<vmem>>) offsets(%dma_start3A_43 : memref<125xi32, #tpu.memory_space<vmem>>) semaphore(%arg12 : memref<!tpu.dma_semaphore, #tpu.memory_space<semaphore_mem>>)
      %dma_wait3A = arith.constant 0 : i32
      %dma_wait3A_47 = tpu.memref_slice %arg6[%add3A_31, %dma_wait3A] : memref<40x125xi32, #tpu.memory_space<vmem>> -> memref<1x125xi32, #tpu.memory_space<vmem>>
      %dma_wait3A_48 = tpu.memref_squeeze %dma_wait3A_47 : memref<1x125xi32, #tpu.memory_space<vmem>> -> memref<125xi32, #tpu.memory_space<vmem>>
      %dma_wait3A_49 = arith.constant 0 : i32
      %dma_wait3A_50 = arith.constant 0 : i32
      %dma_wait3A_51 = tpu.memref_slice %arg2[%dma_wait3A_49, %dma_wait3A_50] : memref<20000x128xf32, #tpu.memory_space<hbm>> -> memref<20000x128xf32, #tpu.memory_space<hbm>>
      tpu.wait_indirect_dma semaphore(%arg11 : memref<!tpu.dma_semaphore, #tpu.memory_space<semaphore_mem>>) src(%dma_wait3A_51 : memref<20000x128xf32, #tpu.memory_space<hbm>>) dst(%arg8 : memref<125x128xf32, #tpu.memory_space<vmem>>)
      %add3A_52 = arith.constant 0 : i32
      %add3A_53 = arith.addi %add3A_31, %add3A_52 : i32
      "tpu.region"() ({
        %run_scoped3A = tpu.sem_alloc : memref<!tpu.dma_semaphore, #tpu.memory_space<semaphore_mem>>
        %dma_start3A_170 = arith.constant 0 : i32
        %dma_start3A_171 = tpu.memref_slice %arg7[%add3A_53, %dma_start3A_170] : memref<40x125xi32, #tpu.memory_space<vmem>> -> memref<1x125xi32, #tpu.memory_space<vmem>>
        %dma_start3A_172 = tpu.memref_squeeze %dma_start3A_171 : memref<1x125xi32, #tpu.memory_space<vmem>> -> memref<125xi32, #tpu.memory_space<vmem>>
        %dma_start3A_173 = arith.constant 0 : i32
        %dma_start3A_174 = arith.constant 0 : i32
        %dma_start3A_175 = tpu.memref_slice %arg10[%dma_start3A_173, %dma_start3A_174] : memref<10240x128xf32, #tpu.memory_space<vmem_shared>> -> memref<10240x128xf32, #tpu.memory_space<vmem_shared>>
        tpu.enqueue_indirect_dma source(%arg8 : memref<125x128xf32, #tpu.memory_space<vmem>>) target(%dma_start3A_175 : memref<10240x128xf32, #tpu.memory_space<vmem_shared>>) offsets(%dma_start3A_172 : memref<125xi32, #tpu.memory_space<vmem>>) semaphore(%run_scoped3A : memref<!tpu.dma_semaphore, #tpu.memory_space<semaphore_mem>>) {add = true}
        %dma_wait3A_176 = arith.constant 0 : i32
        %dma_wait3A_177 = tpu.memref_slice %arg7[%add3A_53, %dma_wait3A_176] : memref<40x125xi32, #tpu.memory_space<vmem>> -> memref<1x125xi32, #tpu.memory_space<vmem>>
        %dma_wait3A_178 = tpu.memref_squeeze %dma_wait3A_177 : memref<1x125xi32, #tpu.memory_space<vmem>> -> memref<125xi32, #tpu.memory_space<vmem>>
        %dma_wait3A_179 = arith.constant 0 : i32
        %dma_wait3A_180 = arith.constant 0 : i32
        %dma_wait3A_181 = tpu.memref_slice %arg10[%dma_wait3A_179, %dma_wait3A_180] : memref<10240x128xf32, #tpu.memory_space<vmem_shared>> -> memref<10240x128xf32, #tpu.memory_space<vmem_shared>>
        tpu.wait_indirect_dma semaphore(%run_scoped3A : memref<!tpu.dma_semaphore, #tpu.memory_space<semaphore_mem>>) src(%arg8 : memref<125x128xf32, #tpu.memory_space<vmem>>) dst(%dma_wait3A_181 : memref<10240x128xf32, #tpu.memory_space<vmem_shared>>)
        tpu.yield
      }) : () -> ()
      %add3A_54 = arith.constant 1 : i32
      %add3A_55 = arith.addi %add3A_31, %add3A_54 : i32
      %add3A_56 = arith.constant 1 : i32
      %add3A_57 = arith.addi %add3A_55, %add3A_56 : i32
      %dma_start3A_58 = arith.constant 0 : i32
      %dma_start3A_59 = tpu.memref_slice %arg6[%add3A_57, %dma_start3A_58] : memref<40x125xi32, #tpu.memory_space<vmem>> -> memref<1x125xi32, #tpu.memory_space<vmem>>
      %dma_start3A_60 = tpu.memref_squeeze %dma_start3A_59 : memref<1x125xi32, #tpu.memory_space<vmem>> -> memref<125xi32, #tpu.memory_space<vmem>>
      %dma_start3A_61 = arith.constant 0 : i32
      %dma_start3A_62 = arith.constant 0 : i32
      %dma_start3A_63 = tpu.memref_slice %arg2[%dma_start3A_61, %dma_start3A_62] : memref<20000x128xf32, #tpu.memory_space<hbm>> -> memref<20000x128xf32, #tpu.memory_space<hbm>>
      tpu.enqueue_indirect_dma source(%dma_start3A_63 : memref<20000x128xf32, #tpu.memory_space<hbm>>) target(%arg8 : memref<125x128xf32, #tpu.memory_space<vmem>>) offsets(%dma_start3A_60 : memref<125xi32, #tpu.memory_space<vmem>>) semaphore(%arg11 : memref<!tpu.dma_semaphore, #tpu.memory_space<semaphore_mem>>)
      %dma_wait3A_64 = arith.constant 0 : i32
      %dma_wait3A_65 = tpu.memref_slice %arg6[%add3A_40, %dma_wait3A_64] : memref<40x125xi32, #tpu.memory_space<vmem>> -> memref<1x125xi32, #tpu.memory_space<vmem>>
      %dma_wait3A_66 = tpu.memref_squeeze %dma_wait3A_65 : memref<1x125xi32, #tpu.memory_space<vmem>> -> memref<125xi32, #tpu.memory_space<vmem>>
      %dma_wait3A_67 = arith.constant 0 : i32
      %dma_wait3A_68 = arith.constant 0 : i32
      %dma_wait3A_69 = tpu.memref_slice %arg2[%dma_wait3A_67, %dma_wait3A_68] : memref<20000x128xf32, #tpu.memory_space<hbm>> -> memref<20000x128xf32, #tpu.memory_space<hbm>>
      tpu.wait_indirect_dma semaphore(%arg12 : memref<!tpu.dma_semaphore, #tpu.memory_space<semaphore_mem>>) src(%dma_wait3A_69 : memref<20000x128xf32, #tpu.memory_space<hbm>>) dst(%arg9 : memref<125x128xf32, #tpu.memory_space<vmem>>)
      %add3A_70 = arith.constant 1 : i32
      %add3A_71 = arith.addi %add3A_31, %add3A_70 : i32
      "tpu.region"() ({
        %run_scoped3A = tpu.sem_alloc : memref<!tpu.dma_semaphore, #tpu.memory_space<semaphore_mem>>
        %dma_start3A_170 = arith.constant 0 : i32
        %dma_start3A_171 = tpu.memref_slice %arg7[%add3A_71, %dma_start3A_170] : memref<40x125xi32, #tpu.memory_space<vmem>> -> memref<1x125xi32, #tpu.memory_space<vmem>>
        %dma_start3A_172 = tpu.memref_squeeze %dma_start3A_171 : memref<1x125xi32, #tpu.memory_space<vmem>> -> memref<125xi32, #tpu.memory_space<vmem>>
        %dma_start3A_173 = arith.constant 0 : i32
        %dma_start3A_174 = arith.constant 0 : i32
        %dma_start3A_175 = tpu.memref_slice %arg10[%dma_start3A_173, %dma_start3A_174] : memref<10240x128xf32, #tpu.memory_space<vmem_shared>> -> memref<10240x128xf32, #tpu.memory_space<vmem_shared>>
        tpu.enqueue_indirect_dma source(%arg9 : memref<125x128xf32, #tpu.memory_space<vmem>>) target(%dma_start3A_175 : memref<10240x128xf32, #tpu.memory_space<vmem_shared>>) offsets(%dma_start3A_172 : memref<125xi32, #tpu.memory_space<vmem>>) semaphore(%run_scoped3A : memref<!tpu.dma_semaphore, #tpu.memory_space<semaphore_mem>>) {add = true}
        %dma_wait3A_176 = arith.constant 0 : i32
        %dma_wait3A_177 = tpu.memref_slice %arg7[%add3A_71, %dma_wait3A_176] : memref<40x125xi32, #tpu.memory_space<vmem>> -> memref<1x125xi32, #tpu.memory_space<vmem>>
        %dma_wait3A_178 = tpu.memref_squeeze %dma_wait3A_177 : memref<1x125xi32, #tpu.memory_space<vmem>> -> memref<125xi32, #tpu.memory_space<vmem>>
        %dma_wait3A_179 = arith.constant 0 : i32
        %dma_wait3A_180 = arith.constant 0 : i32
        %dma_wait3A_181 = tpu.memref_slice %arg10[%dma_wait3A_179, %dma_wait3A_180] : memref<10240x128xf32, #tpu.memory_space<vmem_shared>> -> memref<10240x128xf32, #tpu.memory_space<vmem_shared>>
        tpu.wait_indirect_dma semaphore(%run_scoped3A : memref<!tpu.dma_semaphore, #tpu.memory_space<semaphore_mem>>) src(%arg9 : memref<125x128xf32, #tpu.memory_space<vmem>>) dst(%dma_wait3A_181 : memref<10240x128xf32, #tpu.memory_space<vmem_shared>>)
        tpu.yield
      }) : () -> ()
      %add3A_72 = arith.constant 2 : i32
      %add3A_73 = arith.addi %add3A_31, %add3A_72 : i32
      %add3A_74 = arith.constant 1 : i32
      %add3A_75 = arith.addi %add3A_73, %add3A_74 : i32
      %dma_start3A_76 = arith.constant 0 : i32
      %dma_start3A_77 = tpu.memref_slice %arg6[%add3A_75, %dma_start3A_76] : memref<40x125xi32, #tpu.memory_space<vmem>> -> memref<1x125xi32, #tpu.memory_space<vmem>>
      %dma_start3A_78 = tpu.memref_squeeze %dma_start3A_77 : memref<1x125xi32, #tpu.memory_space<vmem>> -> memref<125xi32, #tpu.memory_space<vmem>>
      %dma_start3A_79 = arith.constant 0 : i32
      %dma_start3A_80 = arith.constant 0 : i32
      %dma_start3A_81 = tpu.memref_slice %arg2[%dma_start3A_79, %dma_start3A_80] : memref<20000x128xf32, #tpu.memory_space<hbm>> -> memref<20000x128xf32, #tpu.memory_space<hbm>>
      tpu.enqueue_indirect_dma source(%dma_start3A_81 : memref<20000x128xf32, #tpu.memory_space<hbm>>) target(%arg9 : memref<125x128xf32, #tpu.memory_space<vmem>>) offsets(%dma_start3A_78 : memref<125xi32, #tpu.memory_space<vmem>>) semaphore(%arg12 : memref<!tpu.dma_semaphore, #tpu.memory_space<semaphore_mem>>)
      %dma_wait3A_82 = arith.constant 0 : i32
      %dma_wait3A_83 = tpu.memref_slice %arg6[%add3A_57, %dma_wait3A_82] : memref<40x125xi32, #tpu.memory_space<vmem>> -> memref<1x125xi32, #tpu.memory_space<vmem>>
      %dma_wait3A_84 = tpu.memref_squeeze %dma_wait3A_83 : memref<1x125xi32, #tpu.memory_space<vmem>> -> memref<125xi32, #tpu.memory_space<vmem>>
      %dma_wait3A_85 = arith.constant 0 : i32
      %dma_wait3A_86 = arith.constant 0 : i32
      %dma_wait3A_87 = tpu.memref_slice %arg2[%dma_wait3A_85, %dma_wait3A_86] : memref<20000x128xf32, #tpu.memory_space<hbm>> -> memref<20000x128xf32, #tpu.memory_space<hbm>>
      tpu.wait_indirect_dma semaphore(%arg11 : memref<!tpu.dma_semaphore, #tpu.memory_space<semaphore_mem>>) src(%dma_wait3A_87 : memref<20000x128xf32, #tpu.memory_space<hbm>>) dst(%arg8 : memref<125x128xf32, #tpu.memory_space<vmem>>)
      %add3A_88 = arith.constant 2 : i32
      %add3A_89 = arith.addi %add3A_31, %add3A_88 : i32
      "tpu.region"() ({
        %run_scoped3A = tpu.sem_alloc : memref<!tpu.dma_semaphore, #tpu.memory_space<semaphore_mem>>
        %dma_start3A_170 = arith.constant 0 : i32
        %dma_start3A_171 = tpu.memref_slice %arg7[%add3A_89, %dma_start3A_170] : memref<40x125xi32, #tpu.memory_space<vmem>> -> memref<1x125xi32, #tpu.memory_space<vmem>>
        %dma_start3A_172 = tpu.memref_squeeze %dma_start3A_171 : memref<1x125xi32, #tpu.memory_space<vmem>> -> memref<125xi32, #tpu.memory_space<vmem>>
        %dma_start3A_173 = arith.constant 0 : i32
        %dma_start3A_174 = arith.constant 0 : i32
        %dma_start3A_175 = tpu.memref_slice %arg10[%dma_start3A_173, %dma_start3A_174] : memref<10240x128xf32, #tpu.memory_space<vmem_shared>> -> memref<10240x128xf32, #tpu.memory_space<vmem_shared>>
        tpu.enqueue_indirect_dma source(%arg8 : memref<125x128xf32, #tpu.memory_space<vmem>>) target(%dma_start3A_175 : memref<10240x128xf32, #tpu.memory_space<vmem_shared>>) offsets(%dma_start3A_172 : memref<125xi32, #tpu.memory_space<vmem>>) semaphore(%run_scoped3A : memref<!tpu.dma_semaphore, #tpu.memory_space<semaphore_mem>>) {add = true}
        %dma_wait3A_176 = arith.constant 0 : i32
        %dma_wait3A_177 = tpu.memref_slice %arg7[%add3A_89, %dma_wait3A_176] : memref<40x125xi32, #tpu.memory_space<vmem>> -> memref<1x125xi32, #tpu.memory_space<vmem>>
        %dma_wait3A_178 = tpu.memref_squeeze %dma_wait3A_177 : memref<1x125xi32, #tpu.memory_space<vmem>> -> memref<125xi32, #tpu.memory_space<vmem>>
        %dma_wait3A_179 = arith.constant 0 : i32
        %dma_wait3A_180 = arith.constant 0 : i32
        %dma_wait3A_181 = tpu.memref_slice %arg10[%dma_wait3A_179, %dma_wait3A_180] : memref<10240x128xf32, #tpu.memory_space<vmem_shared>> -> memref<10240x128xf32, #tpu.memory_space<vmem_shared>>
        tpu.wait_indirect_dma semaphore(%run_scoped3A : memref<!tpu.dma_semaphore, #tpu.memory_space<semaphore_mem>>) src(%arg8 : memref<125x128xf32, #tpu.memory_space<vmem>>) dst(%dma_wait3A_181 : memref<10240x128xf32, #tpu.memory_space<vmem_shared>>)
        tpu.yield
      }) : () -> ()
      %add3A_90 = arith.constant 3 : i32
      %add3A_91 = arith.addi %add3A_31, %add3A_90 : i32
      %add3A_92 = arith.constant 1 : i32
      %add3A_93 = arith.addi %add3A_91, %add3A_92 : i32
      %dma_start3A_94 = arith.constant 0 : i32
      %dma_start3A_95 = tpu.memref_slice %arg6[%add3A_93, %dma_start3A_94] : memref<40x125xi32, #tpu.memory_space<vmem>> -> memref<1x125xi32, #tpu.memory_space<vmem>>
      %dma_start3A_96 = tpu.memref_squeeze %dma_start3A_95 : memref<1x125xi32, #tpu.memory_space<vmem>> -> memref<125xi32, #tpu.memory_space<vmem>>
      %dma_start3A_97 = arith.constant 0 : i32
      %dma_start3A_98 = arith.constant 0 : i32
      %dma_start3A_99 = tpu.memref_slice %arg2[%dma_start3A_97, %dma_start3A_98] : memref<20000x128xf32, #tpu.memory_space<hbm>> -> memref<20000x128xf32, #tpu.memory_space<hbm>>
      tpu.enqueue_indirect_dma source(%dma_start3A_99 : memref<20000x128xf32, #tpu.memory_space<hbm>>) target(%arg8 : memref<125x128xf32, #tpu.memory_space<vmem>>) offsets(%dma_start3A_96 : memref<125xi32, #tpu.memory_space<vmem>>) semaphore(%arg11 : memref<!tpu.dma_semaphore, #tpu.memory_space<semaphore_mem>>)
      %dma_wait3A_100 = arith.constant 0 : i32
      %dma_wait3A_101 = tpu.memref_slice %arg6[%add3A_75, %dma_wait3A_100] : memref<40x125xi32, #tpu.memory_space<vmem>> -> memref<1x125xi32, #tpu.memory_space<vmem>>
      %dma_wait3A_102 = tpu.memref_squeeze %dma_wait3A_101 : memref<1x125xi32, #tpu.memory_space<vmem>> -> memref<125xi32, #tpu.memory_space<vmem>>
      %dma_wait3A_103 = arith.constant 0 : i32
      %dma_wait3A_104 = arith.constant 0 : i32
      %dma_wait3A_105 = tpu.memref_slice %arg2[%dma_wait3A_103, %dma_wait3A_104] : memref<20000x128xf32, #tpu.memory_space<hbm>> -> memref<20000x128xf32, #tpu.memory_space<hbm>>
      tpu.wait_indirect_dma semaphore(%arg12 : memref<!tpu.dma_semaphore, #tpu.memory_space<semaphore_mem>>) src(%dma_wait3A_105 : memref<20000x128xf32, #tpu.memory_space<hbm>>) dst(%arg9 : memref<125x128xf32, #tpu.memory_space<vmem>>)
      %add3A_106 = arith.constant 3 : i32
      %add3A_107 = arith.addi %add3A_31, %add3A_106 : i32
      "tpu.region"() ({
        %run_scoped3A = tpu.sem_alloc : memref<!tpu.dma_semaphore, #tpu.memory_space<semaphore_mem>>
        %dma_start3A_170 = arith.constant 0 : i32
        %dma_start3A_171 = tpu.memref_slice %arg7[%add3A_107, %dma_start3A_170] : memref<40x125xi32, #tpu.memory_space<vmem>> -> memref<1x125xi32, #tpu.memory_space<vmem>>
        %dma_start3A_172 = tpu.memref_squeeze %dma_start3A_171 : memref<1x125xi32, #tpu.memory_space<vmem>> -> memref<125xi32, #tpu.memory_space<vmem>>
        %dma_start3A_173 = arith.constant 0 : i32
        %dma_start3A_174 = arith.constant 0 : i32
        %dma_start3A_175 = tpu.memref_slice %arg10[%dma_start3A_173, %dma_start3A_174] : memref<10240x128xf32, #tpu.memory_space<vmem_shared>> -> memref<10240x128xf32, #tpu.memory_space<vmem_shared>>
        tpu.enqueue_indirect_dma source(%arg9 : memref<125x128xf32, #tpu.memory_space<vmem>>) target(%dma_start3A_175 : memref<10240x128xf32, #tpu.memory_space<vmem_shared>>) offsets(%dma_start3A_172 : memref<125xi32, #tpu.memory_space<vmem>>) semaphore(%run_scoped3A : memref<!tpu.dma_semaphore, #tpu.memory_space<semaphore_mem>>) {add = true}
        %dma_wait3A_176 = arith.constant 0 : i32
        %dma_wait3A_177 = tpu.memref_slice %arg7[%add3A_107, %dma_wait3A_176] : memref<40x125xi32, #tpu.memory_space<vmem>> -> memref<1x125xi32, #tpu.memory_space<vmem>>
        %dma_wait3A_178 = tpu.memref_squeeze %dma_wait3A_177 : memref<1x125xi32, #tpu.memory_space<vmem>> -> memref<125xi32, #tpu.memory_space<vmem>>
        %dma_wait3A_179 = arith.constant 0 : i32
        %dma_wait3A_180 = arith.constant 0 : i32
        %dma_wait3A_181 = tpu.memref_slice %arg10[%dma_wait3A_179, %dma_wait3A_180] : memref<10240x128xf32, #tpu.memory_space<vmem_shared>> -> memref<10240x128xf32, #tpu.memory_space<vmem_shared>>
        tpu.wait_indirect_dma semaphore(%run_scoped3A : memref<!tpu.dma_semaphore, #tpu.memory_space<semaphore_mem>>) src(%arg9 : memref<125x128xf32, #tpu.memory_space<vmem>>) dst(%dma_wait3A_181 : memref<10240x128xf32, #tpu.memory_space<vmem_shared>>)
        tpu.yield
      }) : () -> ()
      %add3A_108 = arith.constant 4 : i32
      %add3A_109 = arith.addi %add3A_31, %add3A_108 : i32
      %add3A_110 = arith.constant 1 : i32
      %add3A_111 = arith.addi %add3A_109, %add3A_110 : i32
      %dma_start3A_112 = arith.constant 0 : i32
      %dma_start3A_113 = tpu.memref_slice %arg6[%add3A_111, %dma_start3A_112] : memref<40x125xi32, #tpu.memory_space<vmem>> -> memref<1x125xi32, #tpu.memory_space<vmem>>
      %dma_start3A_114 = tpu.memref_squeeze %dma_start3A_113 : memref<1x125xi32, #tpu.memory_space<vmem>> -> memref<125xi32, #tpu.memory_space<vmem>>
      %dma_start3A_115 = arith.constant 0 : i32
      %dma_start3A_116 = arith.constant 0 : i32
      %dma_start3A_117 = tpu.memref_slice %arg2[%dma_start3A_115, %dma_start3A_116] : memref<20000x128xf32, #tpu.memory_space<hbm>> -> memref<20000x128xf32, #tpu.memory_space<hbm>>
      tpu.enqueue_indirect_dma source(%dma_start3A_117 : memref<20000x128xf32, #tpu.memory_space<hbm>>) target(%arg9 : memref<125x128xf32, #tpu.memory_space<vmem>>) offsets(%dma_start3A_114 : memref<125xi32, #tpu.memory_space<vmem>>) semaphore(%arg12 : memref<!tpu.dma_semaphore, #tpu.memory_space<semaphore_mem>>)
      %dma_wait3A_118 = arith.constant 0 : i32
      %dma_wait3A_119 = tpu.memref_slice %arg6[%add3A_93, %dma_wait3A_118] : memref<40x125xi32, #tpu.memory_space<vmem>> -> memref<1x125xi32, #tpu.memory_space<vmem>>
      %dma_wait3A_120 = tpu.memref_squeeze %dma_wait3A_119 : memref<1x125xi32, #tpu.memory_space<vmem>> -> memref<125xi32, #tpu.memory_space<vmem>>
      %dma_wait3A_121 = arith.constant 0 : i32
      %dma_wait3A_122 = arith.constant 0 : i32
      %dma_wait3A_123 = tpu.memref_slice %arg2[%dma_wait3A_121, %dma_wait3A_122] : memref<20000x128xf32, #tpu.memory_space<hbm>> -> memref<20000x128xf32, #tpu.memory_space<hbm>>
      tpu.wait_indirect_dma semaphore(%arg11 : memref<!tpu.dma_semaphore, #tpu.memory_space<semaphore_mem>>) src(%dma_wait3A_123 : memref<20000x128xf32, #tpu.memory_space<hbm>>) dst(%arg8 : memref<125x128xf32, #tpu.memory_space<vmem>>)
      %add3A_124 = arith.constant 4 : i32
      %add3A_125 = arith.addi %add3A_31, %add3A_124 : i32
      "tpu.region"() ({
        %run_scoped3A = tpu.sem_alloc : memref<!tpu.dma_semaphore, #tpu.memory_space<semaphore_mem>>
        %dma_start3A_170 = arith.constant 0 : i32
        %dma_start3A_171 = tpu.memref_slice %arg7[%add3A_125, %dma_start3A_170] : memref<40x125xi32, #tpu.memory_space<vmem>> -> memref<1x125xi32, #tpu.memory_space<vmem>>
        %dma_start3A_172 = tpu.memref_squeeze %dma_start3A_171 : memref<1x125xi32, #tpu.memory_space<vmem>> -> memref<125xi32, #tpu.memory_space<vmem>>
        %dma_start3A_173 = arith.constant 0 : i32
        %dma_start3A_174 = arith.constant 0 : i32
        %dma_start3A_175 = tpu.memref_slice %arg10[%dma_start3A_173, %dma_start3A_174] : memref<10240x128xf32, #tpu.memory_space<vmem_shared>> -> memref<10240x128xf32, #tpu.memory_space<vmem_shared>>
        tpu.enqueue_indirect_dma source(%arg8 : memref<125x128xf32, #tpu.memory_space<vmem>>) target(%dma_start3A_175 : memref<10240x128xf32, #tpu.memory_space<vmem_shared>>) offsets(%dma_start3A_172 : memref<125xi32, #tpu.memory_space<vmem>>) semaphore(%run_scoped3A : memref<!tpu.dma_semaphore, #tpu.memory_space<semaphore_mem>>) {add = true}
        %dma_wait3A_176 = arith.constant 0 : i32
        %dma_wait3A_177 = tpu.memref_slice %arg7[%add3A_125, %dma_wait3A_176] : memref<40x125xi32, #tpu.memory_space<vmem>> -> memref<1x125xi32, #tpu.memory_space<vmem>>
        %dma_wait3A_178 = tpu.memref_squeeze %dma_wait3A_177 : memref<1x125xi32, #tpu.memory_space<vmem>> -> memref<125xi32, #tpu.memory_space<vmem>>
        %dma_wait3A_179 = arith.constant 0 : i32
        %dma_wait3A_180 = arith.constant 0 : i32
        %dma_wait3A_181 = tpu.memref_slice %arg10[%dma_wait3A_179, %dma_wait3A_180] : memref<10240x128xf32, #tpu.memory_space<vmem_shared>> -> memref<10240x128xf32, #tpu.memory_space<vmem_shared>>
        tpu.wait_indirect_dma semaphore(%run_scoped3A : memref<!tpu.dma_semaphore, #tpu.memory_space<semaphore_mem>>) src(%arg8 : memref<125x128xf32, #tpu.memory_space<vmem>>) dst(%dma_wait3A_181 : memref<10240x128xf32, #tpu.memory_space<vmem_shared>>)
        tpu.yield
      }) : () -> ()
      %add3A_126 = arith.constant 5 : i32
      %add3A_127 = arith.addi %add3A_31, %add3A_126 : i32
      %add3A_128 = arith.constant 1 : i32
      %add3A_129 = arith.addi %add3A_127, %add3A_128 : i32
      %dma_start3A_130 = arith.constant 0 : i32
      %dma_start3A_131 = tpu.memref_slice %arg6[%add3A_129, %dma_start3A_130] : memref<40x125xi32, #tpu.memory_space<vmem>> -> memref<1x125xi32, #tpu.memory_space<vmem>>
      %dma_start3A_132 = tpu.memref_squeeze %dma_start3A_131 : memref<1x125xi32, #tpu.memory_space<vmem>> -> memref<125xi32, #tpu.memory_space<vmem>>
      %dma_start3A_133 = arith.constant 0 : i32
      %dma_start3A_134 = arith.constant 0 : i32
      %dma_start3A_135 = tpu.memref_slice %arg2[%dma_start3A_133, %dma_start3A_134] : memref<20000x128xf32, #tpu.memory_space<hbm>> -> memref<20000x128xf32, #tpu.memory_space<hbm>>
      tpu.enqueue_indirect_dma source(%dma_start3A_135 : memref<20000x128xf32, #tpu.memory_space<hbm>>) target(%arg8 : memref<125x128xf32, #tpu.memory_space<vmem>>) offsets(%dma_start3A_132 : memref<125xi32, #tpu.memory_space<vmem>>) semaphore(%arg11 : memref<!tpu.dma_semaphore, #tpu.memory_space<semaphore_mem>>)
      %dma_wait3A_136 = arith.constant 0 : i32
      %dma_wait3A_137 = tpu.memref_slice %arg6[%add3A_111, %dma_wait3A_136] : memref<40x125xi32, #tpu.memory_space<vmem>> -> memref<1x125xi32, #tpu.memory_space<vmem>>
      %dma_wait3A_138 = tpu.memref_squeeze %dma_wait3A_137 : memref<1x125xi32, #tpu.memory_space<vmem>> -> memref<125xi32, #tpu.memory_space<vmem>>
      %dma_wait3A_139 = arith.constant 0 : i32
      %dma_wait3A_140 = arith.constant 0 : i32
      %dma_wait3A_141 = tpu.memref_slice %arg2[%dma_wait3A_139, %dma_wait3A_140] : memref<20000x128xf32, #tpu.memory_space<hbm>> -> memref<20000x128xf32, #tpu.memory_space<hbm>>
      tpu.wait_indirect_dma semaphore(%arg12 : memref<!tpu.dma_semaphore, #tpu.memory_space<semaphore_mem>>) src(%dma_wait3A_141 : memref<20000x128xf32, #tpu.memory_space<hbm>>) dst(%arg9 : memref<125x128xf32, #tpu.memory_space<vmem>>)
      %add3A_142 = arith.constant 5 : i32
      %add3A_143 = arith.addi %add3A_31, %add3A_142 : i32
      "tpu.region"() ({
        %run_scoped3A = tpu.sem_alloc : memref<!tpu.dma_semaphore, #tpu.memory_space<semaphore_mem>>
        %dma_start3A_170 = arith.constant 0 : i32
        %dma_start3A_171 = tpu.memref_slice %arg7[%add3A_143, %dma_start3A_170] : memref<40x125xi32, #tpu.memory_space<vmem>> -> memref<1x125xi32, #tpu.memory_space<vmem>>
        %dma_start3A_172 = tpu.memref_squeeze %dma_start3A_171 : memref<1x125xi32, #tpu.memory_space<vmem>> -> memref<125xi32, #tpu.memory_space<vmem>>
        %dma_start3A_173 = arith.constant 0 : i32
        %dma_start3A_174 = arith.constant 0 : i32
        %dma_start3A_175 = tpu.memref_slice %arg10[%dma_start3A_173, %dma_start3A_174] : memref<10240x128xf32, #tpu.memory_space<vmem_shared>> -> memref<10240x128xf32, #tpu.memory_space<vmem_shared>>
        tpu.enqueue_indirect_dma source(%arg9 : memref<125x128xf32, #tpu.memory_space<vmem>>) target(%dma_start3A_175 : memref<10240x128xf32, #tpu.memory_space<vmem_shared>>) offsets(%dma_start3A_172 : memref<125xi32, #tpu.memory_space<vmem>>) semaphore(%run_scoped3A : memref<!tpu.dma_semaphore, #tpu.memory_space<semaphore_mem>>) {add = true}
        %dma_wait3A_176 = arith.constant 0 : i32
        %dma_wait3A_177 = tpu.memref_slice %arg7[%add3A_143, %dma_wait3A_176] : memref<40x125xi32, #tpu.memory_space<vmem>> -> memref<1x125xi32, #tpu.memory_space<vmem>>
        %dma_wait3A_178 = tpu.memref_squeeze %dma_wait3A_177 : memref<1x125xi32, #tpu.memory_space<vmem>> -> memref<125xi32, #tpu.memory_space<vmem>>
        %dma_wait3A_179 = arith.constant 0 : i32
        %dma_wait3A_180 = arith.constant 0 : i32
        %dma_wait3A_181 = tpu.memref_slice %arg10[%dma_wait3A_179, %dma_wait3A_180] : memref<10240x128xf32, #tpu.memory_space<vmem_shared>> -> memref<10240x128xf32, #tpu.memory_space<vmem_shared>>
        tpu.wait_indirect_dma semaphore(%run_scoped3A : memref<!tpu.dma_semaphore, #tpu.memory_space<semaphore_mem>>) src(%arg9 : memref<125x128xf32, #tpu.memory_space<vmem>>) dst(%dma_wait3A_181 : memref<10240x128xf32, #tpu.memory_space<vmem_shared>>)
        tpu.yield
      }) : () -> ()
      %add3A_144 = arith.constant 6 : i32
      %add3A_145 = arith.addi %add3A_31, %add3A_144 : i32
      %add3A_146 = arith.constant 1 : i32
      %add3A_147 = arith.addi %add3A_145, %add3A_146 : i32
      %dma_start3A_148 = arith.constant 0 : i32
      %dma_start3A_149 = tpu.memref_slice %arg6[%add3A_147, %dma_start3A_148] : memref<40x125xi32, #tpu.memory_space<vmem>> -> memref<1x125xi32, #tpu.memory_space<vmem>>
      %dma_start3A_150 = tpu.memref_squeeze %dma_start3A_149 : memref<1x125xi32, #tpu.memory_space<vmem>> -> memref<125xi32, #tpu.memory_space<vmem>>
      %dma_start3A_151 = arith.constant 0 : i32
      %dma_start3A_152 = arith.constant 0 : i32
      %dma_start3A_153 = tpu.memref_slice %arg2[%dma_start3A_151, %dma_start3A_152] : memref<20000x128xf32, #tpu.memory_space<hbm>> -> memref<20000x128xf32, #tpu.memory_space<hbm>>
      tpu.enqueue_indirect_dma source(%dma_start3A_153 : memref<20000x128xf32, #tpu.memory_space<hbm>>) target(%arg9 : memref<125x128xf32, #tpu.memory_space<vmem>>) offsets(%dma_start3A_150 : memref<125xi32, #tpu.memory_space<vmem>>) semaphore(%arg12 : memref<!tpu.dma_semaphore, #tpu.memory_space<semaphore_mem>>)
      %dma_wait3A_154 = arith.constant 0 : i32
      %dma_wait3A_155 = tpu.memref_slice %arg6[%add3A_129, %dma_wait3A_154] : memref<40x125xi32, #tpu.memory_space<vmem>> -> memref<1x125xi32, #tpu.memory_space<vmem>>
      %dma_wait3A_156 = tpu.memref_squeeze %dma_wait3A_155 : memref<1x125xi32, #tpu.memory_space<vmem>> -> memref<125xi32, #tpu.memory_space<vmem>>
      %dma_wait3A_157 = arith.constant 0 : i32
      %dma_wait3A_158 = arith.constant 0 : i32
      %dma_wait3A_159 = tpu.memref_slice %arg2[%dma_wait3A_157, %dma_wait3A_158] : memref<20000x128xf32, #tpu.memory_space<hbm>> -> memref<20000x128xf32, #tpu.memory_space<hbm>>
      tpu.wait_indirect_dma semaphore(%arg11 : memref<!tpu.dma_semaphore, #tpu.memory_space<semaphore_mem>>) src(%dma_wait3A_159 : memref<20000x128xf32, #tpu.memory_space<hbm>>) dst(%arg8 : memref<125x128xf32, #tpu.memory_space<vmem>>)
      %add3A_160 = arith.constant 6 : i32
      %add3A_161 = arith.addi %add3A_31, %add3A_160 : i32
      "tpu.region"() ({
        %run_scoped3A = tpu.sem_alloc : memref<!tpu.dma_semaphore, #tpu.memory_space<semaphore_mem>>
        %dma_start3A_170 = arith.constant 0 : i32
        %dma_start3A_171 = tpu.memref_slice %arg7[%add3A_161, %dma_start3A_170] : memref<40x125xi32, #tpu.memory_space<vmem>> -> memref<1x125xi32, #tpu.memory_space<vmem>>
        %dma_start3A_172 = tpu.memref_squeeze %dma_start3A_171 : memref<1x125xi32, #tpu.memory_space<vmem>> -> memref<125xi32, #tpu.memory_space<vmem>>
        %dma_start3A_173 = arith.constant 0 : i32
        %dma_start3A_174 = arith.constant 0 : i32
        %dma_start3A_175 = tpu.memref_slice %arg10[%dma_start3A_173, %dma_start3A_174] : memref<10240x128xf32, #tpu.memory_space<vmem_shared>> -> memref<10240x128xf32, #tpu.memory_space<vmem_shared>>
        tpu.enqueue_indirect_dma source(%arg8 : memref<125x128xf32, #tpu.memory_space<vmem>>) target(%dma_start3A_175 : memref<10240x128xf32, #tpu.memory_space<vmem_shared>>) offsets(%dma_start3A_172 : memref<125xi32, #tpu.memory_space<vmem>>) semaphore(%run_scoped3A : memref<!tpu.dma_semaphore, #tpu.memory_space<semaphore_mem>>) {add = true}
        %dma_wait3A_176 = arith.constant 0 : i32
        %dma_wait3A_177 = tpu.memref_slice %arg7[%add3A_161, %dma_wait3A_176] : memref<40x125xi32, #tpu.memory_space<vmem>> -> memref<1x125xi32, #tpu.memory_space<vmem>>
        %dma_wait3A_178 = tpu.memref_squeeze %dma_wait3A_177 : memref<1x125xi32, #tpu.memory_space<vmem>> -> memref<125xi32, #tpu.memory_space<vmem>>
        %dma_wait3A_179 = arith.constant 0 : i32
        %dma_wait3A_180 = arith.constant 0 : i32
        %dma_wait3A_181 = tpu.memref_slice %arg10[%dma_wait3A_179, %dma_wait3A_180] : memref<10240x128xf32, #tpu.memory_space<vmem_shared>> -> memref<10240x128xf32, #tpu.memory_space<vmem_shared>>
        tpu.wait_indirect_dma semaphore(%run_scoped3A : memref<!tpu.dma_semaphore, #tpu.memory_space<semaphore_mem>>) src(%arg8 : memref<125x128xf32, #tpu.memory_space<vmem>>) dst(%dma_wait3A_181 : memref<10240x128xf32, #tpu.memory_space<vmem_shared>>)
        tpu.yield
      }) : () -> ()
      %dma_wait3A_162 = arith.constant 0 : i32
      %dma_wait3A_163 = tpu.memref_slice %arg6[%add3A_147, %dma_wait3A_162] : memref<40x125xi32, #tpu.memory_space<vmem>> -> memref<1x125xi32, #tpu.memory_space<vmem>>
      %dma_wait3A_164 = tpu.memref_squeeze %dma_wait3A_163 : memref<1x125xi32, #tpu.memory_space<vmem>> -> memref<125xi32, #tpu.memory_space<vmem>>
      %dma_wait3A_165 = arith.constant 0 : i32
      %dma_wait3A_166 = arith.constant 0 : i32
      %dma_wait3A_167 = tpu.memref_slice %arg2[%dma_wait3A_165, %dma_wait3A_166] : memref<20000x128xf32, #tpu.memory_space<hbm>> -> memref<20000x128xf32, #tpu.memory_space<hbm>>
      tpu.wait_indirect_dma semaphore(%arg12 : memref<!tpu.dma_semaphore, #tpu.memory_space<semaphore_mem>>) src(%dma_wait3A_167 : memref<20000x128xf32, #tpu.memory_space<hbm>>) dst(%arg9 : memref<125x128xf32, #tpu.memory_space<vmem>>)
      %add3A_168 = arith.constant 7 : i32
      %add3A_169 = arith.addi %add3A_31, %add3A_168 : i32
      "tpu.region"() ({
        %run_scoped3A = tpu.sem_alloc : memref<!tpu.dma_semaphore, #tpu.memory_space<semaphore_mem>>
        %dma_start3A_170 = arith.constant 0 : i32
        %dma_start3A_171 = tpu.memref_slice %arg7[%add3A_169, %dma_start3A_170] : memref<40x125xi32, #tpu.memory_space<vmem>> -> memref<1x125xi32, #tpu.memory_space<vmem>>
        %dma_start3A_172 = tpu.memref_squeeze %dma_start3A_171 : memref<1x125xi32, #tpu.memory_space<vmem>> -> memref<125xi32, #tpu.memory_space<vmem>>
        %dma_start3A_173 = arith.constant 0 : i32
        %dma_start3A_174 = arith.constant 0 : i32
        %dma_start3A_175 = tpu.memref_slice %arg10[%dma_start3A_173, %dma_start3A_174] : memref<10240x128xf32, #tpu.memory_space<vmem_shared>> -> memref<10240x128xf32, #tpu.memory_space<vmem_shared>>
        tpu.enqueue_indirect_dma source(%arg9 : memref<125x128xf32, #tpu.memory_space<vmem>>) target(%dma_start3A_175 : memref<10240x128xf32, #tpu.memory_space<vmem_shared>>) offsets(%dma_start3A_172 : memref<125xi32, #tpu.memory_space<vmem>>) semaphore(%run_scoped3A : memref<!tpu.dma_semaphore, #tpu.memory_space<semaphore_mem>>) {add = true}
        %dma_wait3A_176 = arith.constant 0 : i32
        %dma_wait3A_177 = tpu.memref_slice %arg7[%add3A_169, %dma_wait3A_176] : memref<40x125xi32, #tpu.memory_space<vmem>> -> memref<1x125xi32, #tpu.memory_space<vmem>>
        %dma_wait3A_178 = tpu.memref_squeeze %dma_wait3A_177 : memref<1x125xi32, #tpu.memory_space<vmem>> -> memref<125xi32, #tpu.memory_space<vmem>>
        %dma_wait3A_179 = arith.constant 0 : i32
        %dma_wait3A_180 = arith.constant 0 : i32
        %dma_wait3A_181 = tpu.memref_slice %arg10[%dma_wait3A_179, %dma_wait3A_180] : memref<10240x128xf32, #tpu.memory_space<vmem_shared>> -> memref<10240x128xf32, #tpu.memory_space<vmem_shared>>
        tpu.wait_indirect_dma semaphore(%run_scoped3A : memref<!tpu.dma_semaphore, #tpu.memory_space<semaphore_mem>>) src(%arg9 : memref<125x128xf32, #tpu.memory_space<vmem>>) dst(%dma_wait3A_181 : memref<10240x128xf32, #tpu.memory_space<vmem_shared>>)
        tpu.yield
      }) : () -> ()
    }
    %scan3A_16 = arith.constant 5 : i32
    "tpu.region"() ({
      %run_scoped3A = tpu.sem_alloc : memref<!tpu.dma_semaphore, #tpu.memory_space<semaphore_mem>>
      %dma_start3A = arith.constant 40 : i32
      %dma_start3A_27 = arith.constant 0 : i32
      %dma_start3A_28 = tpu.memref_slice %arg3[%arg0, %arg1, %dma_start3A, %dma_start3A_27] : memref<2x16x80x125xi32, #tpu.memory_space<hbm>> -> memref<1x1x40x125xi32, #tpu.memory_space<hbm>>
      %dma_start3A_29 = tpu.memref_squeeze %dma_start3A_28 : memref<1x1x40x125xi32, #tpu.memory_space<hbm>> -> memref<40x125xi32, #tpu.memory_space<hbm>>
      %dma_start3A_30 = arith.constant 40 : i32
      %dma_start3A_31 = arith.constant 0 : i32
      %dma_start3A_32 = tpu.memref_slice %arg3[%arg0, %arg1, %dma_start3A_30, %dma_start3A_31] : memref<2x16x80x125xi32, #tpu.memory_space<hbm>> -> memref<1x1x40x125xi32, #tpu.memory_space<hbm>>
      %dma_start3A_33 = tpu.memref_squeeze %dma_start3A_32 : memref<1x1x40x125xi32, #tpu.memory_space<hbm>> -> memref<40x125xi32, #tpu.memory_space<hbm>>
      tpu.enqueue_dma source(%dma_start3A_33 : memref<40x125xi32, #tpu.memory_space<hbm>>) target(%arg6 : memref<40x125xi32, #tpu.memory_space<vmem>>) target_semaphore(%run_scoped3A : memref<!tpu.dma_semaphore, #tpu.memory_space<semaphore_mem>>)
      %dma_wait3A = arith.constant 40 : i32
      %dma_wait3A_34 = arith.constant 0 : i32
      %dma_wait3A_35 = tpu.memref_slice %arg3[%arg0, %arg1, %dma_wait3A, %dma_wait3A_34] : memref<2x16x80x125xi32, #tpu.memory_space<hbm>> -> memref<1x1x40x125xi32, #tpu.memory_space<hbm>>
      %dma_wait3A_36 = tpu.memref_squeeze %dma_wait3A_35 : memref<1x1x40x125xi32, #tpu.memory_space<hbm>> -> memref<40x125xi32, #tpu.memory_space<hbm>>
      %dma_wait3A_37 = arith.constant 40 : i32
      %dma_wait3A_38 = arith.constant 0 : i32
      %dma_wait3A_39 = tpu.memref_slice %arg3[%arg0, %arg1, %dma_wait3A_37, %dma_wait3A_38] : memref<2x16x80x125xi32, #tpu.memory_space<hbm>> -> memref<1x1x40x125xi32, #tpu.memory_space<hbm>>
      %dma_wait3A_40 = tpu.memref_squeeze %dma_wait3A_39 : memref<1x1x40x125xi32, #tpu.memory_space<hbm>> -> memref<40x125xi32, #tpu.memory_space<hbm>>
      tpu.wait_dma2 semaphore(%run_scoped3A : memref<!tpu.dma_semaphore, #tpu.memory_space<semaphore_mem>>) src(%dma_wait3A_40 : memref<40x125xi32, #tpu.memory_space<hbm>>) dst(%arg6 : memref<40x125xi32, #tpu.memory_space<vmem>>)
      tpu.yield
    }) : () -> ()
    "tpu.region"() ({
      %run_scoped3A = tpu.sem_alloc : memref<!tpu.dma_semaphore, #tpu.memory_space<semaphore_mem>>
      %dma_start3A = arith.constant 40 : i32
      %dma_start3A_27 = arith.constant 0 : i32
      %dma_start3A_28 = tpu.memref_slice %arg4[%arg1, %dma_start3A, %dma_start3A_27] : memref<16x80x125xi32, #tpu.memory_space<hbm>> -> memref<1x40x125xi32, #tpu.memory_space<hbm>>
      %dma_start3A_29 = tpu.memref_squeeze %dma_start3A_28 : memref<1x40x125xi32, #tpu.memory_space<hbm>> -> memref<40x125xi32, #tpu.memory_space<hbm>>
      %dma_start3A_30 = arith.constant 40 : i32
      %dma_start3A_31 = arith.constant 0 : i32
      %dma_start3A_32 = tpu.memref_slice %arg4[%arg1, %dma_start3A_30, %dma_start3A_31] : memref<16x80x125xi32, #tpu.memory_space<hbm>> -> memref<1x40x125xi32, #tpu.memory_space<hbm>>
      %dma_start3A_33 = tpu.memref_squeeze %dma_start3A_32 : memref<1x40x125xi32, #tpu.memory_space<hbm>> -> memref<40x125xi32, #tpu.memory_space<hbm>>
      tpu.enqueue_dma source(%dma_start3A_33 : memref<40x125xi32, #tpu.memory_space<hbm>>) target(%arg7 : memref<40x125xi32, #tpu.memory_space<vmem>>) target_semaphore(%run_scoped3A : memref<!tpu.dma_semaphore, #tpu.memory_space<semaphore_mem>>)
      %dma_wait3A = arith.constant 40 : i32
      %dma_wait3A_34 = arith.constant 0 : i32
      %dma_wait3A_35 = tpu.memref_slice %arg4[%arg1, %dma_wait3A, %dma_wait3A_34] : memref<16x80x125xi32, #tpu.memory_space<hbm>> -> memref<1x40x125xi32, #tpu.memory_space<hbm>>
      %dma_wait3A_36 = tpu.memref_squeeze %dma_wait3A_35 : memref<1x40x125xi32, #tpu.memory_space<hbm>> -> memref<40x125xi32, #tpu.memory_space<hbm>>
      %dma_wait3A_37 = arith.constant 40 : i32
      %dma_wait3A_38 = arith.constant 0 : i32
      %dma_wait3A_39 = tpu.memref_slice %arg4[%arg1, %dma_wait3A_37, %dma_wait3A_38] : memref<16x80x125xi32, #tpu.memory_space<hbm>> -> memref<1x40x125xi32, #tpu.memory_space<hbm>>
      %dma_wait3A_40 = tpu.memref_squeeze %dma_wait3A_39 : memref<1x40x125xi32, #tpu.memory_space<hbm>> -> memref<40x125xi32, #tpu.memory_space<hbm>>
      tpu.wait_dma2 semaphore(%run_scoped3A : memref<!tpu.dma_semaphore, #tpu.memory_space<semaphore_mem>>) src(%dma_wait3A_40 : memref<40x125xi32, #tpu.memory_space<hbm>>) dst(%arg7 : memref<40x125xi32, #tpu.memory_space<vmem>>)
      tpu.yield
    }) : () -> ()
    %scan3A_17 = arith.constant 0 : i32
    %scan3A_18 = arith.constant 5 : i32
    %scan3A_19 = arith.addi %scan3A_17, %scan3A_18 : i32
    %scan3A_20 = arith.constant 1 : i32
    scf.for %scan3A_27 = %scan3A_17 to %scan3A_19 step %scan3A_20  : i32 {
      %mul3A_28 = arith.constant 8 : i32
      %mul3A_29 = arith.muli %scan3A_27, %mul3A_28 : i32
      %add3A_30 = arith.constant 0 : i32
      %add3A_31 = arith.addi %add3A_30, %mul3A_29 : i32
      %dma_start3A = arith.constant 0 : i32
      %dma_start3A_32 = tpu.memref_slice %arg6[%add3A_31, %dma_start3A] : memref<40x125xi32, #tpu.memory_space<vmem>> -> memref<1x125xi32, #tpu.memory_space<vmem>>
      %dma_start3A_33 = tpu.memref_squeeze %dma_start3A_32 : memref<1x125xi32, #tpu.memory_space<vmem>> -> memref<125xi32, #tpu.memory_space<vmem>>
      %dma_start3A_34 = arith.constant 0 : i32
      %dma_start3A_35 = arith.constant 0 : i32
      %dma_start3A_36 = tpu.memref_slice %arg2[%dma_start3A_34, %dma_start3A_35] : memref<20000x128xf32, #tpu.memory_space<hbm>> -> memref<20000x128xf32, #tpu.memory_space<hbm>>
      tpu.enqueue_indirect_dma source(%dma_start3A_36 : memref<20000x128xf32, #tpu.memory_space<hbm>>) target(%arg8 : memref<125x128xf32, #tpu.memory_space<vmem>>) offsets(%dma_start3A_33 : memref<125xi32, #tpu.memory_space<vmem>>) semaphore(%arg11 : memref<!tpu.dma_semaphore, #tpu.memory_space<semaphore_mem>>)
      %add3A_37 = arith.constant 0 : i32
      %add3A_38 = arith.addi %add3A_31, %add3A_37 : i32
      %add3A_39 = arith.constant 1 : i32
      %add3A_40 = arith.addi %add3A_38, %add3A_39 : i32
      %dma_start3A_41 = arith.constant 0 : i32
      %dma_start3A_42 = tpu.memref_slice %arg6[%add3A_40, %dma_start3A_41] : memref<40x125xi32, #tpu.memory_space<vmem>> -> memref<1x125xi32, #tpu.memory_space<vmem>>
      %dma_start3A_43 = tpu.memref_squeeze %dma_start3A_42 : memref<1x125xi32, #tpu.memory_space<vmem>> -> memref<125xi32, #tpu.memory_space<vmem>>
      %dma_start3A_44 = arith.constant 0 : i32
      %dma_start3A_45 = arith.constant 0 : i32
      %dma_start3A_46 = tpu.memref_slice %arg2[%dma_start3A_44, %dma_start3A_45] : memref<20000x128xf32, #tpu.memory_space<hbm>> -> memref<20000x128xf32, #tpu.memory_space<hbm>>
      tpu.enqueue_indirect_dma source(%dma_start3A_46 : memref<20000x128xf32, #tpu.memory_space<hbm>>) target(%arg9 : memref<125x128xf32, #tpu.memory_space<vmem>>) offsets(%dma_start3A_43 : memref<125xi32, #tpu.memory_space<vmem>>) semaphore(%arg12 : memref<!tpu.dma_semaphore, #tpu.memory_space<semaphore_mem>>)
      %dma_wait3A = arith.constant 0 : i32
      %dma_wait3A_47 = tpu.memref_slice %arg6[%add3A_31, %dma_wait3A] : memref<40x125xi32, #tpu.memory_space<vmem>> -> memref<1x125xi32, #tpu.memory_space<vmem>>
      %dma_wait3A_48 = tpu.memref_squeeze %dma_wait3A_47 : memref<1x125xi32, #tpu.memory_space<vmem>> -> memref<125xi32, #tpu.memory_space<vmem>>
      %dma_wait3A_49 = arith.constant 0 : i32
      %dma_wait3A_50 = arith.constant 0 : i32
      %dma_wait3A_51 = tpu.memref_slice %arg2[%dma_wait3A_49, %dma_wait3A_50] : memref<20000x128xf32, #tpu.memory_space<hbm>> -> memref<20000x128xf32, #tpu.memory_space<hbm>>
      tpu.wait_indirect_dma semaphore(%arg11 : memref<!tpu.dma_semaphore, #tpu.memory_space<semaphore_mem>>) src(%dma_wait3A_51 : memref<20000x128xf32, #tpu.memory_space<hbm>>) dst(%arg8 : memref<125x128xf32, #tpu.memory_space<vmem>>)
      %add3A_52 = arith.constant 0 : i32
      %add3A_53 = arith.addi %add3A_31, %add3A_52 : i32
      "tpu.region"() ({
        %run_scoped3A = tpu.sem_alloc : memref<!tpu.dma_semaphore, #tpu.memory_space<semaphore_mem>>
        %dma_start3A_170 = arith.constant 0 : i32
        %dma_start3A_171 = tpu.memref_slice %arg7[%add3A_53, %dma_start3A_170] : memref<40x125xi32, #tpu.memory_space<vmem>> -> memref<1x125xi32, #tpu.memory_space<vmem>>
        %dma_start3A_172 = tpu.memref_squeeze %dma_start3A_171 : memref<1x125xi32, #tpu.memory_space<vmem>> -> memref<125xi32, #tpu.memory_space<vmem>>
        %dma_start3A_173 = arith.constant 0 : i32
        %dma_start3A_174 = arith.constant 0 : i32
        %dma_start3A_175 = tpu.memref_slice %arg10[%dma_start3A_173, %dma_start3A_174] : memref<10240x128xf32, #tpu.memory_space<vmem_shared>> -> memref<10240x128xf32, #tpu.memory_space<vmem_shared>>
        tpu.enqueue_indirect_dma source(%arg8 : memref<125x128xf32, #tpu.memory_space<vmem>>) target(%dma_start3A_175 : memref<10240x128xf32, #tpu.memory_space<vmem_shared>>) offsets(%dma_start3A_172 : memref<125xi32, #tpu.memory_space<vmem>>) semaphore(%run_scoped3A : memref<!tpu.dma_semaphore, #tpu.memory_space<semaphore_mem>>) {add = true}
        %dma_wait3A_176 = arith.constant 0 : i32
        %dma_wait3A_177 = tpu.memref_slice %arg7[%add3A_53, %dma_wait3A_176] : memref<40x125xi32, #tpu.memory_space<vmem>> -> memref<1x125xi32, #tpu.memory_space<vmem>>
        %dma_wait3A_178 = tpu.memref_squeeze %dma_wait3A_177 : memref<1x125xi32, #tpu.memory_space<vmem>> -> memref<125xi32, #tpu.memory_space<vmem>>
        %dma_wait3A_179 = arith.constant 0 : i32
        %dma_wait3A_180 = arith.constant 0 : i32
        %dma_wait3A_181 = tpu.memref_slice %arg10[%dma_wait3A_179, %dma_wait3A_180] : memref<10240x128xf32, #tpu.memory_space<vmem_shared>> -> memref<10240x128xf32, #tpu.memory_space<vmem_shared>>
        tpu.wait_indirect_dma semaphore(%run_scoped3A : memref<!tpu.dma_semaphore, #tpu.memory_space<semaphore_mem>>) src(%arg8 : memref<125x128xf32, #tpu.memory_space<vmem>>) dst(%dma_wait3A_181 : memref<10240x128xf32, #tpu.memory_space<vmem_shared>>)
        tpu.yield
      }) : () -> ()
      %add3A_54 = arith.constant 1 : i32
      %add3A_55 = arith.addi %add3A_31, %add3A_54 : i32
      %add3A_56 = arith.constant 1 : i32
      %add3A_57 = arith.addi %add3A_55, %add3A_56 : i32
      %dma_start3A_58 = arith.constant 0 : i32
      %dma_start3A_59 = tpu.memref_slice %arg6[%add3A_57, %dma_start3A_58] : memref<40x125xi32, #tpu.memory_space<vmem>> -> memref<1x125xi32, #tpu.memory_space<vmem>>
      %dma_start3A_60 = tpu.memref_squeeze %dma_start3A_59 : memref<1x125xi32, #tpu.memory_space<vmem>> -> memref<125xi32, #tpu.memory_space<vmem>>
      %dma_start3A_61 = arith.constant 0 : i32
      %dma_start3A_62 = arith.constant 0 : i32
      %dma_start3A_63 = tpu.memref_slice %arg2[%dma_start3A_61, %dma_start3A_62] : memref<20000x128xf32, #tpu.memory_space<hbm>> -> memref<20000x128xf32, #tpu.memory_space<hbm>>
      tpu.enqueue_indirect_dma source(%dma_start3A_63 : memref<20000x128xf32, #tpu.memory_space<hbm>>) target(%arg8 : memref<125x128xf32, #tpu.memory_space<vmem>>) offsets(%dma_start3A_60 : memref<125xi32, #tpu.memory_space<vmem>>) semaphore(%arg11 : memref<!tpu.dma_semaphore, #tpu.memory_space<semaphore_mem>>)
      %dma_wait3A_64 = arith.constant 0 : i32
      %dma_wait3A_65 = tpu.memref_slice %arg6[%add3A_40, %dma_wait3A_64] : memref<40x125xi32, #tpu.memory_space<vmem>> -> memref<1x125xi32, #tpu.memory_space<vmem>>
      %dma_wait3A_66 = tpu.memref_squeeze %dma_wait3A_65 : memref<1x125xi32, #tpu.memory_space<vmem>> -> memref<125xi32, #tpu.memory_space<vmem>>
      %dma_wait3A_67 = arith.constant 0 : i32
      %dma_wait3A_68 = arith.constant 0 : i32
      %dma_wait3A_69 = tpu.memref_slice %arg2[%dma_wait3A_67, %dma_wait3A_68] : memref<20000x128xf32, #tpu.memory_space<hbm>> -> memref<20000x128xf32, #tpu.memory_space<hbm>>
      tpu.wait_indirect_dma semaphore(%arg12 : memref<!tpu.dma_semaphore, #tpu.memory_space<semaphore_mem>>) src(%dma_wait3A_69 : memref<20000x128xf32, #tpu.memory_space<hbm>>) dst(%arg9 : memref<125x128xf32, #tpu.memory_space<vmem>>)
      %add3A_70 = arith.constant 1 : i32
      %add3A_71 = arith.addi %add3A_31, %add3A_70 : i32
      "tpu.region"() ({
        %run_scoped3A = tpu.sem_alloc : memref<!tpu.dma_semaphore, #tpu.memory_space<semaphore_mem>>
        %dma_start3A_170 = arith.constant 0 : i32
        %dma_start3A_171 = tpu.memref_slice %arg7[%add3A_71, %dma_start3A_170] : memref<40x125xi32, #tpu.memory_space<vmem>> -> memref<1x125xi32, #tpu.memory_space<vmem>>
        %dma_start3A_172 = tpu.memref_squeeze %dma_start3A_171 : memref<1x125xi32, #tpu.memory_space<vmem>> -> memref<125xi32, #tpu.memory_space<vmem>>
        %dma_start3A_173 = arith.constant 0 : i32
        %dma_start3A_174 = arith.constant 0 : i32
        %dma_start3A_175 = tpu.memref_slice %arg10[%dma_start3A_173, %dma_start3A_174] : memref<10240x128xf32, #tpu.memory_space<vmem_shared>> -> memref<10240x128xf32, #tpu.memory_space<vmem_shared>>
        tpu.enqueue_indirect_dma source(%arg9 : memref<125x128xf32, #tpu.memory_space<vmem>>) target(%dma_start3A_175 : memref<10240x128xf32, #tpu.memory_space<vmem_shared>>) offsets(%dma_start3A_172 : memref<125xi32, #tpu.memory_space<vmem>>) semaphore(%run_scoped3A : memref<!tpu.dma_semaphore, #tpu.memory_space<semaphore_mem>>) {add = true}
        %dma_wait3A_176 = arith.constant 0 : i32
        %dma_wait3A_177 = tpu.memref_slice %arg7[%add3A_71, %dma_wait3A_176] : memref<40x125xi32, #tpu.memory_space<vmem>> -> memref<1x125xi32, #tpu.memory_space<vmem>>
        %dma_wait3A_178 = tpu.memref_squeeze %dma_wait3A_177 : memref<1x125xi32, #tpu.memory_space<vmem>> -> memref<125xi32, #tpu.memory_space<vmem>>
        %dma_wait3A_179 = arith.constant 0 : i32
        %dma_wait3A_180 = arith.constant 0 : i32
        %dma_wait3A_181 = tpu.memref_slice %arg10[%dma_wait3A_179, %dma_wait3A_180] : memref<10240x128xf32, #tpu.memory_space<vmem_shared>> -> memref<10240x128xf32, #tpu.memory_space<vmem_shared>>
        tpu.wait_indirect_dma semaphore(%run_scoped3A : memref<!tpu.dma_semaphore, #tpu.memory_space<semaphore_mem>>) src(%arg9 : memref<125x128xf32, #tpu.memory_space<vmem>>) dst(%dma_wait3A_181 : memref<10240x128xf32, #tpu.memory_space<vmem_shared>>)
        tpu.yield
      }) : () -> ()
      %add3A_72 = arith.constant 2 : i32
      %add3A_73 = arith.addi %add3A_31, %add3A_72 : i32
      %add3A_74 = arith.constant 1 : i32
      %add3A_75 = arith.addi %add3A_73, %add3A_74 : i32
      %dma_start3A_76 = arith.constant 0 : i32
      %dma_start3A_77 = tpu.memref_slice %arg6[%add3A_75, %dma_start3A_76] : memref<40x125xi32, #tpu.memory_space<vmem>> -> memref<1x125xi32, #tpu.memory_space<vmem>>
      %dma_start3A_78 = tpu.memref_squeeze %dma_start3A_77 : memref<1x125xi32, #tpu.memory_space<vmem>> -> memref<125xi32, #tpu.memory_space<vmem>>
      %dma_start3A_79 = arith.constant 0 : i32
      %dma_start3A_80 = arith.constant 0 : i32
      %dma_start3A_81 = tpu.memref_slice %arg2[%dma_start3A_79, %dma_start3A_80] : memref<20000x128xf32, #tpu.memory_space<hbm>> -> memref<20000x128xf32, #tpu.memory_space<hbm>>
      tpu.enqueue_indirect_dma source(%dma_start3A_81 : memref<20000x128xf32, #tpu.memory_space<hbm>>) target(%arg9 : memref<125x128xf32, #tpu.memory_space<vmem>>) offsets(%dma_start3A_78 : memref<125xi32, #tpu.memory_space<vmem>>) semaphore(%arg12 : memref<!tpu.dma_semaphore, #tpu.memory_space<semaphore_mem>>)
      %dma_wait3A_82 = arith.constant 0 : i32
      %dma_wait3A_83 = tpu.memref_slice %arg6[%add3A_57, %dma_wait3A_82] : memref<40x125xi32, #tpu.memory_space<vmem>> -> memref<1x125xi32, #tpu.memory_space<vmem>>
      %dma_wait3A_84 = tpu.memref_squeeze %dma_wait3A_83 : memref<1x125xi32, #tpu.memory_space<vmem>> -> memref<125xi32, #tpu.memory_space<vmem>>
      %dma_wait3A_85 = arith.constant 0 : i32
      %dma_wait3A_86 = arith.constant 0 : i32
      %dma_wait3A_87 = tpu.memref_slice %arg2[%dma_wait3A_85, %dma_wait3A_86] : memref<20000x128xf32, #tpu.memory_space<hbm>> -> memref<20000x128xf32, #tpu.memory_space<hbm>>
      tpu.wait_indirect_dma semaphore(%arg11 : memref<!tpu.dma_semaphore, #tpu.memory_space<semaphore_mem>>) src(%dma_wait3A_87 : memref<20000x128xf32, #tpu.memory_space<hbm>>) dst(%arg8 : memref<125x128xf32, #tpu.memory_space<vmem>>)
      %add3A_88 = arith.constant 2 : i32
      %add3A_89 = arith.addi %add3A_31, %add3A_88 : i32
      "tpu.region"() ({
        %run_scoped3A = tpu.sem_alloc : memref<!tpu.dma_semaphore, #tpu.memory_space<semaphore_mem>>
        %dma_start3A_170 = arith.constant 0 : i32
        %dma_start3A_171 = tpu.memref_slice %arg7[%add3A_89, %dma_start3A_170] : memref<40x125xi32, #tpu.memory_space<vmem>> -> memref<1x125xi32, #tpu.memory_space<vmem>>
        %dma_start3A_172 = tpu.memref_squeeze %dma_start3A_171 : memref<1x125xi32, #tpu.memory_space<vmem>> -> memref<125xi32, #tpu.memory_space<vmem>>
        %dma_start3A_173 = arith.constant 0 : i32
        %dma_start3A_174 = arith.constant 0 : i32
        %dma_start3A_175 = tpu.memref_slice %arg10[%dma_start3A_173, %dma_start3A_174] : memref<10240x128xf32, #tpu.memory_space<vmem_shared>> -> memref<10240x128xf32, #tpu.memory_space<vmem_shared>>
        tpu.enqueue_indirect_dma source(%arg8 : memref<125x128xf32, #tpu.memory_space<vmem>>) target(%dma_start3A_175 : memref<10240x128xf32, #tpu.memory_space<vmem_shared>>) offsets(%dma_start3A_172 : memref<125xi32, #tpu.memory_space<vmem>>) semaphore(%run_scoped3A : memref<!tpu.dma_semaphore, #tpu.memory_space<semaphore_mem>>) {add = true}
        %dma_wait3A_176 = arith.constant 0 : i32
        %dma_wait3A_177 = tpu.memref_slice %arg7[%add3A_89, %dma_wait3A_176] : memref<40x125xi32, #tpu.memory_space<vmem>> -> memref<1x125xi32, #tpu.memory_space<vmem>>
        %dma_wait3A_178 = tpu.memref_squeeze %dma_wait3A_177 : memref<1x125xi32, #tpu.memory_space<vmem>> -> memref<125xi32, #tpu.memory_space<vmem>>
        %dma_wait3A_179 = arith.constant 0 : i32
        %dma_wait3A_180 = arith.constant 0 : i32
        %dma_wait3A_181 = tpu.memref_slice %arg10[%dma_wait3A_179, %dma_wait3A_180] : memref<10240x128xf32, #tpu.memory_space<vmem_shared>> -> memref<10240x128xf32, #tpu.memory_space<vmem_shared>>
        tpu.wait_indirect_dma semaphore(%run_scoped3A : memref<!tpu.dma_semaphore, #tpu.memory_space<semaphore_mem>>) src(%arg8 : memref<125x128xf32, #tpu.memory_space<vmem>>) dst(%dma_wait3A_181 : memref<10240x128xf32, #tpu.memory_space<vmem_shared>>)
        tpu.yield
      }) : () -> ()
      %add3A_90 = arith.constant 3 : i32
      %add3A_91 = arith.addi %add3A_31, %add3A_90 : i32
      %add3A_92 = arith.constant 1 : i32
      %add3A_93 = arith.addi %add3A_91, %add3A_92 : i32
      %dma_start3A_94 = arith.constant 0 : i32
      %dma_start3A_95 = tpu.memref_slice %arg6[%add3A_93, %dma_start3A_94] : memref<40x125xi32, #tpu.memory_space<vmem>> -> memref<1x125xi32, #tpu.memory_space<vmem>>
      %dma_start3A_96 = tpu.memref_squeeze %dma_start3A_95 : memref<1x125xi32, #tpu.memory_space<vmem>> -> memref<125xi32, #tpu.memory_space<vmem>>
      %dma_start3A_97 = arith.constant 0 : i32
      %dma_start3A_98 = arith.constant 0 : i32
      %dma_start3A_99 = tpu.memref_slice %arg2[%dma_start3A_97, %dma_start3A_98] : memref<20000x128xf32, #tpu.memory_space<hbm>> -> memref<20000x128xf32, #tpu.memory_space<hbm>>
      tpu.enqueue_indirect_dma source(%dma_start3A_99 : memref<20000x128xf32, #tpu.memory_space<hbm>>) target(%arg8 : memref<125x128xf32, #tpu.memory_space<vmem>>) offsets(%dma_start3A_96 : memref<125xi32, #tpu.memory_space<vmem>>) semaphore(%arg11 : memref<!tpu.dma_semaphore, #tpu.memory_space<semaphore_mem>>)
      %dma_wait3A_100 = arith.constant 0 : i32
      %dma_wait3A_101 = tpu.memref_slice %arg6[%add3A_75, %dma_wait3A_100] : memref<40x125xi32, #tpu.memory_space<vmem>> -> memref<1x125xi32, #tpu.memory_space<vmem>>
      %dma_wait3A_102 = tpu.memref_squeeze %dma_wait3A_101 : memref<1x125xi32, #tpu.memory_space<vmem>> -> memref<125xi32, #tpu.memory_space<vmem>>
      %dma_wait3A_103 = arith.constant 0 : i32
      %dma_wait3A_104 = arith.constant 0 : i32
      %dma_wait3A_105 = tpu.memref_slice %arg2[%dma_wait3A_103, %dma_wait3A_104] : memref<20000x128xf32, #tpu.memory_space<hbm>> -> memref<20000x128xf32, #tpu.memory_space<hbm>>
      tpu.wait_indirect_dma semaphore(%arg12 : memref<!tpu.dma_semaphore, #tpu.memory_space<semaphore_mem>>) src(%dma_wait3A_105 : memref<20000x128xf32, #tpu.memory_space<hbm>>) dst(%arg9 : memref<125x128xf32, #tpu.memory_space<vmem>>)
      %add3A_106 = arith.constant 3 : i32
      %add3A_107 = arith.addi %add3A_31, %add3A_106 : i32
      "tpu.region"() ({
        %run_scoped3A = tpu.sem_alloc : memref<!tpu.dma_semaphore, #tpu.memory_space<semaphore_mem>>
        %dma_start3A_170 = arith.constant 0 : i32
        %dma_start3A_171 = tpu.memref_slice %arg7[%add3A_107, %dma_start3A_170] : memref<40x125xi32, #tpu.memory_space<vmem>> -> memref<1x125xi32, #tpu.memory_space<vmem>>
        %dma_start3A_172 = tpu.memref_squeeze %dma_start3A_171 : memref<1x125xi32, #tpu.memory_space<vmem>> -> memref<125xi32, #tpu.memory_space<vmem>>
        %dma_start3A_173 = arith.constant 0 : i32
        %dma_start3A_174 = arith.constant 0 : i32
        %dma_start3A_175 = tpu.memref_slice %arg10[%dma_start3A_173, %dma_start3A_174] : memref<10240x128xf32, #tpu.memory_space<vmem_shared>> -> memref<10240x128xf32, #tpu.memory_space<vmem_shared>>
        tpu.enqueue_indirect_dma source(%arg9 : memref<125x128xf32, #tpu.memory_space<vmem>>) target(%dma_start3A_175 : memref<10240x128xf32, #tpu.memory_space<vmem_shared>>) offsets(%dma_start3A_172 : memref<125xi32, #tpu.memory_space<vmem>>) semaphore(%run_scoped3A : memref<!tpu.dma_semaphore, #tpu.memory_space<semaphore_mem>>) {add = true}
        %dma_wait3A_176 = arith.constant 0 : i32
        %dma_wait3A_177 = tpu.memref_slice %arg7[%add3A_107, %dma_wait3A_176] : memref<40x125xi32, #tpu.memory_space<vmem>> -> memref<1x125xi32, #tpu.memory_space<vmem>>
        %dma_wait3A_178 = tpu.memref_squeeze %dma_wait3A_177 : memref<1x125xi32, #tpu.memory_space<vmem>> -> memref<125xi32, #tpu.memory_space<vmem>>
        %dma_wait3A_179 = arith.constant 0 : i32
        %dma_wait3A_180 = arith.constant 0 : i32
        %dma_wait3A_181 = tpu.memref_slice %arg10[%dma_wait3A_179, %dma_wait3A_180] : memref<10240x128xf32, #tpu.memory_space<vmem_shared>> -> memref<10240x128xf32, #tpu.memory_space<vmem_shared>>
        tpu.wait_indirect_dma semaphore(%run_scoped3A : memref<!tpu.dma_semaphore, #tpu.memory_space<semaphore_mem>>) src(%arg9 : memref<125x128xf32, #tpu.memory_space<vmem>>) dst(%dma_wait3A_181 : memref<10240x128xf32, #tpu.memory_space<vmem_shared>>)
        tpu.yield
      }) : () -> ()
      %add3A_108 = arith.constant 4 : i32
      %add3A_109 = arith.addi %add3A_31, %add3A_108 : i32
      %add3A_110 = arith.constant 1 : i32
      %add3A_111 = arith.addi %add3A_109, %add3A_110 : i32
      %dma_start3A_112 = arith.constant 0 : i32
      %dma_start3A_113 = tpu.memref_slice %arg6[%add3A_111, %dma_start3A_112] : memref<40x125xi32, #tpu.memory_space<vmem>> -> memref<1x125xi32, #tpu.memory_space<vmem>>
      %dma_start3A_114 = tpu.memref_squeeze %dma_start3A_113 : memref<1x125xi32, #tpu.memory_space<vmem>> -> memref<125xi32, #tpu.memory_space<vmem>>
      %dma_start3A_115 = arith.constant 0 : i32
      %dma_start3A_116 = arith.constant 0 : i32
      %dma_start3A_117 = tpu.memref_slice %arg2[%dma_start3A_115, %dma_start3A_116] : memref<20000x128xf32, #tpu.memory_space<hbm>> -> memref<20000x128xf32, #tpu.memory_space<hbm>>
      tpu.enqueue_indirect_dma source(%dma_start3A_117 : memref<20000x128xf32, #tpu.memory_space<hbm>>) target(%arg9 : memref<125x128xf32, #tpu.memory_space<vmem>>) offsets(%dma_start3A_114 : memref<125xi32, #tpu.memory_space<vmem>>) semaphore(%arg12 : memref<!tpu.dma_semaphore, #tpu.memory_space<semaphore_mem>>)
      %dma_wait3A_118 = arith.constant 0 : i32
      %dma_wait3A_119 = tpu.memref_slice %arg6[%add3A_93, %dma_wait3A_118] : memref<40x125xi32, #tpu.memory_space<vmem>> -> memref<1x125xi32, #tpu.memory_space<vmem>>
      %dma_wait3A_120 = tpu.memref_squeeze %dma_wait3A_119 : memref<1x125xi32, #tpu.memory_space<vmem>> -> memref<125xi32, #tpu.memory_space<vmem>>
      %dma_wait3A_121 = arith.constant 0 : i32
      %dma_wait3A_122 = arith.constant 0 : i32
      %dma_wait3A_123 = tpu.memref_slice %arg2[%dma_wait3A_121, %dma_wait3A_122] : memref<20000x128xf32, #tpu.memory_space<hbm>> -> memref<20000x128xf32, #tpu.memory_space<hbm>>
      tpu.wait_indirect_dma semaphore(%arg11 : memref<!tpu.dma_semaphore, #tpu.memory_space<semaphore_mem>>) src(%dma_wait3A_123 : memref<20000x128xf32, #tpu.memory_space<hbm>>) dst(%arg8 : memref<125x128xf32, #tpu.memory_space<vmem>>)
      %add3A_124 = arith.constant 4 : i32
      %add3A_125 = arith.addi %add3A_31, %add3A_124 : i32
      "tpu.region"() ({
        %run_scoped3A = tpu.sem_alloc : memref<!tpu.dma_semaphore, #tpu.memory_space<semaphore_mem>>
        %dma_start3A_170 = arith.constant 0 : i32
        %dma_start3A_171 = tpu.memref_slice %arg7[%add3A_125, %dma_start3A_170] : memref<40x125xi32, #tpu.memory_space<vmem>> -> memref<1x125xi32, #tpu.memory_space<vmem>>
        %dma_start3A_172 = tpu.memref_squeeze %dma_start3A_171 : memref<1x125xi32, #tpu.memory_space<vmem>> -> memref<125xi32, #tpu.memory_space<vmem>>
        %dma_start3A_173 = arith.constant 0 : i32
        %dma_start3A_174 = arith.constant 0 : i32
        %dma_start3A_175 = tpu.memref_slice %arg10[%dma_start3A_173, %dma_start3A_174] : memref<10240x128xf32, #tpu.memory_space<vmem_shared>> -> memref<10240x128xf32, #tpu.memory_space<vmem_shared>>
        tpu.enqueue_indirect_dma source(%arg8 : memref<125x128xf32, #tpu.memory_space<vmem>>) target(%dma_start3A_175 : memref<10240x128xf32, #tpu.memory_space<vmem_shared>>) offsets(%dma_start3A_172 : memref<125xi32, #tpu.memory_space<vmem>>) semaphore(%run_scoped3A : memref<!tpu.dma_semaphore, #tpu.memory_space<semaphore_mem>>) {add = true}
        %dma_wait3A_176 = arith.constant 0 : i32
        %dma_wait3A_177 = tpu.memref_slice %arg7[%add3A_125, %dma_wait3A_176] : memref<40x125xi32, #tpu.memory_space<vmem>> -> memref<1x125xi32, #tpu.memory_space<vmem>>
        %dma_wait3A_178 = tpu.memref_squeeze %dma_wait3A_177 : memref<1x125xi32, #tpu.memory_space<vmem>> -> memref<125xi32, #tpu.memory_space<vmem>>
        %dma_wait3A_179 = arith.constant 0 : i32
        %dma_wait3A_180 = arith.constant 0 : i32
        %dma_wait3A_181 = tpu.memref_slice %arg10[%dma_wait3A_179, %dma_wait3A_180] : memref<10240x128xf32, #tpu.memory_space<vmem_shared>> -> memref<10240x128xf32, #tpu.memory_space<vmem_shared>>
        tpu.wait_indirect_dma semaphore(%run_scoped3A : memref<!tpu.dma_semaphore, #tpu.memory_space<semaphore_mem>>) src(%arg8 : memref<125x128xf32, #tpu.memory_space<vmem>>) dst(%dma_wait3A_181 : memref<10240x128xf32, #tpu.memory_space<vmem_shared>>)
        tpu.yield
      }) : () -> ()
      %add3A_126 = arith.constant 5 : i32
      %add3A_127 = arith.addi %add3A_31, %add3A_126 : i32
      %add3A_128 = arith.constant 1 : i32
      %add3A_129 = arith.addi %add3A_127, %add3A_128 : i32
      %dma_start3A_130 = arith.constant 0 : i32
      %dma_start3A_131 = tpu.memref_slice %arg6[%add3A_129, %dma_start3A_130] : memref<40x125xi32, #tpu.memory_space<vmem>> -> memref<1x125xi32, #tpu.memory_space<vmem>>
      %dma_start3A_132 = tpu.memref_squeeze %dma_start3A_131 : memref<1x125xi32, #tpu.memory_space<vmem>> -> memref<125xi32, #tpu.memory_space<vmem>>
      %dma_start3A_133 = arith.constant 0 : i32
      %dma_start3A_134 = arith.constant 0 : i32
      %dma_start3A_135 = tpu.memref_slice %arg2[%dma_start3A_133, %dma_start3A_134] : memref<20000x128xf32, #tpu.memory_space<hbm>> -> memref<20000x128xf32, #tpu.memory_space<hbm>>
      tpu.enqueue_indirect_dma source(%dma_start3A_135 : memref<20000x128xf32, #tpu.memory_space<hbm>>) target(%arg8 : memref<125x128xf32, #tpu.memory_space<vmem>>) offsets(%dma_start3A_132 : memref<125xi32, #tpu.memory_space<vmem>>) semaphore(%arg11 : memref<!tpu.dma_semaphore, #tpu.memory_space<semaphore_mem>>)
      %dma_wait3A_136 = arith.constant 0 : i32
      %dma_wait3A_137 = tpu.memref_slice %arg6[%add3A_111, %dma_wait3A_136] : memref<40x125xi32, #tpu.memory_space<vmem>> -> memref<1x125xi32, #tpu.memory_space<vmem>>
      %dma_wait3A_138 = tpu.memref_squeeze %dma_wait3A_137 : memref<1x125xi32, #tpu.memory_space<vmem>> -> memref<125xi32, #tpu.memory_space<vmem>>
      %dma_wait3A_139 = arith.constant 0 : i32
      %dma_wait3A_140 = arith.constant 0 : i32
      %dma_wait3A_141 = tpu.memref_slice %arg2[%dma_wait3A_139, %dma_wait3A_140] : memref<20000x128xf32, #tpu.memory_space<hbm>> -> memref<20000x128xf32, #tpu.memory_space<hbm>>
      tpu.wait_indirect_dma semaphore(%arg12 : memref<!tpu.dma_semaphore, #tpu.memory_space<semaphore_mem>>) src(%dma_wait3A_141 : memref<20000x128xf32, #tpu.memory_space<hbm>>) dst(%arg9 : memref<125x128xf32, #tpu.memory_space<vmem>>)
      %add3A_142 = arith.constant 5 : i32
      %add3A_143 = arith.addi %add3A_31, %add3A_142 : i32
      "tpu.region"() ({
        %run_scoped3A = tpu.sem_alloc : memref<!tpu.dma_semaphore, #tpu.memory_space<semaphore_mem>>
        %dma_start3A_170 = arith.constant 0 : i32
        %dma_start3A_171 = tpu.memref_slice %arg7[%add3A_143, %dma_start3A_170] : memref<40x125xi32, #tpu.memory_space<vmem>> -> memref<1x125xi32, #tpu.memory_space<vmem>>
        %dma_start3A_172 = tpu.memref_squeeze %dma_start3A_171 : memref<1x125xi32, #tpu.memory_space<vmem>> -> memref<125xi32, #tpu.memory_space<vmem>>
        %dma_start3A_173 = arith.constant 0 : i32
        %dma_start3A_174 = arith.constant 0 : i32
        %dma_start3A_175 = tpu.memref_slice %arg10[%dma_start3A_173, %dma_start3A_174] : memref<10240x128xf32, #tpu.memory_space<vmem_shared>> -> memref<10240x128xf32, #tpu.memory_space<vmem_shared>>
        tpu.enqueue_indirect_dma source(%arg9 : memref<125x128xf32, #tpu.memory_space<vmem>>) target(%dma_start3A_175 : memref<10240x128xf32, #tpu.memory_space<vmem_shared>>) offsets(%dma_start3A_172 : memref<125xi32, #tpu.memory_space<vmem>>) semaphore(%run_scoped3A : memref<!tpu.dma_semaphore, #tpu.memory_space<semaphore_mem>>) {add = true}
        %dma_wait3A_176 = arith.constant 0 : i32
        %dma_wait3A_177 = tpu.memref_slice %arg7[%add3A_143, %dma_wait3A_176] : memref<40x125xi32, #tpu.memory_space<vmem>> -> memref<1x125xi32, #tpu.memory_space<vmem>>
        %dma_wait3A_178 = tpu.memref_squeeze %dma_wait3A_177 : memref<1x125xi32, #tpu.memory_space<vmem>> -> memref<125xi32, #tpu.memory_space<vmem>>
        %dma_wait3A_179 = arith.constant 0 : i32
        %dma_wait3A_180 = arith.constant 0 : i32
        %dma_wait3A_181 = tpu.memref_slice %arg10[%dma_wait3A_179, %dma_wait3A_180] : memref<10240x128xf32, #tpu.memory_space<vmem_shared>> -> memref<10240x128xf32, #tpu.memory_space<vmem_shared>>
        tpu.wait_indirect_dma semaphore(%run_scoped3A : memref<!tpu.dma_semaphore, #tpu.memory_space<semaphore_mem>>) src(%arg9 : memref<125x128xf32, #tpu.memory_space<vmem>>) dst(%dma_wait3A_181 : memref<10240x128xf32, #tpu.memory_space<vmem_shared>>)
        tpu.yield
      }) : () -> ()
      %add3A_144 = arith.constant 6 : i32
      %add3A_145 = arith.addi %add3A_31, %add3A_144 : i32
      %add3A_146 = arith.constant 1 : i32
      %add3A_147 = arith.addi %add3A_145, %add3A_146 : i32
      %dma_start3A_148 = arith.constant 0 : i32
      %dma_start3A_149 = tpu.memref_slice %arg6[%add3A_147, %dma_start3A_148] : memref<40x125xi32, #tpu.memory_space<vmem>> -> memref<1x125xi32, #tpu.memory_space<vmem>>
      %dma_start3A_150 = tpu.memref_squeeze %dma_start3A_149 : memref<1x125xi32, #tpu.memory_space<vmem>> -> memref<125xi32, #tpu.memory_space<vmem>>
      %dma_start3A_151 = arith.constant 0 : i32
      %dma_start3A_152 = arith.constant 0 : i32
      %dma_start3A_153 = tpu.memref_slice %arg2[%dma_start3A_151, %dma_start3A_152] : memref<20000x128xf32, #tpu.memory_space<hbm>> -> memref<20000x128xf32, #tpu.memory_space<hbm>>
      tpu.enqueue_indirect_dma source(%dma_start3A_153 : memref<20000x128xf32, #tpu.memory_space<hbm>>) target(%arg9 : memref<125x128xf32, #tpu.memory_space<vmem>>) offsets(%dma_start3A_150 : memref<125xi32, #tpu.memory_space<vmem>>) semaphore(%arg12 : memref<!tpu.dma_semaphore, #tpu.memory_space<semaphore_mem>>)
      %dma_wait3A_154 = arith.constant 0 : i32
      %dma_wait3A_155 = tpu.memref_slice %arg6[%add3A_129, %dma_wait3A_154] : memref<40x125xi32, #tpu.memory_space<vmem>> -> memref<1x125xi32, #tpu.memory_space<vmem>>
      %dma_wait3A_156 = tpu.memref_squeeze %dma_wait3A_155 : memref<1x125xi32, #tpu.memory_space<vmem>> -> memref<125xi32, #tpu.memory_space<vmem>>
      %dma_wait3A_157 = arith.constant 0 : i32
      %dma_wait3A_158 = arith.constant 0 : i32
      %dma_wait3A_159 = tpu.memref_slice %arg2[%dma_wait3A_157, %dma_wait3A_158] : memref<20000x128xf32, #tpu.memory_space<hbm>> -> memref<20000x128xf32, #tpu.memory_space<hbm>>
      tpu.wait_indirect_dma semaphore(%arg11 : memref<!tpu.dma_semaphore, #tpu.memory_space<semaphore_mem>>) src(%dma_wait3A_159 : memref<20000x128xf32, #tpu.memory_space<hbm>>) dst(%arg8 : memref<125x128xf32, #tpu.memory_space<vmem>>)
      %add3A_160 = arith.constant 6 : i32
      %add3A_161 = arith.addi %add3A_31, %add3A_160 : i32
      "tpu.region"() ({
        %run_scoped3A = tpu.sem_alloc : memref<!tpu.dma_semaphore, #tpu.memory_space<semaphore_mem>>
        %dma_start3A_170 = arith.constant 0 : i32
        %dma_start3A_171 = tpu.memref_slice %arg7[%add3A_161, %dma_start3A_170] : memref<40x125xi32, #tpu.memory_space<vmem>> -> memref<1x125xi32, #tpu.memory_space<vmem>>
        %dma_start3A_172 = tpu.memref_squeeze %dma_start3A_171 : memref<1x125xi32, #tpu.memory_space<vmem>> -> memref<125xi32, #tpu.memory_space<vmem>>
        %dma_start3A_173 = arith.constant 0 : i32
        %dma_start3A_174 = arith.constant 0 : i32
        %dma_start3A_175 = tpu.memref_slice %arg10[%dma_start3A_173, %dma_start3A_174] : memref<10240x128xf32, #tpu.memory_space<vmem_shared>> -> memref<10240x128xf32, #tpu.memory_space<vmem_shared>>
        tpu.enqueue_indirect_dma source(%arg8 : memref<125x128xf32, #tpu.memory_space<vmem>>) target(%dma_start3A_175 : memref<10240x128xf32, #tpu.memory_space<vmem_shared>>) offsets(%dma_start3A_172 : memref<125xi32, #tpu.memory_space<vmem>>) semaphore(%run_scoped3A : memref<!tpu.dma_semaphore, #tpu.memory_space<semaphore_mem>>) {add = true}
        %dma_wait3A_176 = arith.constant 0 : i32
        %dma_wait3A_177 = tpu.memref_slice %arg7[%add3A_161, %dma_wait3A_176] : memref<40x125xi32, #tpu.memory_space<vmem>> -> memref<1x125xi32, #tpu.memory_space<vmem>>
        %dma_wait3A_178 = tpu.memref_squeeze %dma_wait3A_177 : memref<1x125xi32, #tpu.memory_space<vmem>> -> memref<125xi32, #tpu.memory_space<vmem>>
        %dma_wait3A_179 = arith.constant 0 : i32
        %dma_wait3A_180 = arith.constant 0 : i32
        %dma_wait3A_181 = tpu.memref_slice %arg10[%dma_wait3A_179, %dma_wait3A_180] : memref<10240x128xf32, #tpu.memory_space<vmem_shared>> -> memref<10240x128xf32, #tpu.memory_space<vmem_shared>>
        tpu.wait_indirect_dma semaphore(%run_scoped3A : memref<!tpu.dma_semaphore, #tpu.memory_space<semaphore_mem>>) src(%arg8 : memref<125x128xf32, #tpu.memory_space<vmem>>) dst(%dma_wait3A_181 : memref<10240x128xf32, #tpu.memory_space<vmem_shared>>)
        tpu.yield
      }) : () -> ()
      %dma_wait3A_162 = arith.constant 0 : i32
      %dma_wait3A_163 = tpu.memref_slice %arg6[%add3A_147, %dma_wait3A_162] : memref<40x125xi32, #tpu.memory_space<vmem>> -> memref<1x125xi32, #tpu.memory_space<vmem>>
      %dma_wait3A_164 = tpu.memref_squeeze %dma_wait3A_163 : memref<1x125xi32, #tpu.memory_space<vmem>> -> memref<125xi32, #tpu.memory_space<vmem>>
      %dma_wait3A_165 = arith.constant 0 : i32
      %dma_wait3A_166 = arith.constant 0 : i32
      %dma_wait3A_167 = tpu.memref_slice %arg2[%dma_wait3A_165, %dma_wait3A_166] : memref<20000x128xf32, #tpu.memory_space<hbm>> -> memref<20000x128xf32, #tpu.memory_space<hbm>>
      tpu.wait_indirect_dma semaphore(%arg12 : memref<!tpu.dma_semaphore, #tpu.memory_space<semaphore_mem>>) src(%dma_wait3A_167 : memref<20000x128xf32, #tpu.memory_space<hbm>>) dst(%arg9 : memref<125x128xf32, #tpu.memory_space<vmem>>)
      %add3A_168 = arith.constant 7 : i32
      %add3A_169 = arith.addi %add3A_31, %add3A_168 : i32
      "tpu.region"() ({
        %run_scoped3A = tpu.sem_alloc : memref<!tpu.dma_semaphore, #tpu.memory_space<semaphore_mem>>
        %dma_start3A_170 = arith.constant 0 : i32
        %dma_start3A_171 = tpu.memref_slice %arg7[%add3A_169, %dma_start3A_170] : memref<40x125xi32, #tpu.memory_space<vmem>> -> memref<1x125xi32, #tpu.memory_space<vmem>>
        %dma_start3A_172 = tpu.memref_squeeze %dma_start3A_171 : memref<1x125xi32, #tpu.memory_space<vmem>> -> memref<125xi32, #tpu.memory_space<vmem>>
        %dma_start3A_173 = arith.constant 0 : i32
        %dma_start3A_174 = arith.constant 0 : i32
        %dma_start3A_175 = tpu.memref_slice %arg10[%dma_start3A_173, %dma_start3A_174] : memref<10240x128xf32, #tpu.memory_space<vmem_shared>> -> memref<10240x128xf32, #tpu.memory_space<vmem_shared>>
        tpu.enqueue_indirect_dma source(%arg9 : memref<125x128xf32, #tpu.memory_space<vmem>>) target(%dma_start3A_175 : memref<10240x128xf32, #tpu.memory_space<vmem_shared>>) offsets(%dma_start3A_172 : memref<125xi32, #tpu.memory_space<vmem>>) semaphore(%run_scoped3A : memref<!tpu.dma_semaphore, #tpu.memory_space<semaphore_mem>>) {add = true}
        %dma_wait3A_176 = arith.constant 0 : i32
        %dma_wait3A_177 = tpu.memref_slice %arg7[%add3A_169, %dma_wait3A_176] : memref<40x125xi32, #tpu.memory_space<vmem>> -> memref<1x125xi32, #tpu.memory_space<vmem>>
        %dma_wait3A_178 = tpu.memref_squeeze %dma_wait3A_177 : memref<1x125xi32, #tpu.memory_space<vmem>> -> memref<125xi32, #tpu.memory_space<vmem>>
        %dma_wait3A_179 = arith.constant 0 : i32
        %dma_wait3A_180 = arith.constant 0 : i32
        %dma_wait3A_181 = tpu.memref_slice %arg10[%dma_wait3A_179, %dma_wait3A_180] : memref<10240x128xf32, #tpu.memory_space<vmem_shared>> -> memref<10240x128xf32, #tpu.memory_space<vmem_shared>>
        tpu.wait_indirect_dma semaphore(%run_scoped3A : memref<!tpu.dma_semaphore, #tpu.memory_space<semaphore_mem>>) src(%arg9 : memref<125x128xf32, #tpu.memory_space<vmem>>) dst(%dma_wait3A_181 : memref<10240x128xf32, #tpu.memory_space<vmem_shared>>)
        tpu.yield
      }) : () -> ()
    }
    %scan3A_21 = arith.constant 5 : i32
    %barrier3A_22 = arith.constant 0 : index
    tpu.barrier barrier_id(%barrier3A_22)
    %mul3A_23 = arith.constant 640 : i32
    %mul3A_24 = arith.muli %arg1, %mul3A_23 : i32
    %mul3A_25 = arith.constant 640 : i32
    %mul3A_26 = arith.muli %arg1, %mul3A_25 : i32
    "tpu.region"() ({
      %run_scoped3A = tpu.sem_alloc : memref<!tpu.dma_semaphore, #tpu.memory_space<semaphore_mem>>
      %dma_start3A = arith.constant 0 : i32
      %dma_start3A_27 = tpu.memref_slice %arg5[%arg0, %mul3A_26, %dma_start3A] : memref<2x10240x128xf32, #tpu.memory_space<hbm>> -> memref<1x640x128xf32, #tpu.memory_space<hbm>>
      %dma_start3A_28 = tpu.memref_squeeze %dma_start3A_27 : memref<1x640x128xf32, #tpu.memory_space<hbm>> -> memref<640x128xf32, #tpu.memory_space<hbm>>
      %dma_start3A_29 = arith.constant 0 : i32
      %dma_start3A_30 = tpu.memref_slice %arg10[%mul3A_24, %dma_start3A_29] : memref<10240x128xf32, #tpu.memory_space<vmem_shared>> -> memref<640x128xf32, #tpu.memory_space<vmem_shared>>
      tpu.enqueue_dma source(%dma_start3A_30 : memref<640x128xf32, #tpu.memory_space<vmem_shared>>) target(%dma_start3A_28 : memref<640x128xf32, #tpu.memory_space<hbm>>) target_semaphore(%run_scoped3A : memref<!tpu.dma_semaphore, #tpu.memory_space<semaphore_mem>>)
      %dma_wait3A = arith.constant 0 : i32
      %dma_wait3A_31 = tpu.memref_slice %arg5[%arg0, %mul3A_26, %dma_wait3A] : memref<2x10240x128xf32, #tpu.memory_space<hbm>> -> memref<1x640x128xf32, #tpu.memory_space<hbm>>
      %dma_wait3A_32 = tpu.memref_squeeze %dma_wait3A_31 : memref<1x640x128xf32, #tpu.memory_space<hbm>> -> memref<640x128xf32, #tpu.memory_space<hbm>>
      %dma_wait3A_33 = arith.constant 0 : i32
      %dma_wait3A_34 = tpu.memref_slice %arg10[%mul3A_24, %dma_wait3A_33] : memref<10240x128xf32, #tpu.memory_space<vmem_shared>> -> memref<640x128xf32, #tpu.memory_space<vmem_shared>>
      tpu.wait_dma2 semaphore(%run_scoped3A : memref<!tpu.dma_semaphore, #tpu.memory_space<semaphore_mem>>) src(%dma_wait3A_34 : memref<640x128xf32, #tpu.memory_space<vmem_shared>>) dst(%dma_wait3A_32 : memref<640x128xf32, #tpu.memory_space<hbm>>)
      tpu.yield
    }) : () -> ()
    return
  }
}

#map = affine_map<(d0, d1) -> (0, 0)>
#map1 = affine_map<(d0, d1) -> (0, 0, 0, 0)>
#map2 = affine_map<(d0, d1) -> (0, 0, 0)>
module attributes {stable_mosaic.version = 14 : i64} {
  func.func @seg_sum(%arg0: i32, %arg1: i32, %arg2: memref<20000x128xf32, #tpu.memory_space<hbm>>, %arg3: memref<2x16x80x125xi32, #tpu.memory_space<hbm>>, %arg4: memref<16x80x125xi32, #tpu.memory_space<hbm>>, %arg5: memref<2x10240x128xf32, #tpu.memory_space<hbm>>, %arg6: memref<40x125xi32, #tpu.memory_space<vmem>>, %arg7: memref<40x125xi32, #tpu.memory_space<vmem>>, %arg8: memref<125x128xf32, #tpu.memory_space<vmem>>, %arg9: memref<125x128xf32, #tpu.memory_space<vmem>>, %arg10: memref<10240x128xf32, #tpu.memory_space<vmem_shared>>, %arg11: memref<!tpu.dma_semaphore, #tpu.memory_space<semaphore_mem>>, %arg12: memref<!tpu.dma_semaphore, #tpu.memory_space<semaphore_mem>>) attributes {dimension_semantics = [#tpu.dimension_semantics<core_parallel>, #tpu.dimension_semantics<subcore_parallel>], iteration_bounds = array<i64: 2, 16>, scalar_prefetch = 0 : i64, scratch_operands = 7 : i64, tpu.core_type = #tpu.core_type<sc_vector_subcore>, window_params = [{transform_indices = #map}, {transform_indices = #map1}, {transform_indices = #map2}, {transform_indices = #map2}]} {
    %broadcast_in_dim3A = arith.constant 0.000000e+00 : f32
    %broadcast_in_dim3A_0 = vector.broadcast %broadcast_in_dim3A : f32 to vector<16xf32>
    %scan3A = arith.constant 0 : i32
    %scan3A_1 = arith.constant 125 : i32
    %scan3A_2 = arith.addi %scan3A, %scan3A_1 : i32
    %scan3A_3 = arith.constant 1 : i32
    scf.for %scan3A_27 = %scan3A to %scan3A_2 step %scan3A_3  : i32 {
      %mul3A_28 = arith.constant 1 : i32
      %mul3A_29 = arith.muli %scan3A_27, %mul3A_28 : i32
      %add3A_30 = arith.constant 0 : i32
      %add3A_31 = arith.addi %add3A_30, %mul3A_29 : i32
      %swap3A = arith.index_cast %add3A_31 : i32 to index
      %swap3A_32 = arith.constant 0 : index
      %swap3A_33 = tpu.vector_load %arg8[%swap3A, %swap3A_32] {strides = array<i32>} : memref<125x128xf32, #tpu.memory_space<vmem>>, vector<1x16xf32>,
      %swap3A_34 = vector.shape_cast %swap3A_33 : vector<1x16xf32> to vector<16xf32>
      %swap3A_35 = vector.shape_cast %broadcast_in_dim3A_0 : vector<16xf32> to vector<1x16xf32>
      tpu.vector_store %arg8[%swap3A, %swap3A_32], %swap3A_35 {strides = array<i32>} : memref<125x128xf32, #tpu.memory_space<vmem>>, vector<1x16xf32>,
      %swap3A_36 = arith.index_cast %add3A_31 : i32 to index
      %swap3A_37 = arith.constant 16 : index
      %swap3A_38 = tpu.vector_load %arg8[%swap3A_36, %swap3A_37] {strides = array<i32>} : memref<125x128xf32, #tpu.memory_space<vmem>>, vector<1x16xf32>,
      %swap3A_39 = vector.shape_cast %swap3A_38 : vector<1x16xf32> to vector<16xf32>
      %swap3A_40 = vector.shape_cast %broadcast_in_dim3A_0 : vector<16xf32> to vector<1x16xf32>
      tpu.vector_store %arg8[%swap3A_36, %swap3A_37], %swap3A_40 {strides = array<i32>} : memref<125x128xf32, #tpu.memory_space<vmem>>, vector<1x16xf32>,
      %swap3A_41 = arith.index_cast %add3A_31 : i32 to index
      %swap3A_42 = arith.constant 32 : index
      %swap3A_43 = tpu.vector_load %arg8[%swap3A_41, %swap3A_42] {strides = array<i32>} : memref<125x128xf32, #tpu.memory_space<vmem>>, vector<1x16xf32>,
      %swap3A_44 = vector.shape_cast %swap3A_43 : vector<1x16xf32> to vector<16xf32>
      %swap3A_45 = vector.shape_cast %broadcast_in_dim3A_0 : vector<16xf32> to vector<1x16xf32>
      tpu.vector_store %arg8[%swap3A_41, %swap3A_42], %swap3A_45 {strides = array<i32>} : memref<125x128xf32, #tpu.memory_space<vmem>>, vector<1x16xf32>,
      %swap3A_46 = arith.index_cast %add3A_31 : i32 to index
      %swap3A_47 = arith.constant 48 : index
      %swap3A_48 = tpu.vector_load %arg8[%swap3A_46, %swap3A_47] {strides = array<i32>} : memref<125x128xf32, #tpu.memory_space<vmem>>, vector<1x16xf32>,
      %swap3A_49 = vector.shape_cast %swap3A_48 : vector<1x16xf32> to vector<16xf32>
      %swap3A_50 = vector.shape_cast %broadcast_in_dim3A_0 : vector<16xf32> to vector<1x16xf32>
      tpu.vector_store %arg8[%swap3A_46, %swap3A_47], %swap3A_50 {strides = array<i32>} : memref<125x128xf32, #tpu.memory_space<vmem>>, vector<1x16xf32>,
      %swap3A_51 = arith.index_cast %add3A_31 : i32 to index
      %swap3A_52 = arith.constant 64 : index
      %swap3A_53 = tpu.vector_load %arg8[%swap3A_51, %swap3A_52] {strides = array<i32>} : memref<125x128xf32, #tpu.memory_space<vmem>>, vector<1x16xf32>,
      %swap3A_54 = vector.shape_cast %swap3A_53 : vector<1x16xf32> to vector<16xf32>
      %swap3A_55 = vector.shape_cast %broadcast_in_dim3A_0 : vector<16xf32> to vector<1x16xf32>
      tpu.vector_store %arg8[%swap3A_51, %swap3A_52], %swap3A_55 {strides = array<i32>} : memref<125x128xf32, #tpu.memory_space<vmem>>, vector<1x16xf32>,
      %swap3A_56 = arith.index_cast %add3A_31 : i32 to index
      %swap3A_57 = arith.constant 80 : index
      %swap3A_58 = tpu.vector_load %arg8[%swap3A_56, %swap3A_57] {strides = array<i32>} : memref<125x128xf32, #tpu.memory_space<vmem>>, vector<1x16xf32>,
      %swap3A_59 = vector.shape_cast %swap3A_58 : vector<1x16xf32> to vector<16xf32>
      %swap3A_60 = vector.shape_cast %broadcast_in_dim3A_0 : vector<16xf32> to vector<1x16xf32>
      tpu.vector_store %arg8[%swap3A_56, %swap3A_57], %swap3A_60 {strides = array<i32>} : memref<125x128xf32, #tpu.memory_space<vmem>>, vector<1x16xf32>,
      %swap3A_61 = arith.index_cast %add3A_31 : i32 to index
      %swap3A_62 = arith.constant 96 : index
      %swap3A_63 = tpu.vector_load %arg8[%swap3A_61, %swap3A_62] {strides = array<i32>} : memref<125x128xf32, #tpu.memory_space<vmem>>, vector<1x16xf32>,
      %swap3A_64 = vector.shape_cast %swap3A_63 : vector<1x16xf32> to vector<16xf32>
      %swap3A_65 = vector.shape_cast %broadcast_in_dim3A_0 : vector<16xf32> to vector<1x16xf32>
      tpu.vector_store %arg8[%swap3A_61, %swap3A_62], %swap3A_65 {strides = array<i32>} : memref<125x128xf32, #tpu.memory_space<vmem>>, vector<1x16xf32>,
      %swap3A_66 = arith.index_cast %add3A_31 : i32 to index
      %swap3A_67 = arith.constant 112 : index
      %swap3A_68 = tpu.vector_load %arg8[%swap3A_66, %swap3A_67] {strides = array<i32>} : memref<125x128xf32, #tpu.memory_space<vmem>>, vector<1x16xf32>,
      %swap3A_69 = vector.shape_cast %swap3A_68 : vector<1x16xf32> to vector<16xf32>
      %swap3A_70 = vector.shape_cast %broadcast_in_dim3A_0 : vector<16xf32> to vector<1x16xf32>
      tpu.vector_store %arg8[%swap3A_66, %swap3A_67], %swap3A_70 {strides = array<i32>} : memref<125x128xf32, #tpu.memory_space<vmem>>, vector<1x16xf32>,
    }
    %scan3A_4 = arith.constant 125 : i32
    %scan3A_5 = arith.constant 0 : i32
    %scan3A_6 = arith.constant 5 : i32
    %scan3A_7 = arith.addi %scan3A_5, %scan3A_6 : i32
    %scan3A_8 = arith.constant 1 : i32
    scf.for %scan3A_27 = %scan3A_5 to %scan3A_7 step %scan3A_8  : i32 {
      %mul3A_28 = arith.constant 1 : i32
      %mul3A_29 = arith.muli %scan3A_27, %mul3A_28 : i32
      %add3A_30 = arith.constant 0 : i32
      %add3A_31 = arith.addi %add3A_30, %mul3A_29 : i32
      %mul3A_32 = arith.constant 640 : i32
      %mul3A_33 = arith.muli %arg1, %mul3A_32 : i32
      %mul3A_34 = arith.constant 120 : i32
      %mul3A_35 = arith.muli %add3A_31, %mul3A_34 : i32
      %add3A_36 = arith.addi %mul3A_33, %mul3A_35 : i32
      "tpu.region"() ({
        %run_scoped3A = tpu.sem_alloc : memref<!tpu.dma_semaphore, #tpu.memory_space<semaphore_mem>>
        %dma_start3A = arith.constant 0 : i32
        %dma_start3A_37 = arith.constant 0 : i32
        %dma_start3A_38 = tpu.memref_slice %arg8[%dma_start3A, %dma_start3A_37] : memref<125x128xf32, #tpu.memory_space<vmem>> -> memref<120x128xf32, #tpu.memory_space<vmem>>
        %dma_start3A_39 = arith.constant 0 : i32
        %dma_start3A_40 = tpu.memref_slice %arg10[%add3A_36, %dma_start3A_39] : memref<10240x128xf32, #tpu.memory_space<vmem_shared>> -> memref<120x128xf32, #tpu.memory_space<vmem_shared>>
        %dma_start3A_41 = arith.constant 0 : i32
        %dma_start3A_42 = tpu.memref_slice %arg10[%add3A_36, %dma_start3A_41] : memref<10240x128xf32, #tpu.memory_space<vmem_shared>> -> memref<120x128xf32, #tpu.memory_space<vmem_shared>>
        %dma_start3A_43 = arith.constant 0 : i32
        %dma_start3A_44 = arith.constant 0 : i32
        %dma_start3A_45 = tpu.memref_slice %arg8[%dma_start3A_43, %dma_start3A_44] : memref<125x128xf32, #tpu.memory_space<vmem>> -> memref<120x128xf32, #tpu.memory_space<vmem>>
        tpu.enqueue_dma source(%dma_start3A_45 : memref<120x128xf32, #tpu.memory_space<vmem>>) target(%dma_start3A_42 : memref<120x128xf32, #tpu.memory_space<vmem_shared>>) target_semaphore(%run_scoped3A : memref<!tpu.dma_semaphore, #tpu.memory_space<semaphore_mem>>)
        %dma_wait3A = arith.constant 0 : i32
        %dma_wait3A_46 = arith.constant 0 : i32
        %dma_wait3A_47 = tpu.memref_slice %arg8[%dma_wait3A, %dma_wait3A_46] : memref<125x128xf32, #tpu.memory_space<vmem>> -> memref<120x128xf32, #tpu.memory_space<vmem>>
        %dma_wait3A_48 = arith.constant 0 : i32
        %dma_wait3A_49 = tpu.memref_slice %arg10[%add3A_36, %dma_wait3A_48] : memref<10240x128xf32, #tpu.memory_space<vmem_shared>> -> memref<120x128xf32, #tpu.memory_space<vmem_shared>>
        %dma_wait3A_50 = arith.constant 0 : i32
        %dma_wait3A_51 = tpu.memref_slice %arg10[%add3A_36, %dma_wait3A_50] : memref<10240x128xf32, #tpu.memory_space<vmem_shared>> -> memref<120x128xf32, #tpu.memory_space<vmem_shared>>
        %dma_wait3A_52 = arith.constant 0 : i32
        %dma_wait3A_53 = arith.constant 0 : i32
        %dma_wait3A_54 = tpu.memref_slice %arg8[%dma_wait3A_52, %dma_wait3A_53] : memref<125x128xf32, #tpu.memory_space<vmem>> -> memref<120x128xf32, #tpu.memory_space<vmem>>
        tpu.wait_dma2 semaphore(%run_scoped3A : memref<!tpu.dma_semaphore, #tpu.memory_space<semaphore_mem>>) src(%dma_wait3A_54 : memref<120x128xf32, #tpu.memory_space<vmem>>) dst(%dma_wait3A_51 : memref<120x128xf32, #tpu.memory_space<vmem_shared>>)
        tpu.yield
      }) : () -> ()
    }
    %scan3A_9 = arith.constant 5 : i32
    %mul3A = arith.constant 640 : i32
    %mul3A_10 = arith.muli %arg1, %mul3A : i32
    %add3A = arith.constant 600 : i32
    %add3A_11 = arith.addi %mul3A_10, %add3A : i32
    "tpu.region"() ({
      %run_scoped3A = tpu.sem_alloc : memref<!tpu.dma_semaphore, #tpu.memory_space<semaphore_mem>>
      %dma_start3A = arith.constant 0 : i32
      %dma_start3A_27 = arith.constant 0 : i32
      %dma_start3A_28 = tpu.memref_slice %arg8[%dma_start3A, %dma_start3A_27] : memref<125x128xf32, #tpu.memory_space<vmem>> -> memref<40x128xf32, #tpu.memory_space<vmem>>
      %dma_start3A_29 = arith.constant 0 : i32
      %dma_start3A_30 = tpu.memref_slice %arg10[%add3A_11, %dma_start3A_29] : memref<10240x128xf32, #tpu.memory_space<vmem_shared>> -> memref<40x128xf32, #tpu.memory_space<vmem_shared>>
      %dma_start3A_31 = arith.constant 0 : i32
      %dma_start3A_32 = tpu.memref_slice %arg10[%add3A_11, %dma_start3A_31] : memref<10240x128xf32, #tpu.memory_space<vmem_shared>> -> memref<40x128xf32, #tpu.memory_space<vmem_shared>>
      %dma_start3A_33 = arith.constant 0 : i32
      %dma_start3A_34 = arith.constant 0 : i32
      %dma_start3A_35 = tpu.memref_slice %arg8[%dma_start3A_33, %dma_start3A_34] : memref<125x128xf32, #tpu.memory_space<vmem>> -> memref<40x128xf32, #tpu.memory_space<vmem>>
      tpu.enqueue_dma source(%dma_start3A_35 : memref<40x128xf32, #tpu.memory_space<vmem>>) target(%dma_start3A_32 : memref<40x128xf32, #tpu.memory_space<vmem_shared>>) target_semaphore(%run_scoped3A : memref<!tpu.dma_semaphore, #tpu.memory_space<semaphore_mem>>)
      %dma_wait3A = arith.constant 0 : i32
      %dma_wait3A_36 = arith.constant 0 : i32
      %dma_wait3A_37 = tpu.memref_slice %arg8[%dma_wait3A, %dma_wait3A_36] : memref<125x128xf32, #tpu.memory_space<vmem>> -> memref<40x128xf32, #tpu.memory_space<vmem>>
      %dma_wait3A_38 = arith.constant 0 : i32
      %dma_wait3A_39 = tpu.memref_slice %arg10[%add3A_11, %dma_wait3A_38] : memref<10240x128xf32, #tpu.memory_space<vmem_shared>> -> memref<40x128xf32, #tpu.memory_space<vmem_shared>>
      %dma_wait3A_40 = arith.constant 0 : i32
      %dma_wait3A_41 = tpu.memref_slice %arg10[%add3A_11, %dma_wait3A_40] : memref<10240x128xf32, #tpu.memory_space<vmem_shared>> -> memref<40x128xf32, #tpu.memory_space<vmem_shared>>
      %dma_wait3A_42 = arith.constant 0 : i32
      %dma_wait3A_43 = arith.constant 0 : i32
      %dma_wait3A_44 = tpu.memref_slice %arg8[%dma_wait3A_42, %dma_wait3A_43] : memref<125x128xf32, #tpu.memory_space<vmem>> -> memref<40x128xf32, #tpu.memory_space<vmem>>
      tpu.wait_dma2 semaphore(%run_scoped3A : memref<!tpu.dma_semaphore, #tpu.memory_space<semaphore_mem>>) src(%dma_wait3A_44 : memref<40x128xf32, #tpu.memory_space<vmem>>) dst(%dma_wait3A_41 : memref<40x128xf32, #tpu.memory_space<vmem_shared>>)
      tpu.yield
    }) : () -> ()
    %barrier3A = arith.constant 0 : index
    tpu.barrier barrier_id(%barrier3A)
    "tpu.region"() ({
      %run_scoped3A = tpu.sem_alloc : memref<!tpu.dma_semaphore, #tpu.memory_space<semaphore_mem>>
      %dma_start3A = arith.constant 0 : i32
      %dma_start3A_27 = arith.constant 0 : i32
      %dma_start3A_28 = tpu.memref_slice %arg3[%arg0, %arg1, %dma_start3A, %dma_start3A_27] : memref<2x16x80x125xi32, #tpu.memory_space<hbm>> -> memref<1x1x40x125xi32, #tpu.memory_space<hbm>>
      %dma_start3A_29 = tpu.memref_squeeze %dma_start3A_28 : memref<1x1x40x125xi32, #tpu.memory_space<hbm>> -> memref<40x125xi32, #tpu.memory_space<hbm>>
      %dma_start3A_30 = arith.constant 0 : i32
      %dma_start3A_31 = arith.constant 0 : i32
      %dma_start3A_32 = tpu.memref_slice %arg3[%arg0, %arg1, %dma_start3A_30, %dma_start3A_31] : memref<2x16x80x125xi32, #tpu.memory_space<hbm>> -> memref<1x1x40x125xi32, #tpu.memory_space<hbm>>
      %dma_start3A_33 = tpu.memref_squeeze %dma_start3A_32 : memref<1x1x40x125xi32, #tpu.memory_space<hbm>> -> memref<40x125xi32, #tpu.memory_space<hbm>>
      tpu.enqueue_dma source(%dma_start3A_33 : memref<40x125xi32, #tpu.memory_space<hbm>>) target(%arg6 : memref<40x125xi32, #tpu.memory_space<vmem>>) target_semaphore(%run_scoped3A : memref<!tpu.dma_semaphore, #tpu.memory_space<semaphore_mem>>)
      %dma_wait3A = arith.constant 0 : i32
      %dma_wait3A_34 = arith.constant 0 : i32
      %dma_wait3A_35 = tpu.memref_slice %arg3[%arg0, %arg1, %dma_wait3A, %dma_wait3A_34] : memref<2x16x80x125xi32, #tpu.memory_space<hbm>> -> memref<1x1x40x125xi32, #tpu.memory_space<hbm>>
      %dma_wait3A_36 = tpu.memref_squeeze %dma_wait3A_35 : memref<1x1x40x125xi32, #tpu.memory_space<hbm>> -> memref<40x125xi32, #tpu.memory_space<hbm>>
      %dma_wait3A_37 = arith.constant 0 : i32
      %dma_wait3A_38 = arith.constant 0 : i32
      %dma_wait3A_39 = tpu.memref_slice %arg3[%arg0, %arg1, %dma_wait3A_37, %dma_wait3A_38] : memref<2x16x80x125xi32, #tpu.memory_space<hbm>> -> memref<1x1x40x125xi32, #tpu.memory_space<hbm>>
      %dma_wait3A_40 = tpu.memref_squeeze %dma_wait3A_39 : memref<1x1x40x125xi32, #tpu.memory_space<hbm>> -> memref<40x125xi32, #tpu.memory_space<hbm>>
      tpu.wait_dma2 semaphore(%run_scoped3A : memref<!tpu.dma_semaphore, #tpu.memory_space<semaphore_mem>>) src(%dma_wait3A_40 : memref<40x125xi32, #tpu.memory_space<hbm>>) dst(%arg6 : memref<40x125xi32, #tpu.memory_space<vmem>>)
      tpu.yield
    }) : () -> ()
    "tpu.region"() ({
      %run_scoped3A = tpu.sem_alloc : memref<!tpu.dma_semaphore, #tpu.memory_space<semaphore_mem>>
      %dma_start3A = arith.constant 0 : i32
      %dma_start3A_27 = arith.constant 0 : i32
      %dma_start3A_28 = tpu.memref_slice %arg4[%arg1, %dma_start3A, %dma_start3A_27] : memref<16x80x125xi32, #tpu.memory_space<hbm>> -> memref<1x40x125xi32, #tpu.memory_space<hbm>>
      %dma_start3A_29 = tpu.memref_squeeze %dma_start3A_28 : memref<1x40x125xi32, #tpu.memory_space<hbm>> -> memref<40x125xi32, #tpu.memory_space<hbm>>
      %dma_start3A_30 = arith.constant 0 : i32
      %dma_start3A_31 = arith.constant 0 : i32
      %dma_start3A_32 = tpu.memref_slice %arg4[%arg1, %dma_start3A_30, %dma_start3A_31] : memref<16x80x125xi32, #tpu.memory_space<hbm>> -> memref<1x40x125xi32, #tpu.memory_space<hbm>>
      %dma_start3A_33 = tpu.memref_squeeze %dma_start3A_32 : memref<1x40x125xi32, #tpu.memory_space<hbm>> -> memref<40x125xi32, #tpu.memory_space<hbm>>
      tpu.enqueue_dma source(%dma_start3A_33 : memref<40x125xi32, #tpu.memory_space<hbm>>) target(%arg7 : memref<40x125xi32, #tpu.memory_space<vmem>>) target_semaphore(%run_scoped3A : memref<!tpu.dma_semaphore, #tpu.memory_space<semaphore_mem>>)
      %dma_wait3A = arith.constant 0 : i32
      %dma_wait3A_34 = arith.constant 0 : i32
      %dma_wait3A_35 = tpu.memref_slice %arg4[%arg1, %dma_wait3A, %dma_wait3A_34] : memref<16x80x125xi32, #tpu.memory_space<hbm>> -> memref<1x40x125xi32, #tpu.memory_space<hbm>>
      %dma_wait3A_36 = tpu.memref_squeeze %dma_wait3A_35 : memref<1x40x125xi32, #tpu.memory_space<hbm>> -> memref<40x125xi32, #tpu.memory_space<hbm>>
      %dma_wait3A_37 = arith.constant 0 : i32
      %dma_wait3A_38 = arith.constant 0 : i32
      %dma_wait3A_39 = tpu.memref_slice %arg4[%arg1, %dma_wait3A_37, %dma_wait3A_38] : memref<16x80x125xi32, #tpu.memory_space<hbm>> -> memref<1x40x125xi32, #tpu.memory_space<hbm>>
      %dma_wait3A_40 = tpu.memref_squeeze %dma_wait3A_39 : memref<1x40x125xi32, #tpu.memory_space<hbm>> -> memref<40x125xi32, #tpu.memory_space<hbm>>
      tpu.wait_dma2 semaphore(%run_scoped3A : memref<!tpu.dma_semaphore, #tpu.memory_space<semaphore_mem>>) src(%dma_wait3A_40 : memref<40x125xi32, #tpu.memory_space<hbm>>) dst(%arg7 : memref<40x125xi32, #tpu.memory_space<vmem>>)
      tpu.yield
    }) : () -> ()
    %scan3A_12 = arith.constant 0 : i32
    %scan3A_13 = arith.constant 5 : i32
    %scan3A_14 = arith.addi %scan3A_12, %scan3A_13 : i32
    %scan3A_15 = arith.constant 1 : i32
    scf.for %scan3A_27 = %scan3A_12 to %scan3A_14 step %scan3A_15  : i32 {
      %mul3A_28 = arith.constant 8 : i32
      %mul3A_29 = arith.muli %scan3A_27, %mul3A_28 : i32
      %add3A_30 = arith.constant 0 : i32
      %add3A_31 = arith.addi %add3A_30, %mul3A_29 : i32
      %dma_start3A = arith.constant 0 : i32
      %dma_start3A_32 = tpu.memref_slice %arg6[%add3A_31, %dma_start3A] : memref<40x125xi32, #tpu.memory_space<vmem>> -> memref<1x125xi32, #tpu.memory_space<vmem>>
      %dma_start3A_33 = tpu.memref_squeeze %dma_start3A_32 : memref<1x125xi32, #tpu.memory_space<vmem>> -> memref<125xi32, #tpu.memory_space<vmem>>
      %dma_start3A_34 = arith.constant 0 : i32
      %dma_start3A_35 = arith.constant 0 : i32
      %dma_start3A_36 = tpu.memref_slice %arg2[%dma_start3A_34, %dma_start3A_35] : memref<20000x128xf32, #tpu.memory_space<hbm>> -> memref<20000x128xf32, #tpu.memory_space<hbm>>
      tpu.enqueue_indirect_dma source(%dma_start3A_36 : memref<20000x128xf32, #tpu.memory_space<hbm>>) target(%arg8 : memref<125x128xf32, #tpu.memory_space<vmem>>) offsets(%dma_start3A_33 : memref<125xi32, #tpu.memory_space<vmem>>) semaphore(%arg11 : memref<!tpu.dma_semaphore, #tpu.memory_space<semaphore_mem>>)
      %add3A_37 = arith.constant 0 : i32
      %add3A_38 = arith.addi %add3A_31, %add3A_37 : i32
      %add3A_39 = arith.constant 1 : i32
      %add3A_40 = arith.addi %add3A_38, %add3A_39 : i32
      %dma_start3A_41 = arith.constant 0 : i32
      %dma_start3A_42 = tpu.memref_slice %arg6[%add3A_40, %dma_start3A_41] : memref<40x125xi32, #tpu.memory_space<vmem>> -> memref<1x125xi32, #tpu.memory_space<vmem>>
      %dma_start3A_43 = tpu.memref_squeeze %dma_start3A_42 : memref<1x125xi32, #tpu.memory_space<vmem>> -> memref<125xi32, #tpu.memory_space<vmem>>
      %dma_start3A_44 = arith.constant 0 : i32
      %dma_start3A_45 = arith.constant 0 : i32
      %dma_start3A_46 = tpu.memref_slice %arg2[%dma_start3A_44, %dma_start3A_45] : memref<20000x128xf32, #tpu.memory_space<hbm>> -> memref<20000x128xf32, #tpu.memory_space<hbm>>
      tpu.enqueue_indirect_dma source(%dma_start3A_46 : memref<20000x128xf32, #tpu.memory_space<hbm>>) target(%arg9 : memref<125x128xf32, #tpu.memory_space<vmem>>) offsets(%dma_start3A_43 : memref<125xi32, #tpu.memory_space<vmem>>) semaphore(%arg12 : memref<!tpu.dma_semaphore, #tpu.memory_space<semaphore_mem>>)
      %dma_wait3A = arith.constant 0 : i32
      %dma_wait3A_47 = tpu.memref_slice %arg6[%add3A_31, %dma_wait3A] : memref<40x125xi32, #tpu.memory_space<vmem>> -> memref<1x125xi32, #tpu.memory_space<vmem>>
      %dma_wait3A_48 = tpu.memref_squeeze %dma_wait3A_47 : memref<1x125xi32, #tpu.memory_space<vmem>> -> memref<125xi32, #tpu.memory_space<vmem>>
      %dma_wait3A_49 = arith.constant 0 : i32
      %dma_wait3A_50 = arith.constant 0 : i32
      %dma_wait3A_51 = tpu.memref_slice %arg2[%dma_wait3A_49, %dma_wait3A_50] : memref<20000x128xf32, #tpu.memory_space<hbm>> -> memref<20000x128xf32, #tpu.memory_space<hbm>>
      tpu.wait_indirect_dma semaphore(%arg11 : memref<!tpu.dma_semaphore, #tpu.memory_space<semaphore_mem>>) src(%dma_wait3A_51 : memref<20000x128xf32, #tpu.memory_space<hbm>>) dst(%arg8 : memref<125x128xf32, #tpu.memory_space<vmem>>)
      %add3A_52 = arith.constant 0 : i32
      %add3A_53 = arith.addi %add3A_31, %add3A_52 : i32
      "tpu.region"() ({
        %run_scoped3A = tpu.sem_alloc : memref<!tpu.dma_semaphore, #tpu.memory_space<semaphore_mem>>
        %dma_start3A_170 = arith.constant 0 : i32
        %dma_start3A_171 = tpu.memref_slice %arg7[%add3A_53, %dma_start3A_170] : memref<40x125xi32, #tpu.memory_space<vmem>> -> memref<1x125xi32, #tpu.memory_space<vmem>>
        %dma_start3A_172 = tpu.memref_squeeze %dma_start3A_171 : memref<1x125xi32, #tpu.memory_space<vmem>> -> memref<125xi32, #tpu.memory_space<vmem>>
        %dma_start3A_173 = arith.constant 0 : i32
        %dma_start3A_174 = arith.constant 0 : i32
        %dma_start3A_175 = tpu.memref_slice %arg10[%dma_start3A_173, %dma_start3A_174] : memref<10240x128xf32, #tpu.memory_space<vmem_shared>> -> memref<10240x128xf32, #tpu.memory_space<vmem_shared>>
        tpu.enqueue_indirect_dma source(%arg8 : memref<125x128xf32, #tpu.memory_space<vmem>>) target(%dma_start3A_175 : memref<10240x128xf32, #tpu.memory_space<vmem_shared>>) offsets(%dma_start3A_172 : memref<125xi32, #tpu.memory_space<vmem>>) semaphore(%run_scoped3A : memref<!tpu.dma_semaphore, #tpu.memory_space<semaphore_mem>>) {add = true}
        %dma_wait3A_176 = arith.constant 0 : i32
        %dma_wait3A_177 = tpu.memref_slice %arg7[%add3A_53, %dma_wait3A_176] : memref<40x125xi32, #tpu.memory_space<vmem>> -> memref<1x125xi32, #tpu.memory_space<vmem>>
        %dma_wait3A_178 = tpu.memref_squeeze %dma_wait3A_177 : memref<1x125xi32, #tpu.memory_space<vmem>> -> memref<125xi32, #tpu.memory_space<vmem>>
        %dma_wait3A_179 = arith.constant 0 : i32
        %dma_wait3A_180 = arith.constant 0 : i32
        %dma_wait3A_181 = tpu.memref_slice %arg10[%dma_wait3A_179, %dma_wait3A_180] : memref<10240x128xf32, #tpu.memory_space<vmem_shared>> -> memref<10240x128xf32, #tpu.memory_space<vmem_shared>>
        tpu.wait_indirect_dma semaphore(%run_scoped3A : memref<!tpu.dma_semaphore, #tpu.memory_space<semaphore_mem>>) src(%arg8 : memref<125x128xf32, #tpu.memory_space<vmem>>) dst(%dma_wait3A_181 : memref<10240x128xf32, #tpu.memory_space<vmem_shared>>)
        tpu.yield
      }) : () -> ()
      %add3A_54 = arith.constant 1 : i32
      %add3A_55 = arith.addi %add3A_31, %add3A_54 : i32
      %add3A_56 = arith.constant 1 : i32
      %add3A_57 = arith.addi %add3A_55, %add3A_56 : i32
      %dma_start3A_58 = arith.constant 0 : i32
      %dma_start3A_59 = tpu.memref_slice %arg6[%add3A_57, %dma_start3A_58] : memref<40x125xi32, #tpu.memory_space<vmem>> -> memref<1x125xi32, #tpu.memory_space<vmem>>
      %dma_start3A_60 = tpu.memref_squeeze %dma_start3A_59 : memref<1x125xi32, #tpu.memory_space<vmem>> -> memref<125xi32, #tpu.memory_space<vmem>>
      %dma_start3A_61 = arith.constant 0 : i32
      %dma_start3A_62 = arith.constant 0 : i32
      %dma_start3A_63 = tpu.memref_slice %arg2[%dma_start3A_61, %dma_start3A_62] : memref<20000x128xf32, #tpu.memory_space<hbm>> -> memref<20000x128xf32, #tpu.memory_space<hbm>>
      tpu.enqueue_indirect_dma source(%dma_start3A_63 : memref<20000x128xf32, #tpu.memory_space<hbm>>) target(%arg8 : memref<125x128xf32, #tpu.memory_space<vmem>>) offsets(%dma_start3A_60 : memref<125xi32, #tpu.memory_space<vmem>>) semaphore(%arg11 : memref<!tpu.dma_semaphore, #tpu.memory_space<semaphore_mem>>)
      %dma_wait3A_64 = arith.constant 0 : i32
      %dma_wait3A_65 = tpu.memref_slice %arg6[%add3A_40, %dma_wait3A_64] : memref<40x125xi32, #tpu.memory_space<vmem>> -> memref<1x125xi32, #tpu.memory_space<vmem>>
      %dma_wait3A_66 = tpu.memref_squeeze %dma_wait3A_65 : memref<1x125xi32, #tpu.memory_space<vmem>> -> memref<125xi32, #tpu.memory_space<vmem>>
      %dma_wait3A_67 = arith.constant 0 : i32
      %dma_wait3A_68 = arith.constant 0 : i32
      %dma_wait3A_69 = tpu.memref_slice %arg2[%dma_wait3A_67, %dma_wait3A_68] : memref<20000x128xf32, #tpu.memory_space<hbm>> -> memref<20000x128xf32, #tpu.memory_space<hbm>>
      tpu.wait_indirect_dma semaphore(%arg12 : memref<!tpu.dma_semaphore, #tpu.memory_space<semaphore_mem>>) src(%dma_wait3A_69 : memref<20000x128xf32, #tpu.memory_space<hbm>>) dst(%arg9 : memref<125x128xf32, #tpu.memory_space<vmem>>)
      %add3A_70 = arith.constant 1 : i32
      %add3A_71 = arith.addi %add3A_31, %add3A_70 : i32
      "tpu.region"() ({
        %run_scoped3A = tpu.sem_alloc : memref<!tpu.dma_semaphore, #tpu.memory_space<semaphore_mem>>
        %dma_start3A_170 = arith.constant 0 : i32
        %dma_start3A_171 = tpu.memref_slice %arg7[%add3A_71, %dma_start3A_170] : memref<40x125xi32, #tpu.memory_space<vmem>> -> memref<1x125xi32, #tpu.memory_space<vmem>>
        %dma_start3A_172 = tpu.memref_squeeze %dma_start3A_171 : memref<1x125xi32, #tpu.memory_space<vmem>> -> memref<125xi32, #tpu.memory_space<vmem>>
        %dma_start3A_173 = arith.constant 0 : i32
        %dma_start3A_174 = arith.constant 0 : i32
        %dma_start3A_175 = tpu.memref_slice %arg10[%dma_start3A_173, %dma_start3A_174] : memref<10240x128xf32, #tpu.memory_space<vmem_shared>> -> memref<10240x128xf32, #tpu.memory_space<vmem_shared>>
        tpu.enqueue_indirect_dma source(%arg9 : memref<125x128xf32, #tpu.memory_space<vmem>>) target(%dma_start3A_175 : memref<10240x128xf32, #tpu.memory_space<vmem_shared>>) offsets(%dma_start3A_172 : memref<125xi32, #tpu.memory_space<vmem>>) semaphore(%run_scoped3A : memref<!tpu.dma_semaphore, #tpu.memory_space<semaphore_mem>>) {add = true}
        %dma_wait3A_176 = arith.constant 0 : i32
        %dma_wait3A_177 = tpu.memref_slice %arg7[%add3A_71, %dma_wait3A_176] : memref<40x125xi32, #tpu.memory_space<vmem>> -> memref<1x125xi32, #tpu.memory_space<vmem>>
        %dma_wait3A_178 = tpu.memref_squeeze %dma_wait3A_177 : memref<1x125xi32, #tpu.memory_space<vmem>> -> memref<125xi32, #tpu.memory_space<vmem>>
        %dma_wait3A_179 = arith.constant 0 : i32
        %dma_wait3A_180 = arith.constant 0 : i32
        %dma_wait3A_181 = tpu.memref_slice %arg10[%dma_wait3A_179, %dma_wait3A_180] : memref<10240x128xf32, #tpu.memory_space<vmem_shared>> -> memref<10240x128xf32, #tpu.memory_space<vmem_shared>>
        tpu.wait_indirect_dma semaphore(%run_scoped3A : memref<!tpu.dma_semaphore, #tpu.memory_space<semaphore_mem>>) src(%arg9 : memref<125x128xf32, #tpu.memory_space<vmem>>) dst(%dma_wait3A_181 : memref<10240x128xf32, #tpu.memory_space<vmem_shared>>)
        tpu.yield
      }) : () -> ()
      %add3A_72 = arith.constant 2 : i32
      %add3A_73 = arith.addi %add3A_31, %add3A_72 : i32
      %add3A_74 = arith.constant 1 : i32
      %add3A_75 = arith.addi %add3A_73, %add3A_74 : i32
      %dma_start3A_76 = arith.constant 0 : i32
      %dma_start3A_77 = tpu.memref_slice %arg6[%add3A_75, %dma_start3A_76] : memref<40x125xi32, #tpu.memory_space<vmem>> -> memref<1x125xi32, #tpu.memory_space<vmem>>
      %dma_start3A_78 = tpu.memref_squeeze %dma_start3A_77 : memref<1x125xi32, #tpu.memory_space<vmem>> -> memref<125xi32, #tpu.memory_space<vmem>>
      %dma_start3A_79 = arith.constant 0 : i32
      %dma_start3A_80 = arith.constant 0 : i32
      %dma_start3A_81 = tpu.memref_slice %arg2[%dma_start3A_79, %dma_start3A_80] : memref<20000x128xf32, #tpu.memory_space<hbm>> -> memref<20000x128xf32, #tpu.memory_space<hbm>>
      tpu.enqueue_indirect_dma source(%dma_start3A_81 : memref<20000x128xf32, #tpu.memory_space<hbm>>) target(%arg9 : memref<125x128xf32, #tpu.memory_space<vmem>>) offsets(%dma_start3A_78 : memref<125xi32, #tpu.memory_space<vmem>>) semaphore(%arg12 : memref<!tpu.dma_semaphore, #tpu.memory_space<semaphore_mem>>)
      %dma_wait3A_82 = arith.constant 0 : i32
      %dma_wait3A_83 = tpu.memref_slice %arg6[%add3A_57, %dma_wait3A_82] : memref<40x125xi32, #tpu.memory_space<vmem>> -> memref<1x125xi32, #tpu.memory_space<vmem>>
      %dma_wait3A_84 = tpu.memref_squeeze %dma_wait3A_83 : memref<1x125xi32, #tpu.memory_space<vmem>> -> memref<125xi32, #tpu.memory_space<vmem>>
      %dma_wait3A_85 = arith.constant 0 : i32
      %dma_wait3A_86 = arith.constant 0 : i32
      %dma_wait3A_87 = tpu.memref_slice %arg2[%dma_wait3A_85, %dma_wait3A_86] : memref<20000x128xf32, #tpu.memory_space<hbm>> -> memref<20000x128xf32, #tpu.memory_space<hbm>>
      tpu.wait_indirect_dma semaphore(%arg11 : memref<!tpu.dma_semaphore, #tpu.memory_space<semaphore_mem>>) src(%dma_wait3A_87 : memref<20000x128xf32, #tpu.memory_space<hbm>>) dst(%arg8 : memref<125x128xf32, #tpu.memory_space<vmem>>)
      %add3A_88 = arith.constant 2 : i32
      %add3A_89 = arith.addi %add3A_31, %add3A_88 : i32
      "tpu.region"() ({
        %run_scoped3A = tpu.sem_alloc : memref<!tpu.dma_semaphore, #tpu.memory_space<semaphore_mem>>
        %dma_start3A_170 = arith.constant 0 : i32
        %dma_start3A_171 = tpu.memref_slice %arg7[%add3A_89, %dma_start3A_170] : memref<40x125xi32, #tpu.memory_space<vmem>> -> memref<1x125xi32, #tpu.memory_space<vmem>>
        %dma_start3A_172 = tpu.memref_squeeze %dma_start3A_171 : memref<1x125xi32, #tpu.memory_space<vmem>> -> memref<125xi32, #tpu.memory_space<vmem>>
        %dma_start3A_173 = arith.constant 0 : i32
        %dma_start3A_174 = arith.constant 0 : i32
        %dma_start3A_175 = tpu.memref_slice %arg10[%dma_start3A_173, %dma_start3A_174] : memref<10240x128xf32, #tpu.memory_space<vmem_shared>> -> memref<10240x128xf32, #tpu.memory_space<vmem_shared>>
        tpu.enqueue_indirect_dma source(%arg8 : memref<125x128xf32, #tpu.memory_space<vmem>>) target(%dma_start3A_175 : memref<10240x128xf32, #tpu.memory_space<vmem_shared>>) offsets(%dma_start3A_172 : memref<125xi32, #tpu.memory_space<vmem>>) semaphore(%run_scoped3A : memref<!tpu.dma_semaphore, #tpu.memory_space<semaphore_mem>>) {add = true}
        %dma_wait3A_176 = arith.constant 0 : i32
        %dma_wait3A_177 = tpu.memref_slice %arg7[%add3A_89, %dma_wait3A_176] : memref<40x125xi32, #tpu.memory_space<vmem>> -> memref<1x125xi32, #tpu.memory_space<vmem>>
        %dma_wait3A_178 = tpu.memref_squeeze %dma_wait3A_177 : memref<1x125xi32, #tpu.memory_space<vmem>> -> memref<125xi32, #tpu.memory_space<vmem>>
        %dma_wait3A_179 = arith.constant 0 : i32
        %dma_wait3A_180 = arith.constant 0 : i32
        %dma_wait3A_181 = tpu.memref_slice %arg10[%dma_wait3A_179, %dma_wait3A_180] : memref<10240x128xf32, #tpu.memory_space<vmem_shared>> -> memref<10240x128xf32, #tpu.memory_space<vmem_shared>>
        tpu.wait_indirect_dma semaphore(%run_scoped3A : memref<!tpu.dma_semaphore, #tpu.memory_space<semaphore_mem>>) src(%arg8 : memref<125x128xf32, #tpu.memory_space<vmem>>) dst(%dma_wait3A_181 : memref<10240x128xf32, #tpu.memory_space<vmem_shared>>)
        tpu.yield
      }) : () -> ()
      %add3A_90 = arith.constant 3 : i32
      %add3A_91 = arith.addi %add3A_31, %add3A_90 : i32
      %add3A_92 = arith.constant 1 : i32
      %add3A_93 = arith.addi %add3A_91, %add3A_92 : i32
      %dma_start3A_94 = arith.constant 0 : i32
      %dma_start3A_95 = tpu.memref_slice %arg6[%add3A_93, %dma_start3A_94] : memref<40x125xi32, #tpu.memory_space<vmem>> -> memref<1x125xi32, #tpu.memory_space<vmem>>
      %dma_start3A_96 = tpu.memref_squeeze %dma_start3A_95 : memref<1x125xi32, #tpu.memory_space<vmem>> -> memref<125xi32, #tpu.memory_space<vmem>>
      %dma_start3A_97 = arith.constant 0 : i32
      %dma_start3A_98 = arith.constant 0 : i32
      %dma_start3A_99 = tpu.memref_slice %arg2[%dma_start3A_97, %dma_start3A_98] : memref<20000x128xf32, #tpu.memory_space<hbm>> -> memref<20000x128xf32, #tpu.memory_space<hbm>>
      tpu.enqueue_indirect_dma source(%dma_start3A_99 : memref<20000x128xf32, #tpu.memory_space<hbm>>) target(%arg8 : memref<125x128xf32, #tpu.memory_space<vmem>>) offsets(%dma_start3A_96 : memref<125xi32, #tpu.memory_space<vmem>>) semaphore(%arg11 : memref<!tpu.dma_semaphore, #tpu.memory_space<semaphore_mem>>)
      %dma_wait3A_100 = arith.constant 0 : i32
      %dma_wait3A_101 = tpu.memref_slice %arg6[%add3A_75, %dma_wait3A_100] : memref<40x125xi32, #tpu.memory_space<vmem>> -> memref<1x125xi32, #tpu.memory_space<vmem>>
      %dma_wait3A_102 = tpu.memref_squeeze %dma_wait3A_101 : memref<1x125xi32, #tpu.memory_space<vmem>> -> memref<125xi32, #tpu.memory_space<vmem>>
      %dma_wait3A_103 = arith.constant 0 : i32
      %dma_wait3A_104 = arith.constant 0 : i32
      %dma_wait3A_105 = tpu.memref_slice %arg2[%dma_wait3A_103, %dma_wait3A_104] : memref<20000x128xf32, #tpu.memory_space<hbm>> -> memref<20000x128xf32, #tpu.memory_space<hbm>>
      tpu.wait_indirect_dma semaphore(%arg12 : memref<!tpu.dma_semaphore, #tpu.memory_space<semaphore_mem>>) src(%dma_wait3A_105 : memref<20000x128xf32, #tpu.memory_space<hbm>>) dst(%arg9 : memref<125x128xf32, #tpu.memory_space<vmem>>)
      %add3A_106 = arith.constant 3 : i32
      %add3A_107 = arith.addi %add3A_31, %add3A_106 : i32
      "tpu.region"() ({
        %run_scoped3A = tpu.sem_alloc : memref<!tpu.dma_semaphore, #tpu.memory_space<semaphore_mem>>
        %dma_start3A_170 = arith.constant 0 : i32
        %dma_start3A_171 = tpu.memref_slice %arg7[%add3A_107, %dma_start3A_170] : memref<40x125xi32, #tpu.memory_space<vmem>> -> memref<1x125xi32, #tpu.memory_space<vmem>>
        %dma_start3A_172 = tpu.memref_squeeze %dma_start3A_171 : memref<1x125xi32, #tpu.memory_space<vmem>> -> memref<125xi32, #tpu.memory_space<vmem>>
        %dma_start3A_173 = arith.constant 0 : i32
        %dma_start3A_174 = arith.constant 0 : i32
        %dma_start3A_175 = tpu.memref_slice %arg10[%dma_start3A_173, %dma_start3A_174] : memref<10240x128xf32, #tpu.memory_space<vmem_shared>> -> memref<10240x128xf32, #tpu.memory_space<vmem_shared>>
        tpu.enqueue_indirect_dma source(%arg9 : memref<125x128xf32, #tpu.memory_space<vmem>>) target(%dma_start3A_175 : memref<10240x128xf32, #tpu.memory_space<vmem_shared>>) offsets(%dma_start3A_172 : memref<125xi32, #tpu.memory_space<vmem>>) semaphore(%run_scoped3A : memref<!tpu.dma_semaphore, #tpu.memory_space<semaphore_mem>>) {add = true}
        %dma_wait3A_176 = arith.constant 0 : i32
        %dma_wait3A_177 = tpu.memref_slice %arg7[%add3A_107, %dma_wait3A_176] : memref<40x125xi32, #tpu.memory_space<vmem>> -> memref<1x125xi32, #tpu.memory_space<vmem>>
        %dma_wait3A_178 = tpu.memref_squeeze %dma_wait3A_177 : memref<1x125xi32, #tpu.memory_space<vmem>> -> memref<125xi32, #tpu.memory_space<vmem>>
        %dma_wait3A_179 = arith.constant 0 : i32
        %dma_wait3A_180 = arith.constant 0 : i32
        %dma_wait3A_181 = tpu.memref_slice %arg10[%dma_wait3A_179, %dma_wait3A_180] : memref<10240x128xf32, #tpu.memory_space<vmem_shared>> -> memref<10240x128xf32, #tpu.memory_space<vmem_shared>>
        tpu.wait_indirect_dma semaphore(%run_scoped3A : memref<!tpu.dma_semaphore, #tpu.memory_space<semaphore_mem>>) src(%arg9 : memref<125x128xf32, #tpu.memory_space<vmem>>) dst(%dma_wait3A_181 : memref<10240x128xf32, #tpu.memory_space<vmem_shared>>)
        tpu.yield
      }) : () -> ()
      %add3A_108 = arith.constant 4 : i32
      %add3A_109 = arith.addi %add3A_31, %add3A_108 : i32
      %add3A_110 = arith.constant 1 : i32
      %add3A_111 = arith.addi %add3A_109, %add3A_110 : i32
      %dma_start3A_112 = arith.constant 0 : i32
      %dma_start3A_113 = tpu.memref_slice %arg6[%add3A_111, %dma_start3A_112] : memref<40x125xi32, #tpu.memory_space<vmem>> -> memref<1x125xi32, #tpu.memory_space<vmem>>
      %dma_start3A_114 = tpu.memref_squeeze %dma_start3A_113 : memref<1x125xi32, #tpu.memory_space<vmem>> -> memref<125xi32, #tpu.memory_space<vmem>>
      %dma_start3A_115 = arith.constant 0 : i32
      %dma_start3A_116 = arith.constant 0 : i32
      %dma_start3A_117 = tpu.memref_slice %arg2[%dma_start3A_115, %dma_start3A_116] : memref<20000x128xf32, #tpu.memory_space<hbm>> -> memref<20000x128xf32, #tpu.memory_space<hbm>>
      tpu.enqueue_indirect_dma source(%dma_start3A_117 : memref<20000x128xf32, #tpu.memory_space<hbm>>) target(%arg9 : memref<125x128xf32, #tpu.memory_space<vmem>>) offsets(%dma_start3A_114 : memref<125xi32, #tpu.memory_space<vmem>>) semaphore(%arg12 : memref<!tpu.dma_semaphore, #tpu.memory_space<semaphore_mem>>)
      %dma_wait3A_118 = arith.constant 0 : i32
      %dma_wait3A_119 = tpu.memref_slice %arg6[%add3A_93, %dma_wait3A_118] : memref<40x125xi32, #tpu.memory_space<vmem>> -> memref<1x125xi32, #tpu.memory_space<vmem>>
      %dma_wait3A_120 = tpu.memref_squeeze %dma_wait3A_119 : memref<1x125xi32, #tpu.memory_space<vmem>> -> memref<125xi32, #tpu.memory_space<vmem>>
      %dma_wait3A_121 = arith.constant 0 : i32
      %dma_wait3A_122 = arith.constant 0 : i32
      %dma_wait3A_123 = tpu.memref_slice %arg2[%dma_wait3A_121, %dma_wait3A_122] : memref<20000x128xf32, #tpu.memory_space<hbm>> -> memref<20000x128xf32, #tpu.memory_space<hbm>>
      tpu.wait_indirect_dma semaphore(%arg11 : memref<!tpu.dma_semaphore, #tpu.memory_space<semaphore_mem>>) src(%dma_wait3A_123 : memref<20000x128xf32, #tpu.memory_space<hbm>>) dst(%arg8 : memref<125x128xf32, #tpu.memory_space<vmem>>)
      %add3A_124 = arith.constant 4 : i32
      %add3A_125 = arith.addi %add3A_31, %add3A_124 : i32
      "tpu.region"() ({
        %run_scoped3A = tpu.sem_alloc : memref<!tpu.dma_semaphore, #tpu.memory_space<semaphore_mem>>
        %dma_start3A_170 = arith.constant 0 : i32
        %dma_start3A_171 = tpu.memref_slice %arg7[%add3A_125, %dma_start3A_170] : memref<40x125xi32, #tpu.memory_space<vmem>> -> memref<1x125xi32, #tpu.memory_space<vmem>>
        %dma_start3A_172 = tpu.memref_squeeze %dma_start3A_171 : memref<1x125xi32, #tpu.memory_space<vmem>> -> memref<125xi32, #tpu.memory_space<vmem>>
        %dma_start3A_173 = arith.constant 0 : i32
        %dma_start3A_174 = arith.constant 0 : i32
        %dma_start3A_175 = tpu.memref_slice %arg10[%dma_start3A_173, %dma_start3A_174] : memref<10240x128xf32, #tpu.memory_space<vmem_shared>> -> memref<10240x128xf32, #tpu.memory_space<vmem_shared>>
        tpu.enqueue_indirect_dma source(%arg8 : memref<125x128xf32, #tpu.memory_space<vmem>>) target(%dma_start3A_175 : memref<10240x128xf32, #tpu.memory_space<vmem_shared>>) offsets(%dma_start3A_172 : memref<125xi32, #tpu.memory_space<vmem>>) semaphore(%run_scoped3A : memref<!tpu.dma_semaphore, #tpu.memory_space<semaphore_mem>>) {add = true}
        %dma_wait3A_176 = arith.constant 0 : i32
        %dma_wait3A_177 = tpu.memref_slice %arg7[%add3A_125, %dma_wait3A_176] : memref<40x125xi32, #tpu.memory_space<vmem>> -> memref<1x125xi32, #tpu.memory_space<vmem>>
        %dma_wait3A_178 = tpu.memref_squeeze %dma_wait3A_177 : memref<1x125xi32, #tpu.memory_space<vmem>> -> memref<125xi32, #tpu.memory_space<vmem>>
        %dma_wait3A_179 = arith.constant 0 : i32
        %dma_wait3A_180 = arith.constant 0 : i32
        %dma_wait3A_181 = tpu.memref_slice %arg10[%dma_wait3A_179, %dma_wait3A_180] : memref<10240x128xf32, #tpu.memory_space<vmem_shared>> -> memref<10240x128xf32, #tpu.memory_space<vmem_shared>>
        tpu.wait_indirect_dma semaphore(%run_scoped3A : memref<!tpu.dma_semaphore, #tpu.memory_space<semaphore_mem>>) src(%arg8 : memref<125x128xf32, #tpu.memory_space<vmem>>) dst(%dma_wait3A_181 : memref<10240x128xf32, #tpu.memory_space<vmem_shared>>)
        tpu.yield
      }) : () -> ()
      %add3A_126 = arith.constant 5 : i32
      %add3A_127 = arith.addi %add3A_31, %add3A_126 : i32
      %add3A_128 = arith.constant 1 : i32
      %add3A_129 = arith.addi %add3A_127, %add3A_128 : i32
      %dma_start3A_130 = arith.constant 0 : i32
      %dma_start3A_131 = tpu.memref_slice %arg6[%add3A_129, %dma_start3A_130] : memref<40x125xi32, #tpu.memory_space<vmem>> -> memref<1x125xi32, #tpu.memory_space<vmem>>
      %dma_start3A_132 = tpu.memref_squeeze %dma_start3A_131 : memref<1x125xi32, #tpu.memory_space<vmem>> -> memref<125xi32, #tpu.memory_space<vmem>>
      %dma_start3A_133 = arith.constant 0 : i32
      %dma_start3A_134 = arith.constant 0 : i32
      %dma_start3A_135 = tpu.memref_slice %arg2[%dma_start3A_133, %dma_start3A_134] : memref<20000x128xf32, #tpu.memory_space<hbm>> -> memref<20000x128xf32, #tpu.memory_space<hbm>>
      tpu.enqueue_indirect_dma source(%dma_start3A_135 : memref<20000x128xf32, #tpu.memory_space<hbm>>) target(%arg8 : memref<125x128xf32, #tpu.memory_space<vmem>>) offsets(%dma_start3A_132 : memref<125xi32, #tpu.memory_space<vmem>>) semaphore(%arg11 : memref<!tpu.dma_semaphore, #tpu.memory_space<semaphore_mem>>)
      %dma_wait3A_136 = arith.constant 0 : i32
      %dma_wait3A_137 = tpu.memref_slice %arg6[%add3A_111, %dma_wait3A_136] : memref<40x125xi32, #tpu.memory_space<vmem>> -> memref<1x125xi32, #tpu.memory_space<vmem>>
      %dma_wait3A_138 = tpu.memref_squeeze %dma_wait3A_137 : memref<1x125xi32, #tpu.memory_space<vmem>> -> memref<125xi32, #tpu.memory_space<vmem>>
      %dma_wait3A_139 = arith.constant 0 : i32
      %dma_wait3A_140 = arith.constant 0 : i32
      %dma_wait3A_141 = tpu.memref_slice %arg2[%dma_wait3A_139, %dma_wait3A_140] : memref<20000x128xf32, #tpu.memory_space<hbm>> -> memref<20000x128xf32, #tpu.memory_space<hbm>>
      tpu.wait_indirect_dma semaphore(%arg12 : memref<!tpu.dma_semaphore, #tpu.memory_space<semaphore_mem>>) src(%dma_wait3A_141 : memref<20000x128xf32, #tpu.memory_space<hbm>>) dst(%arg9 : memref<125x128xf32, #tpu.memory_space<vmem>>)
      %add3A_142 = arith.constant 5 : i32
      %add3A_143 = arith.addi %add3A_31, %add3A_142 : i32
      "tpu.region"() ({
        %run_scoped3A = tpu.sem_alloc : memref<!tpu.dma_semaphore, #tpu.memory_space<semaphore_mem>>
        %dma_start3A_170 = arith.constant 0 : i32
        %dma_start3A_171 = tpu.memref_slice %arg7[%add3A_143, %dma_start3A_170] : memref<40x125xi32, #tpu.memory_space<vmem>> -> memref<1x125xi32, #tpu.memory_space<vmem>>
        %dma_start3A_172 = tpu.memref_squeeze %dma_start3A_171 : memref<1x125xi32, #tpu.memory_space<vmem>> -> memref<125xi32, #tpu.memory_space<vmem>>
        %dma_start3A_173 = arith.constant 0 : i32
        %dma_start3A_174 = arith.constant 0 : i32
        %dma_start3A_175 = tpu.memref_slice %arg10[%dma_start3A_173, %dma_start3A_174] : memref<10240x128xf32, #tpu.memory_space<vmem_shared>> -> memref<10240x128xf32, #tpu.memory_space<vmem_shared>>
        tpu.enqueue_indirect_dma source(%arg9 : memref<125x128xf32, #tpu.memory_space<vmem>>) target(%dma_start3A_175 : memref<10240x128xf32, #tpu.memory_space<vmem_shared>>) offsets(%dma_start3A_172 : memref<125xi32, #tpu.memory_space<vmem>>) semaphore(%run_scoped3A : memref<!tpu.dma_semaphore, #tpu.memory_space<semaphore_mem>>) {add = true}
        %dma_wait3A_176 = arith.constant 0 : i32
        %dma_wait3A_177 = tpu.memref_slice %arg7[%add3A_143, %dma_wait3A_176] : memref<40x125xi32, #tpu.memory_space<vmem>> -> memref<1x125xi32, #tpu.memory_space<vmem>>
        %dma_wait3A_178 = tpu.memref_squeeze %dma_wait3A_177 : memref<1x125xi32, #tpu.memory_space<vmem>> -> memref<125xi32, #tpu.memory_space<vmem>>
        %dma_wait3A_179 = arith.constant 0 : i32
        %dma_wait3A_180 = arith.constant 0 : i32
        %dma_wait3A_181 = tpu.memref_slice %arg10[%dma_wait3A_179, %dma_wait3A_180] : memref<10240x128xf32, #tpu.memory_space<vmem_shared>> -> memref<10240x128xf32, #tpu.memory_space<vmem_shared>>
        tpu.wait_indirect_dma semaphore(%run_scoped3A : memref<!tpu.dma_semaphore, #tpu.memory_space<semaphore_mem>>) src(%arg9 : memref<125x128xf32, #tpu.memory_space<vmem>>) dst(%dma_wait3A_181 : memref<10240x128xf32, #tpu.memory_space<vmem_shared>>)
        tpu.yield
      }) : () -> ()
      %add3A_144 = arith.constant 6 : i32
      %add3A_145 = arith.addi %add3A_31, %add3A_144 : i32
      %add3A_146 = arith.constant 1 : i32
      %add3A_147 = arith.addi %add3A_145, %add3A_146 : i32
      %dma_start3A_148 = arith.constant 0 : i32
      %dma_start3A_149 = tpu.memref_slice %arg6[%add3A_147, %dma_start3A_148] : memref<40x125xi32, #tpu.memory_space<vmem>> -> memref<1x125xi32, #tpu.memory_space<vmem>>
      %dma_start3A_150 = tpu.memref_squeeze %dma_start3A_149 : memref<1x125xi32, #tpu.memory_space<vmem>> -> memref<125xi32, #tpu.memory_space<vmem>>
      %dma_start3A_151 = arith.constant 0 : i32
      %dma_start3A_152 = arith.constant 0 : i32
      %dma_start3A_153 = tpu.memref_slice %arg2[%dma_start3A_151, %dma_start3A_152] : memref<20000x128xf32, #tpu.memory_space<hbm>> -> memref<20000x128xf32, #tpu.memory_space<hbm>>
      tpu.enqueue_indirect_dma source(%dma_start3A_153 : memref<20000x128xf32, #tpu.memory_space<hbm>>) target(%arg9 : memref<125x128xf32, #tpu.memory_space<vmem>>) offsets(%dma_start3A_150 : memref<125xi32, #tpu.memory_space<vmem>>) semaphore(%arg12 : memref<!tpu.dma_semaphore, #tpu.memory_space<semaphore_mem>>)
      %dma_wait3A_154 = arith.constant 0 : i32
      %dma_wait3A_155 = tpu.memref_slice %arg6[%add3A_129, %dma_wait3A_154] : memref<40x125xi32, #tpu.memory_space<vmem>> -> memref<1x125xi32, #tpu.memory_space<vmem>>
      %dma_wait3A_156 = tpu.memref_squeeze %dma_wait3A_155 : memref<1x125xi32, #tpu.memory_space<vmem>> -> memref<125xi32, #tpu.memory_space<vmem>>
      %dma_wait3A_157 = arith.constant 0 : i32
      %dma_wait3A_158 = arith.constant 0 : i32
      %dma_wait3A_159 = tpu.memref_slice %arg2[%dma_wait3A_157, %dma_wait3A_158] : memref<20000x128xf32, #tpu.memory_space<hbm>> -> memref<20000x128xf32, #tpu.memory_space<hbm>>
      tpu.wait_indirect_dma semaphore(%arg11 : memref<!tpu.dma_semaphore, #tpu.memory_space<semaphore_mem>>) src(%dma_wait3A_159 : memref<20000x128xf32, #tpu.memory_space<hbm>>) dst(%arg8 : memref<125x128xf32, #tpu.memory_space<vmem>>)
      %add3A_160 = arith.constant 6 : i32
      %add3A_161 = arith.addi %add3A_31, %add3A_160 : i32
      "tpu.region"() ({
        %run_scoped3A = tpu.sem_alloc : memref<!tpu.dma_semaphore, #tpu.memory_space<semaphore_mem>>
        %dma_start3A_170 = arith.constant 0 : i32
        %dma_start3A_171 = tpu.memref_slice %arg7[%add3A_161, %dma_start3A_170] : memref<40x125xi32, #tpu.memory_space<vmem>> -> memref<1x125xi32, #tpu.memory_space<vmem>>
        %dma_start3A_172 = tpu.memref_squeeze %dma_start3A_171 : memref<1x125xi32, #tpu.memory_space<vmem>> -> memref<125xi32, #tpu.memory_space<vmem>>
        %dma_start3A_173 = arith.constant 0 : i32
        %dma_start3A_174 = arith.constant 0 : i32
        %dma_start3A_175 = tpu.memref_slice %arg10[%dma_start3A_173, %dma_start3A_174] : memref<10240x128xf32, #tpu.memory_space<vmem_shared>> -> memref<10240x128xf32, #tpu.memory_space<vmem_shared>>
        tpu.enqueue_indirect_dma source(%arg8 : memref<125x128xf32, #tpu.memory_space<vmem>>) target(%dma_start3A_175 : memref<10240x128xf32, #tpu.memory_space<vmem_shared>>) offsets(%dma_start3A_172 : memref<125xi32, #tpu.memory_space<vmem>>) semaphore(%run_scoped3A : memref<!tpu.dma_semaphore, #tpu.memory_space<semaphore_mem>>) {add = true}
        %dma_wait3A_176 = arith.constant 0 : i32
        %dma_wait3A_177 = tpu.memref_slice %arg7[%add3A_161, %dma_wait3A_176] : memref<40x125xi32, #tpu.memory_space<vmem>> -> memref<1x125xi32, #tpu.memory_space<vmem>>
        %dma_wait3A_178 = tpu.memref_squeeze %dma_wait3A_177 : memref<1x125xi32, #tpu.memory_space<vmem>> -> memref<125xi32, #tpu.memory_space<vmem>>
        %dma_wait3A_179 = arith.constant 0 : i32
        %dma_wait3A_180 = arith.constant 0 : i32
        %dma_wait3A_181 = tpu.memref_slice %arg10[%dma_wait3A_179, %dma_wait3A_180] : memref<10240x128xf32, #tpu.memory_space<vmem_shared>> -> memref<10240x128xf32, #tpu.memory_space<vmem_shared>>
        tpu.wait_indirect_dma semaphore(%run_scoped3A : memref<!tpu.dma_semaphore, #tpu.memory_space<semaphore_mem>>) src(%arg8 : memref<125x128xf32, #tpu.memory_space<vmem>>) dst(%dma_wait3A_181 : memref<10240x128xf32, #tpu.memory_space<vmem_shared>>)
        tpu.yield
      }) : () -> ()
      %dma_wait3A_162 = arith.constant 0 : i32
      %dma_wait3A_163 = tpu.memref_slice %arg6[%add3A_147, %dma_wait3A_162] : memref<40x125xi32, #tpu.memory_space<vmem>> -> memref<1x125xi32, #tpu.memory_space<vmem>>
      %dma_wait3A_164 = tpu.memref_squeeze %dma_wait3A_163 : memref<1x125xi32, #tpu.memory_space<vmem>> -> memref<125xi32, #tpu.memory_space<vmem>>
      %dma_wait3A_165 = arith.constant 0 : i32
      %dma_wait3A_166 = arith.constant 0 : i32
      %dma_wait3A_167 = tpu.memref_slice %arg2[%dma_wait3A_165, %dma_wait3A_166] : memref<20000x128xf32, #tpu.memory_space<hbm>> -> memref<20000x128xf32, #tpu.memory_space<hbm>>
      tpu.wait_indirect_dma semaphore(%arg12 : memref<!tpu.dma_semaphore, #tpu.memory_space<semaphore_mem>>) src(%dma_wait3A_167 : memref<20000x128xf32, #tpu.memory_space<hbm>>) dst(%arg9 : memref<125x128xf32, #tpu.memory_space<vmem>>)
      %add3A_168 = arith.constant 7 : i32
      %add3A_169 = arith.addi %add3A_31, %add3A_168 : i32
      "tpu.region"() ({
        %run_scoped3A = tpu.sem_alloc : memref<!tpu.dma_semaphore, #tpu.memory_space<semaphore_mem>>
        %dma_start3A_170 = arith.constant 0 : i32
        %dma_start3A_171 = tpu.memref_slice %arg7[%add3A_169, %dma_start3A_170] : memref<40x125xi32, #tpu.memory_space<vmem>> -> memref<1x125xi32, #tpu.memory_space<vmem>>
        %dma_start3A_172 = tpu.memref_squeeze %dma_start3A_171 : memref<1x125xi32, #tpu.memory_space<vmem>> -> memref<125xi32, #tpu.memory_space<vmem>>
        %dma_start3A_173 = arith.constant 0 : i32
        %dma_start3A_174 = arith.constant 0 : i32
        %dma_start3A_175 = tpu.memref_slice %arg10[%dma_start3A_173, %dma_start3A_174] : memref<10240x128xf32, #tpu.memory_space<vmem_shared>> -> memref<10240x128xf32, #tpu.memory_space<vmem_shared>>
        tpu.enqueue_indirect_dma source(%arg9 : memref<125x128xf32, #tpu.memory_space<vmem>>) target(%dma_start3A_175 : memref<10240x128xf32, #tpu.memory_space<vmem_shared>>) offsets(%dma_start3A_172 : memref<125xi32, #tpu.memory_space<vmem>>) semaphore(%run_scoped3A : memref<!tpu.dma_semaphore, #tpu.memory_space<semaphore_mem>>) {add = true}
        %dma_wait3A_176 = arith.constant 0 : i32
        %dma_wait3A_177 = tpu.memref_slice %arg7[%add3A_169, %dma_wait3A_176] : memref<40x125xi32, #tpu.memory_space<vmem>> -> memref<1x125xi32, #tpu.memory_space<vmem>>
        %dma_wait3A_178 = tpu.memref_squeeze %dma_wait3A_177 : memref<1x125xi32, #tpu.memory_space<vmem>> -> memref<125xi32, #tpu.memory_space<vmem>>
        %dma_wait3A_179 = arith.constant 0 : i32
        %dma_wait3A_180 = arith.constant 0 : i32
        %dma_wait3A_181 = tpu.memref_slice %arg10[%dma_wait3A_179, %dma_wait3A_180] : memref<10240x128xf32, #tpu.memory_space<vmem_shared>> -> memref<10240x128xf32, #tpu.memory_space<vmem_shared>>
        tpu.wait_indirect_dma semaphore(%run_scoped3A : memref<!tpu.dma_semaphore, #tpu.memory_space<semaphore_mem>>) src(%arg9 : memref<125x128xf32, #tpu.memory_space<vmem>>) dst(%dma_wait3A_181 : memref<10240x128xf32, #tpu.memory_space<vmem_shared>>)
        tpu.yield
      }) : () -> ()
    }
    %scan3A_16 = arith.constant 5 : i32
    "tpu.region"() ({
      %run_scoped3A = tpu.sem_alloc : memref<!tpu.dma_semaphore, #tpu.memory_space<semaphore_mem>>
      %dma_start3A = arith.constant 40 : i32
      %dma_start3A_27 = arith.constant 0 : i32
      %dma_start3A_28 = tpu.memref_slice %arg3[%arg0, %arg1, %dma_start3A, %dma_start3A_27] : memref<2x16x80x125xi32, #tpu.memory_space<hbm>> -> memref<1x1x40x125xi32, #tpu.memory_space<hbm>>
      %dma_start3A_29 = tpu.memref_squeeze %dma_start3A_28 : memref<1x1x40x125xi32, #tpu.memory_space<hbm>> -> memref<40x125xi32, #tpu.memory_space<hbm>>
      %dma_start3A_30 = arith.constant 40 : i32
      %dma_start3A_31 = arith.constant 0 : i32
      %dma_start3A_32 = tpu.memref_slice %arg3[%arg0, %arg1, %dma_start3A_30, %dma_start3A_31] : memref<2x16x80x125xi32, #tpu.memory_space<hbm>> -> memref<1x1x40x125xi32, #tpu.memory_space<hbm>>
      %dma_start3A_33 = tpu.memref_squeeze %dma_start3A_32 : memref<1x1x40x125xi32, #tpu.memory_space<hbm>> -> memref<40x125xi32, #tpu.memory_space<hbm>>
      tpu.enqueue_dma source(%dma_start3A_33 : memref<40x125xi32, #tpu.memory_space<hbm>>) target(%arg6 : memref<40x125xi32, #tpu.memory_space<vmem>>) target_semaphore(%run_scoped3A : memref<!tpu.dma_semaphore, #tpu.memory_space<semaphore_mem>>)
      %dma_wait3A = arith.constant 40 : i32
      %dma_wait3A_34 = arith.constant 0 : i32
      %dma_wait3A_35 = tpu.memref_slice %arg3[%arg0, %arg1, %dma_wait3A, %dma_wait3A_34] : memref<2x16x80x125xi32, #tpu.memory_space<hbm>> -> memref<1x1x40x125xi32, #tpu.memory_space<hbm>>
      %dma_wait3A_36 = tpu.memref_squeeze %dma_wait3A_35 : memref<1x1x40x125xi32, #tpu.memory_space<hbm>> -> memref<40x125xi32, #tpu.memory_space<hbm>>
      %dma_wait3A_37 = arith.constant 40 : i32
      %dma_wait3A_38 = arith.constant 0 : i32
      %dma_wait3A_39 = tpu.memref_slice %arg3[%arg0, %arg1, %dma_wait3A_37, %dma_wait3A_38] : memref<2x16x80x125xi32, #tpu.memory_space<hbm>> -> memref<1x1x40x125xi32, #tpu.memory_space<hbm>>
      %dma_wait3A_40 = tpu.memref_squeeze %dma_wait3A_39 : memref<1x1x40x125xi32, #tpu.memory_space<hbm>> -> memref<40x125xi32, #tpu.memory_space<hbm>>
      tpu.wait_dma2 semaphore(%run_scoped3A : memref<!tpu.dma_semaphore, #tpu.memory_space<semaphore_mem>>) src(%dma_wait3A_40 : memref<40x125xi32, #tpu.memory_space<hbm>>) dst(%arg6 : memref<40x125xi32, #tpu.memory_space<vmem>>)
      tpu.yield
    }) : () -> ()
    "tpu.region"() ({
      %run_scoped3A = tpu.sem_alloc : memref<!tpu.dma_semaphore, #tpu.memory_space<semaphore_mem>>
      %dma_start3A = arith.constant 40 : i32
      %dma_start3A_27 = arith.constant 0 : i32
      %dma_start3A_28 = tpu.memref_slice %arg4[%arg1, %dma_start3A, %dma_start3A_27] : memref<16x80x125xi32, #tpu.memory_space<hbm>> -> memref<1x40x125xi32, #tpu.memory_space<hbm>>
      %dma_start3A_29 = tpu.memref_squeeze %dma_start3A_28 : memref<1x40x125xi32, #tpu.memory_space<hbm>> -> memref<40x125xi32, #tpu.memory_space<hbm>>
      %dma_start3A_30 = arith.constant 40 : i32
      %dma_start3A_31 = arith.constant 0 : i32
      %dma_start3A_32 = tpu.memref_slice %arg4[%arg1, %dma_start3A_30, %dma_start3A_31] : memref<16x80x125xi32, #tpu.memory_space<hbm>> -> memref<1x40x125xi32, #tpu.memory_space<hbm>>
      %dma_start3A_33 = tpu.memref_squeeze %dma_start3A_32 : memref<1x40x125xi32, #tpu.memory_space<hbm>> -> memref<40x125xi32, #tpu.memory_space<hbm>>
      tpu.enqueue_dma source(%dma_start3A_33 : memref<40x125xi32, #tpu.memory_space<hbm>>) target(%arg7 : memref<40x125xi32, #tpu.memory_space<vmem>>) target_semaphore(%run_scoped3A : memref<!tpu.dma_semaphore, #tpu.memory_space<semaphore_mem>>)
      %dma_wait3A = arith.constant 40 : i32
      %dma_wait3A_34 = arith.constant 0 : i32
      %dma_wait3A_35 = tpu.memref_slice %arg4[%arg1, %dma_wait3A, %dma_wait3A_34] : memref<16x80x125xi32, #tpu.memory_space<hbm>> -> memref<1x40x125xi32, #tpu.memory_space<hbm>>
      %dma_wait3A_36 = tpu.memref_squeeze %dma_wait3A_35 : memref<1x40x125xi32, #tpu.memory_space<hbm>> -> memref<40x125xi32, #tpu.memory_space<hbm>>
      %dma_wait3A_37 = arith.constant 40 : i32
      %dma_wait3A_38 = arith.constant 0 : i32
      %dma_wait3A_39 = tpu.memref_slice %arg4[%arg1, %dma_wait3A_37, %dma_wait3A_38] : memref<16x80x125xi32, #tpu.memory_space<hbm>> -> memref<1x40x125xi32, #tpu.memory_space<hbm>>
      %dma_wait3A_40 = tpu.memref_squeeze %dma_wait3A_39 : memref<1x40x125xi32, #tpu.memory_space<hbm>> -> memref<40x125xi32, #tpu.memory_space<hbm>>
      tpu.wait_dma2 semaphore(%run_scoped3A : memref<!tpu.dma_semaphore, #tpu.memory_space<semaphore_mem>>) src(%dma_wait3A_40 : memref<40x125xi32, #tpu.memory_space<hbm>>) dst(%arg7 : memref<40x125xi32, #tpu.memory_space<vmem>>)
      tpu.yield
    }) : () -> ()
    %scan3A_17 = arith.constant 0 : i32
    %scan3A_18 = arith.constant 5 : i32
    %scan3A_19 = arith.addi %scan3A_17, %scan3A_18 : i32
    %scan3A_20 = arith.constant 1 : i32
    scf.for %scan3A_27 = %scan3A_17 to %scan3A_19 step %scan3A_20  : i32 {
      %mul3A_28 = arith.constant 8 : i32
      %mul3A_29 = arith.muli %scan3A_27, %mul3A_28 : i32
      %add3A_30 = arith.constant 0 : i32
      %add3A_31 = arith.addi %add3A_30, %mul3A_29 : i32
      %dma_start3A = arith.constant 0 : i32
      %dma_start3A_32 = tpu.memref_slice %arg6[%add3A_31, %dma_start3A] : memref<40x125xi32, #tpu.memory_space<vmem>> -> memref<1x125xi32, #tpu.memory_space<vmem>>
      %dma_start3A_33 = tpu.memref_squeeze %dma_start3A_32 : memref<1x125xi32, #tpu.memory_space<vmem>> -> memref<125xi32, #tpu.memory_space<vmem>>
      %dma_start3A_34 = arith.constant 0 : i32
      %dma_start3A_35 = arith.constant 0 : i32
      %dma_start3A_36 = tpu.memref_slice %arg2[%dma_start3A_34, %dma_start3A_35] : memref<20000x128xf32, #tpu.memory_space<hbm>> -> memref<20000x128xf32, #tpu.memory_space<hbm>>
      tpu.enqueue_indirect_dma source(%dma_start3A_36 : memref<20000x128xf32, #tpu.memory_space<hbm>>) target(%arg8 : memref<125x128xf32, #tpu.memory_space<vmem>>) offsets(%dma_start3A_33 : memref<125xi32, #tpu.memory_space<vmem>>) semaphore(%arg11 : memref<!tpu.dma_semaphore, #tpu.memory_space<semaphore_mem>>)
      %add3A_37 = arith.constant 0 : i32
      %add3A_38 = arith.addi %add3A_31, %add3A_37 : i32
      %add3A_39 = arith.constant 1 : i32
      %add3A_40 = arith.addi %add3A_38, %add3A_39 : i32
      %dma_start3A_41 = arith.constant 0 : i32
      %dma_start3A_42 = tpu.memref_slice %arg6[%add3A_40, %dma_start3A_41] : memref<40x125xi32, #tpu.memory_space<vmem>> -> memref<1x125xi32, #tpu.memory_space<vmem>>
      %dma_start3A_43 = tpu.memref_squeeze %dma_start3A_42 : memref<1x125xi32, #tpu.memory_space<vmem>> -> memref<125xi32, #tpu.memory_space<vmem>>
      %dma_start3A_44 = arith.constant 0 : i32
      %dma_start3A_45 = arith.constant 0 : i32
      %dma_start3A_46 = tpu.memref_slice %arg2[%dma_start3A_44, %dma_start3A_45] : memref<20000x128xf32, #tpu.memory_space<hbm>> -> memref<20000x128xf32, #tpu.memory_space<hbm>>
      tpu.enqueue_indirect_dma source(%dma_start3A_46 : memref<20000x128xf32, #tpu.memory_space<hbm>>) target(%arg9 : memref<125x128xf32, #tpu.memory_space<vmem>>) offsets(%dma_start3A_43 : memref<125xi32, #tpu.memory_space<vmem>>) semaphore(%arg12 : memref<!tpu.dma_semaphore, #tpu.memory_space<semaphore_mem>>)
      %dma_wait3A = arith.constant 0 : i32
      %dma_wait3A_47 = tpu.memref_slice %arg6[%add3A_31, %dma_wait3A] : memref<40x125xi32, #tpu.memory_space<vmem>> -> memref<1x125xi32, #tpu.memory_space<vmem>>
      %dma_wait3A_48 = tpu.memref_squeeze %dma_wait3A_47 : memref<1x125xi32, #tpu.memory_space<vmem>> -> memref<125xi32, #tpu.memory_space<vmem>>
      %dma_wait3A_49 = arith.constant 0 : i32
      %dma_wait3A_50 = arith.constant 0 : i32
      %dma_wait3A_51 = tpu.memref_slice %arg2[%dma_wait3A_49, %dma_wait3A_50] : memref<20000x128xf32, #tpu.memory_space<hbm>> -> memref<20000x128xf32, #tpu.memory_space<hbm>>
      tpu.wait_indirect_dma semaphore(%arg11 : memref<!tpu.dma_semaphore, #tpu.memory_space<semaphore_mem>>) src(%dma_wait3A_51 : memref<20000x128xf32, #tpu.memory_space<hbm>>) dst(%arg8 : memref<125x128xf32, #tpu.memory_space<vmem>>)
      %add3A_52 = arith.constant 0 : i32
      %add3A_53 = arith.addi %add3A_31, %add3A_52 : i32
      "tpu.region"() ({
        %run_scoped3A = tpu.sem_alloc : memref<!tpu.dma_semaphore, #tpu.memory_space<semaphore_mem>>
        %dma_start3A_170 = arith.constant 0 : i32
        %dma_start3A_171 = tpu.memref_slice %arg7[%add3A_53, %dma_start3A_170] : memref<40x125xi32, #tpu.memory_space<vmem>> -> memref<1x125xi32, #tpu.memory_space<vmem>>
        %dma_start3A_172 = tpu.memref_squeeze %dma_start3A_171 : memref<1x125xi32, #tpu.memory_space<vmem>> -> memref<125xi32, #tpu.memory_space<vmem>>
        %dma_start3A_173 = arith.constant 0 : i32
        %dma_start3A_174 = arith.constant 0 : i32
        %dma_start3A_175 = tpu.memref_slice %arg10[%dma_start3A_173, %dma_start3A_174] : memref<10240x128xf32, #tpu.memory_space<vmem_shared>> -> memref<10240x128xf32, #tpu.memory_space<vmem_shared>>
        tpu.enqueue_indirect_dma source(%arg8 : memref<125x128xf32, #tpu.memory_space<vmem>>) target(%dma_start3A_175 : memref<10240x128xf32, #tpu.memory_space<vmem_shared>>) offsets(%dma_start3A_172 : memref<125xi32, #tpu.memory_space<vmem>>) semaphore(%run_scoped3A : memref<!tpu.dma_semaphore, #tpu.memory_space<semaphore_mem>>) {add = true}
        %dma_wait3A_176 = arith.constant 0 : i32
        %dma_wait3A_177 = tpu.memref_slice %arg7[%add3A_53, %dma_wait3A_176] : memref<40x125xi32, #tpu.memory_space<vmem>> -> memref<1x125xi32, #tpu.memory_space<vmem>>
        %dma_wait3A_178 = tpu.memref_squeeze %dma_wait3A_177 : memref<1x125xi32, #tpu.memory_space<vmem>> -> memref<125xi32, #tpu.memory_space<vmem>>
        %dma_wait3A_179 = arith.constant 0 : i32
        %dma_wait3A_180 = arith.constant 0 : i32
        %dma_wait3A_181 = tpu.memref_slice %arg10[%dma_wait3A_179, %dma_wait3A_180] : memref<10240x128xf32, #tpu.memory_space<vmem_shared>> -> memref<10240x128xf32, #tpu.memory_space<vmem_shared>>
        tpu.wait_indirect_dma semaphore(%run_scoped3A : memref<!tpu.dma_semaphore, #tpu.memory_space<semaphore_mem>>) src(%arg8 : memref<125x128xf32, #tpu.memory_space<vmem>>) dst(%dma_wait3A_181 : memref<10240x128xf32, #tpu.memory_space<vmem_shared>>)
        tpu.yield
      }) : () -> ()
      %add3A_54 = arith.constant 1 : i32
      %add3A_55 = arith.addi %add3A_31, %add3A_54 : i32
      %add3A_56 = arith.constant 1 : i32
      %add3A_57 = arith.addi %add3A_55, %add3A_56 : i32
      %dma_start3A_58 = arith.constant 0 : i32
      %dma_start3A_59 = tpu.memref_slice %arg6[%add3A_57, %dma_start3A_58] : memref<40x125xi32, #tpu.memory_space<vmem>> -> memref<1x125xi32, #tpu.memory_space<vmem>>
      %dma_start3A_60 = tpu.memref_squeeze %dma_start3A_59 : memref<1x125xi32, #tpu.memory_space<vmem>> -> memref<125xi32, #tpu.memory_space<vmem>>
      %dma_start3A_61 = arith.constant 0 : i32
      %dma_start3A_62 = arith.constant 0 : i32
      %dma_start3A_63 = tpu.memref_slice %arg2[%dma_start3A_61, %dma_start3A_62] : memref<20000x128xf32, #tpu.memory_space<hbm>> -> memref<20000x128xf32, #tpu.memory_space<hbm>>
      tpu.enqueue_indirect_dma source(%dma_start3A_63 : memref<20000x128xf32, #tpu.memory_space<hbm>>) target(%arg8 : memref<125x128xf32, #tpu.memory_space<vmem>>) offsets(%dma_start3A_60 : memref<125xi32, #tpu.memory_space<vmem>>) semaphore(%arg11 : memref<!tpu.dma_semaphore, #tpu.memory_space<semaphore_mem>>)
      %dma_wait3A_64 = arith.constant 0 : i32
      %dma_wait3A_65 = tpu.memref_slice %arg6[%add3A_40, %dma_wait3A_64] : memref<40x125xi32, #tpu.memory_space<vmem>> -> memref<1x125xi32, #tpu.memory_space<vmem>>
      %dma_wait3A_66 = tpu.memref_squeeze %dma_wait3A_65 : memref<1x125xi32, #tpu.memory_space<vmem>> -> memref<125xi32, #tpu.memory_space<vmem>>
      %dma_wait3A_67 = arith.constant 0 : i32
      %dma_wait3A_68 = arith.constant 0 : i32
      %dma_wait3A_69 = tpu.memref_slice %arg2[%dma_wait3A_67, %dma_wait3A_68] : memref<20000x128xf32, #tpu.memory_space<hbm>> -> memref<20000x128xf32, #tpu.memory_space<hbm>>
      tpu.wait_indirect_dma semaphore(%arg12 : memref<!tpu.dma_semaphore, #tpu.memory_space<semaphore_mem>>) src(%dma_wait3A_69 : memref<20000x128xf32, #tpu.memory_space<hbm>>) dst(%arg9 : memref<125x128xf32, #tpu.memory_space<vmem>>)
      %add3A_70 = arith.constant 1 : i32
      %add3A_71 = arith.addi %add3A_31, %add3A_70 : i32
      "tpu.region"() ({
        %run_scoped3A = tpu.sem_alloc : memref<!tpu.dma_semaphore, #tpu.memory_space<semaphore_mem>>
        %dma_start3A_170 = arith.constant 0 : i32
        %dma_start3A_171 = tpu.memref_slice %arg7[%add3A_71, %dma_start3A_170] : memref<40x125xi32, #tpu.memory_space<vmem>> -> memref<1x125xi32, #tpu.memory_space<vmem>>
        %dma_start3A_172 = tpu.memref_squeeze %dma_start3A_171 : memref<1x125xi32, #tpu.memory_space<vmem>> -> memref<125xi32, #tpu.memory_space<vmem>>
        %dma_start3A_173 = arith.constant 0 : i32
        %dma_start3A_174 = arith.constant 0 : i32
        %dma_start3A_175 = tpu.memref_slice %arg10[%dma_start3A_173, %dma_start3A_174] : memref<10240x128xf32, #tpu.memory_space<vmem_shared>> -> memref<10240x128xf32, #tpu.memory_space<vmem_shared>>
        tpu.enqueue_indirect_dma source(%arg9 : memref<125x128xf32, #tpu.memory_space<vmem>>) target(%dma_start3A_175 : memref<10240x128xf32, #tpu.memory_space<vmem_shared>>) offsets(%dma_start3A_172 : memref<125xi32, #tpu.memory_space<vmem>>) semaphore(%run_scoped3A : memref<!tpu.dma_semaphore, #tpu.memory_space<semaphore_mem>>) {add = true}
        %dma_wait3A_176 = arith.constant 0 : i32
        %dma_wait3A_177 = tpu.memref_slice %arg7[%add3A_71, %dma_wait3A_176] : memref<40x125xi32, #tpu.memory_space<vmem>> -> memref<1x125xi32, #tpu.memory_space<vmem>>
        %dma_wait3A_178 = tpu.memref_squeeze %dma_wait3A_177 : memref<1x125xi32, #tpu.memory_space<vmem>> -> memref<125xi32, #tpu.memory_space<vmem>>
        %dma_wait3A_179 = arith.constant 0 : i32
        %dma_wait3A_180 = arith.constant 0 : i32
        %dma_wait3A_181 = tpu.memref_slice %arg10[%dma_wait3A_179, %dma_wait3A_180] : memref<10240x128xf32, #tpu.memory_space<vmem_shared>> -> memref<10240x128xf32, #tpu.memory_space<vmem_shared>>
        tpu.wait_indirect_dma semaphore(%run_scoped3A : memref<!tpu.dma_semaphore, #tpu.memory_space<semaphore_mem>>) src(%arg9 : memref<125x128xf32, #tpu.memory_space<vmem>>) dst(%dma_wait3A_181 : memref<10240x128xf32, #tpu.memory_space<vmem_shared>>)
        tpu.yield
      }) : () -> ()
      %add3A_72 = arith.constant 2 : i32
      %add3A_73 = arith.addi %add3A_31, %add3A_72 : i32
      %add3A_74 = arith.constant 1 : i32
      %add3A_75 = arith.addi %add3A_73, %add3A_74 : i32
      %dma_start3A_76 = arith.constant 0 : i32
      %dma_start3A_77 = tpu.memref_slice %arg6[%add3A_75, %dma_start3A_76] : memref<40x125xi32, #tpu.memory_space<vmem>> -> memref<1x125xi32, #tpu.memory_space<vmem>>
      %dma_start3A_78 = tpu.memref_squeeze %dma_start3A_77 : memref<1x125xi32, #tpu.memory_space<vmem>> -> memref<125xi32, #tpu.memory_space<vmem>>
      %dma_start3A_79 = arith.constant 0 : i32
      %dma_start3A_80 = arith.constant 0 : i32
      %dma_start3A_81 = tpu.memref_slice %arg2[%dma_start3A_79, %dma_start3A_80] : memref<20000x128xf32, #tpu.memory_space<hbm>> -> memref<20000x128xf32, #tpu.memory_space<hbm>>
      tpu.enqueue_indirect_dma source(%dma_start3A_81 : memref<20000x128xf32, #tpu.memory_space<hbm>>) target(%arg9 : memref<125x128xf32, #tpu.memory_space<vmem>>) offsets(%dma_start3A_78 : memref<125xi32, #tpu.memory_space<vmem>>) semaphore(%arg12 : memref<!tpu.dma_semaphore, #tpu.memory_space<semaphore_mem>>)
      %dma_wait3A_82 = arith.constant 0 : i32
      %dma_wait3A_83 = tpu.memref_slice %arg6[%add3A_57, %dma_wait3A_82] : memref<40x125xi32, #tpu.memory_space<vmem>> -> memref<1x125xi32, #tpu.memory_space<vmem>>
      %dma_wait3A_84 = tpu.memref_squeeze %dma_wait3A_83 : memref<1x125xi32, #tpu.memory_space<vmem>> -> memref<125xi32, #tpu.memory_space<vmem>>
      %dma_wait3A_85 = arith.constant 0 : i32
      %dma_wait3A_86 = arith.constant 0 : i32
      %dma_wait3A_87 = tpu.memref_slice %arg2[%dma_wait3A_85, %dma_wait3A_86] : memref<20000x128xf32, #tpu.memory_space<hbm>> -> memref<20000x128xf32, #tpu.memory_space<hbm>>
      tpu.wait_indirect_dma semaphore(%arg11 : memref<!tpu.dma_semaphore, #tpu.memory_space<semaphore_mem>>) src(%dma_wait3A_87 : memref<20000x128xf32, #tpu.memory_space<hbm>>) dst(%arg8 : memref<125x128xf32, #tpu.memory_space<vmem>>)
      %add3A_88 = arith.constant 2 : i32
      %add3A_89 = arith.addi %add3A_31, %add3A_88 : i32
      "tpu.region"() ({
        %run_scoped3A = tpu.sem_alloc : memref<!tpu.dma_semaphore, #tpu.memory_space<semaphore_mem>>
        %dma_start3A_170 = arith.constant 0 : i32
        %dma_start3A_171 = tpu.memref_slice %arg7[%add3A_89, %dma_start3A_170] : memref<40x125xi32, #tpu.memory_space<vmem>> -> memref<1x125xi32, #tpu.memory_space<vmem>>
        %dma_start3A_172 = tpu.memref_squeeze %dma_start3A_171 : memref<1x125xi32, #tpu.memory_space<vmem>> -> memref<125xi32, #tpu.memory_space<vmem>>
        %dma_start3A_173 = arith.constant 0 : i32
        %dma_start3A_174 = arith.constant 0 : i32
        %dma_start3A_175 = tpu.memref_slice %arg10[%dma_start3A_173, %dma_start3A_174] : memref<10240x128xf32, #tpu.memory_space<vmem_shared>> -> memref<10240x128xf32, #tpu.memory_space<vmem_shared>>
        tpu.enqueue_indirect_dma source(%arg8 : memref<125x128xf32, #tpu.memory_space<vmem>>) target(%dma_start3A_175 : memref<10240x128xf32, #tpu.memory_space<vmem_shared>>) offsets(%dma_start3A_172 : memref<125xi32, #tpu.memory_space<vmem>>) semaphore(%run_scoped3A : memref<!tpu.dma_semaphore, #tpu.memory_space<semaphore_mem>>) {add = true}
        %dma_wait3A_176 = arith.constant 0 : i32
        %dma_wait3A_177 = tpu.memref_slice %arg7[%add3A_89, %dma_wait3A_176] : memref<40x125xi32, #tpu.memory_space<vmem>> -> memref<1x125xi32, #tpu.memory_space<vmem>>
        %dma_wait3A_178 = tpu.memref_squeeze %dma_wait3A_177 : memref<1x125xi32, #tpu.memory_space<vmem>> -> memref<125xi32, #tpu.memory_space<vmem>>
        %dma_wait3A_179 = arith.constant 0 : i32
        %dma_wait3A_180 = arith.constant 0 : i32
        %dma_wait3A_181 = tpu.memref_slice %arg10[%dma_wait3A_179, %dma_wait3A_180] : memref<10240x128xf32, #tpu.memory_space<vmem_shared>> -> memref<10240x128xf32, #tpu.memory_space<vmem_shared>>
        tpu.wait_indirect_dma semaphore(%run_scoped3A : memref<!tpu.dma_semaphore, #tpu.memory_space<semaphore_mem>>) src(%arg8 : memref<125x128xf32, #tpu.memory_space<vmem>>) dst(%dma_wait3A_181 : memref<10240x128xf32, #tpu.memory_space<vmem_shared>>)
        tpu.yield
      }) : () -> ()
      %add3A_90 = arith.constant 3 : i32
      %add3A_91 = arith.addi %add3A_31, %add3A_90 : i32
      %add3A_92 = arith.constant 1 : i32
      %add3A_93 = arith.addi %add3A_91, %add3A_92 : i32
      %dma_start3A_94 = arith.constant 0 : i32
      %dma_start3A_95 = tpu.memref_slice %arg6[%add3A_93, %dma_start3A_94] : memref<40x125xi32, #tpu.memory_space<vmem>> -> memref<1x125xi32, #tpu.memory_space<vmem>>
      %dma_start3A_96 = tpu.memref_squeeze %dma_start3A_95 : memref<1x125xi32, #tpu.memory_space<vmem>> -> memref<125xi32, #tpu.memory_space<vmem>>
      %dma_start3A_97 = arith.constant 0 : i32
      %dma_start3A_98 = arith.constant 0 : i32
      %dma_start3A_99 = tpu.memref_slice %arg2[%dma_start3A_97, %dma_start3A_98] : memref<20000x128xf32, #tpu.memory_space<hbm>> -> memref<20000x128xf32, #tpu.memory_space<hbm>>
      tpu.enqueue_indirect_dma source(%dma_start3A_99 : memref<20000x128xf32, #tpu.memory_space<hbm>>) target(%arg8 : memref<125x128xf32, #tpu.memory_space<vmem>>) offsets(%dma_start3A_96 : memref<125xi32, #tpu.memory_space<vmem>>) semaphore(%arg11 : memref<!tpu.dma_semaphore, #tpu.memory_space<semaphore_mem>>)
      %dma_wait3A_100 = arith.constant 0 : i32
      %dma_wait3A_101 = tpu.memref_slice %arg6[%add3A_75, %dma_wait3A_100] : memref<40x125xi32, #tpu.memory_space<vmem>> -> memref<1x125xi32, #tpu.memory_space<vmem>>
      %dma_wait3A_102 = tpu.memref_squeeze %dma_wait3A_101 : memref<1x125xi32, #tpu.memory_space<vmem>> -> memref<125xi32, #tpu.memory_space<vmem>>
      %dma_wait3A_103 = arith.constant 0 : i32
      %dma_wait3A_104 = arith.constant 0 : i32
      %dma_wait3A_105 = tpu.memref_slice %arg2[%dma_wait3A_103, %dma_wait3A_104] : memref<20000x128xf32, #tpu.memory_space<hbm>> -> memref<20000x128xf32, #tpu.memory_space<hbm>>
      tpu.wait_indirect_dma semaphore(%arg12 : memref<!tpu.dma_semaphore, #tpu.memory_space<semaphore_mem>>) src(%dma_wait3A_105 : memref<20000x128xf32, #tpu.memory_space<hbm>>) dst(%arg9 : memref<125x128xf32, #tpu.memory_space<vmem>>)
      %add3A_106 = arith.constant 3 : i32
      %add3A_107 = arith.addi %add3A_31, %add3A_106 : i32
      "tpu.region"() ({
        %run_scoped3A = tpu.sem_alloc : memref<!tpu.dma_semaphore, #tpu.memory_space<semaphore_mem>>
        %dma_start3A_170 = arith.constant 0 : i32
        %dma_start3A_171 = tpu.memref_slice %arg7[%add3A_107, %dma_start3A_170] : memref<40x125xi32, #tpu.memory_space<vmem>> -> memref<1x125xi32, #tpu.memory_space<vmem>>
        %dma_start3A_172 = tpu.memref_squeeze %dma_start3A_171 : memref<1x125xi32, #tpu.memory_space<vmem>> -> memref<125xi32, #tpu.memory_space<vmem>>
        %dma_start3A_173 = arith.constant 0 : i32
        %dma_start3A_174 = arith.constant 0 : i32
        %dma_start3A_175 = tpu.memref_slice %arg10[%dma_start3A_173, %dma_start3A_174] : memref<10240x128xf32, #tpu.memory_space<vmem_shared>> -> memref<10240x128xf32, #tpu.memory_space<vmem_shared>>
        tpu.enqueue_indirect_dma source(%arg9 : memref<125x128xf32, #tpu.memory_space<vmem>>) target(%dma_start3A_175 : memref<10240x128xf32, #tpu.memory_space<vmem_shared>>) offsets(%dma_start3A_172 : memref<125xi32, #tpu.memory_space<vmem>>) semaphore(%run_scoped3A : memref<!tpu.dma_semaphore, #tpu.memory_space<semaphore_mem>>) {add = true}
        %dma_wait3A_176 = arith.constant 0 : i32
        %dma_wait3A_177 = tpu.memref_slice %arg7[%add3A_107, %dma_wait3A_176] : memref<40x125xi32, #tpu.memory_space<vmem>> -> memref<1x125xi32, #tpu.memory_space<vmem>>
        %dma_wait3A_178 = tpu.memref_squeeze %dma_wait3A_177 : memref<1x125xi32, #tpu.memory_space<vmem>> -> memref<125xi32, #tpu.memory_space<vmem>>
        %dma_wait3A_179 = arith.constant 0 : i32
        %dma_wait3A_180 = arith.constant 0 : i32
        %dma_wait3A_181 = tpu.memref_slice %arg10[%dma_wait3A_179, %dma_wait3A_180] : memref<10240x128xf32, #tpu.memory_space<vmem_shared>> -> memref<10240x128xf32, #tpu.memory_space<vmem_shared>>
        tpu.wait_indirect_dma semaphore(%run_scoped3A : memref<!tpu.dma_semaphore, #tpu.memory_space<semaphore_mem>>) src(%arg9 : memref<125x128xf32, #tpu.memory_space<vmem>>) dst(%dma_wait3A_181 : memref<10240x128xf32, #tpu.memory_space<vmem_shared>>)
        tpu.yield
      }) : () -> ()
      %add3A_108 = arith.constant 4 : i32
      %add3A_109 = arith.addi %add3A_31, %add3A_108 : i32
      %add3A_110 = arith.constant 1 : i32
      %add3A_111 = arith.addi %add3A_109, %add3A_110 : i32
      %dma_start3A_112 = arith.constant 0 : i32
      %dma_start3A_113 = tpu.memref_slice %arg6[%add3A_111, %dma_start3A_112] : memref<40x125xi32, #tpu.memory_space<vmem>> -> memref<1x125xi32, #tpu.memory_space<vmem>>
      %dma_start3A_114 = tpu.memref_squeeze %dma_start3A_113 : memref<1x125xi32, #tpu.memory_space<vmem>> -> memref<125xi32, #tpu.memory_space<vmem>>
      %dma_start3A_115 = arith.constant 0 : i32
      %dma_start3A_116 = arith.constant 0 : i32
      %dma_start3A_117 = tpu.memref_slice %arg2[%dma_start3A_115, %dma_start3A_116] : memref<20000x128xf32, #tpu.memory_space<hbm>> -> memref<20000x128xf32, #tpu.memory_space<hbm>>
      tpu.enqueue_indirect_dma source(%dma_start3A_117 : memref<20000x128xf32, #tpu.memory_space<hbm>>) target(%arg9 : memref<125x128xf32, #tpu.memory_space<vmem>>) offsets(%dma_start3A_114 : memref<125xi32, #tpu.memory_space<vmem>>) semaphore(%arg12 : memref<!tpu.dma_semaphore, #tpu.memory_space<semaphore_mem>>)
      %dma_wait3A_118 = arith.constant 0 : i32
      %dma_wait3A_119 = tpu.memref_slice %arg6[%add3A_93, %dma_wait3A_118] : memref<40x125xi32, #tpu.memory_space<vmem>> -> memref<1x125xi32, #tpu.memory_space<vmem>>
      %dma_wait3A_120 = tpu.memref_squeeze %dma_wait3A_119 : memref<1x125xi32, #tpu.memory_space<vmem>> -> memref<125xi32, #tpu.memory_space<vmem>>
      %dma_wait3A_121 = arith.constant 0 : i32
      %dma_wait3A_122 = arith.constant 0 : i32
      %dma_wait3A_123 = tpu.memref_slice %arg2[%dma_wait3A_121, %dma_wait3A_122] : memref<20000x128xf32, #tpu.memory_space<hbm>> -> memref<20000x128xf32, #tpu.memory_space<hbm>>
      tpu.wait_indirect_dma semaphore(%arg11 : memref<!tpu.dma_semaphore, #tpu.memory_space<semaphore_mem>>) src(%dma_wait3A_123 : memref<20000x128xf32, #tpu.memory_space<hbm>>) dst(%arg8 : memref<125x128xf32, #tpu.memory_space<vmem>>)
      %add3A_124 = arith.constant 4 : i32
      %add3A_125 = arith.addi %add3A_31, %add3A_124 : i32
      "tpu.region"() ({
        %run_scoped3A = tpu.sem_alloc : memref<!tpu.dma_semaphore, #tpu.memory_space<semaphore_mem>>
        %dma_start3A_170 = arith.constant 0 : i32
        %dma_start3A_171 = tpu.memref_slice %arg7[%add3A_125, %dma_start3A_170] : memref<40x125xi32, #tpu.memory_space<vmem>> -> memref<1x125xi32, #tpu.memory_space<vmem>>
        %dma_start3A_172 = tpu.memref_squeeze %dma_start3A_171 : memref<1x125xi32, #tpu.memory_space<vmem>> -> memref<125xi32, #tpu.memory_space<vmem>>
        %dma_start3A_173 = arith.constant 0 : i32
        %dma_start3A_174 = arith.constant 0 : i32
        %dma_start3A_175 = tpu.memref_slice %arg10[%dma_start3A_173, %dma_start3A_174] : memref<10240x128xf32, #tpu.memory_space<vmem_shared>> -> memref<10240x128xf32, #tpu.memory_space<vmem_shared>>
        tpu.enqueue_indirect_dma source(%arg8 : memref<125x128xf32, #tpu.memory_space<vmem>>) target(%dma_start3A_175 : memref<10240x128xf32, #tpu.memory_space<vmem_shared>>) offsets(%dma_start3A_172 : memref<125xi32, #tpu.memory_space<vmem>>) semaphore(%run_scoped3A : memref<!tpu.dma_semaphore, #tpu.memory_space<semaphore_mem>>) {add = true}
        %dma_wait3A_176 = arith.constant 0 : i32
        %dma_wait3A_177 = tpu.memref_slice %arg7[%add3A_125, %dma_wait3A_176] : memref<40x125xi32, #tpu.memory_space<vmem>> -> memref<1x125xi32, #tpu.memory_space<vmem>>
        %dma_wait3A_178 = tpu.memref_squeeze %dma_wait3A_177 : memref<1x125xi32, #tpu.memory_space<vmem>> -> memref<125xi32, #tpu.memory_space<vmem>>
        %dma_wait3A_179 = arith.constant 0 : i32
        %dma_wait3A_180 = arith.constant 0 : i32
        %dma_wait3A_181 = tpu.memref_slice %arg10[%dma_wait3A_179, %dma_wait3A_180] : memref<10240x128xf32, #tpu.memory_space<vmem_shared>> -> memref<10240x128xf32, #tpu.memory_space<vmem_shared>>
        tpu.wait_indirect_dma semaphore(%run_scoped3A : memref<!tpu.dma_semaphore, #tpu.memory_space<semaphore_mem>>) src(%arg8 : memref<125x128xf32, #tpu.memory_space<vmem>>) dst(%dma_wait3A_181 : memref<10240x128xf32, #tpu.memory_space<vmem_shared>>)
        tpu.yield
      }) : () -> ()
      %add3A_126 = arith.constant 5 : i32
      %add3A_127 = arith.addi %add3A_31, %add3A_126 : i32
      %add3A_128 = arith.constant 1 : i32
      %add3A_129 = arith.addi %add3A_127, %add3A_128 : i32
      %dma_start3A_130 = arith.constant 0 : i32
      %dma_start3A_131 = tpu.memref_slice %arg6[%add3A_129, %dma_start3A_130] : memref<40x125xi32, #tpu.memory_space<vmem>> -> memref<1x125xi32, #tpu.memory_space<vmem>>
      %dma_start3A_132 = tpu.memref_squeeze %dma_start3A_131 : memref<1x125xi32, #tpu.memory_space<vmem>> -> memref<125xi32, #tpu.memory_space<vmem>>
      %dma_start3A_133 = arith.constant 0 : i32
      %dma_start3A_134 = arith.constant 0 : i32
      %dma_start3A_135 = tpu.memref_slice %arg2[%dma_start3A_133, %dma_start3A_134] : memref<20000x128xf32, #tpu.memory_space<hbm>> -> memref<20000x128xf32, #tpu.memory_space<hbm>>
      tpu.enqueue_indirect_dma source(%dma_start3A_135 : memref<20000x128xf32, #tpu.memory_space<hbm>>) target(%arg8 : memref<125x128xf32, #tpu.memory_space<vmem>>) offsets(%dma_start3A_132 : memref<125xi32, #tpu.memory_space<vmem>>) semaphore(%arg11 : memref<!tpu.dma_semaphore, #tpu.memory_space<semaphore_mem>>)
      %dma_wait3A_136 = arith.constant 0 : i32
      %dma_wait3A_137 = tpu.memref_slice %arg6[%add3A_111, %dma_wait3A_136] : memref<40x125xi32, #tpu.memory_space<vmem>> -> memref<1x125xi32, #tpu.memory_space<vmem>>
      %dma_wait3A_138 = tpu.memref_squeeze %dma_wait3A_137 : memref<1x125xi32, #tpu.memory_space<vmem>> -> memref<125xi32, #tpu.memory_space<vmem>>
      %dma_wait3A_139 = arith.constant 0 : i32
      %dma_wait3A_140 = arith.constant 0 : i32
      %dma_wait3A_141 = tpu.memref_slice %arg2[%dma_wait3A_139, %dma_wait3A_140] : memref<20000x128xf32, #tpu.memory_space<hbm>> -> memref<20000x128xf32, #tpu.memory_space<hbm>>
      tpu.wait_indirect_dma semaphore(%arg12 : memref<!tpu.dma_semaphore, #tpu.memory_space<semaphore_mem>>) src(%dma_wait3A_141 : memref<20000x128xf32, #tpu.memory_space<hbm>>) dst(%arg9 : memref<125x128xf32, #tpu.memory_space<vmem>>)
      %add3A_142 = arith.constant 5 : i32
      %add3A_143 = arith.addi %add3A_31, %add3A_142 : i32
      "tpu.region"() ({
        %run_scoped3A = tpu.sem_alloc : memref<!tpu.dma_semaphore, #tpu.memory_space<semaphore_mem>>
        %dma_start3A_170 = arith.constant 0 : i32
        %dma_start3A_171 = tpu.memref_slice %arg7[%add3A_143, %dma_start3A_170] : memref<40x125xi32, #tpu.memory_space<vmem>> -> memref<1x125xi32, #tpu.memory_space<vmem>>
        %dma_start3A_172 = tpu.memref_squeeze %dma_start3A_171 : memref<1x125xi32, #tpu.memory_space<vmem>> -> memref<125xi32, #tpu.memory_space<vmem>>
        %dma_start3A_173 = arith.constant 0 : i32
        %dma_start3A_174 = arith.constant 0 : i32
        %dma_start3A_175 = tpu.memref_slice %arg10[%dma_start3A_173, %dma_start3A_174] : memref<10240x128xf32, #tpu.memory_space<vmem_shared>> -> memref<10240x128xf32, #tpu.memory_space<vmem_shared>>
        tpu.enqueue_indirect_dma source(%arg9 : memref<125x128xf32, #tpu.memory_space<vmem>>) target(%dma_start3A_175 : memref<10240x128xf32, #tpu.memory_space<vmem_shared>>) offsets(%dma_start3A_172 : memref<125xi32, #tpu.memory_space<vmem>>) semaphore(%run_scoped3A : memref<!tpu.dma_semaphore, #tpu.memory_space<semaphore_mem>>) {add = true}
        %dma_wait3A_176 = arith.constant 0 : i32
        %dma_wait3A_177 = tpu.memref_slice %arg7[%add3A_143, %dma_wait3A_176] : memref<40x125xi32, #tpu.memory_space<vmem>> -> memref<1x125xi32, #tpu.memory_space<vmem>>
        %dma_wait3A_178 = tpu.memref_squeeze %dma_wait3A_177 : memref<1x125xi32, #tpu.memory_space<vmem>> -> memref<125xi32, #tpu.memory_space<vmem>>
        %dma_wait3A_179 = arith.constant 0 : i32
        %dma_wait3A_180 = arith.constant 0 : i32
        %dma_wait3A_181 = tpu.memref_slice %arg10[%dma_wait3A_179, %dma_wait3A_180] : memref<10240x128xf32, #tpu.memory_space<vmem_shared>> -> memref<10240x128xf32, #tpu.memory_space<vmem_shared>>
        tpu.wait_indirect_dma semaphore(%run_scoped3A : memref<!tpu.dma_semaphore, #tpu.memory_space<semaphore_mem>>) src(%arg9 : memref<125x128xf32, #tpu.memory_space<vmem>>) dst(%dma_wait3A_181 : memref<10240x128xf32, #tpu.memory_space<vmem_shared>>)
        tpu.yield
      }) : () -> ()
      %add3A_144 = arith.constant 6 : i32
      %add3A_145 = arith.addi %add3A_31, %add3A_144 : i32
      %add3A_146 = arith.constant 1 : i32
      %add3A_147 = arith.addi %add3A_145, %add3A_146 : i32
      %dma_start3A_148 = arith.constant 0 : i32
      %dma_start3A_149 = tpu.memref_slice %arg6[%add3A_147, %dma_start3A_148] : memref<40x125xi32, #tpu.memory_space<vmem>> -> memref<1x125xi32, #tpu.memory_space<vmem>>
      %dma_start3A_150 = tpu.memref_squeeze %dma_start3A_149 : memref<1x125xi32, #tpu.memory_space<vmem>> -> memref<125xi32, #tpu.memory_space<vmem>>
      %dma_start3A_151 = arith.constant 0 : i32
      %dma_start3A_152 = arith.constant 0 : i32
      %dma_start3A_153 = tpu.memref_slice %arg2[%dma_start3A_151, %dma_start3A_152] : memref<20000x128xf32, #tpu.memory_space<hbm>> -> memref<20000x128xf32, #tpu.memory_space<hbm>>
      tpu.enqueue_indirect_dma source(%dma_start3A_153 : memref<20000x128xf32, #tpu.memory_space<hbm>>) target(%arg9 : memref<125x128xf32, #tpu.memory_space<vmem>>) offsets(%dma_start3A_150 : memref<125xi32, #tpu.memory_space<vmem>>) semaphore(%arg12 : memref<!tpu.dma_semaphore, #tpu.memory_space<semaphore_mem>>)
      %dma_wait3A_154 = arith.constant 0 : i32
      %dma_wait3A_155 = tpu.memref_slice %arg6[%add3A_129, %dma_wait3A_154] : memref<40x125xi32, #tpu.memory_space<vmem>> -> memref<1x125xi32, #tpu.memory_space<vmem>>
      %dma_wait3A_156 = tpu.memref_squeeze %dma_wait3A_155 : memref<1x125xi32, #tpu.memory_space<vmem>> -> memref<125xi32, #tpu.memory_space<vmem>>
      %dma_wait3A_157 = arith.constant 0 : i32
      %dma_wait3A_158 = arith.constant 0 : i32
      %dma_wait3A_159 = tpu.memref_slice %arg2[%dma_wait3A_157, %dma_wait3A_158] : memref<20000x128xf32, #tpu.memory_space<hbm>> -> memref<20000x128xf32, #tpu.memory_space<hbm>>
      tpu.wait_indirect_dma semaphore(%arg11 : memref<!tpu.dma_semaphore, #tpu.memory_space<semaphore_mem>>) src(%dma_wait3A_159 : memref<20000x128xf32, #tpu.memory_space<hbm>>) dst(%arg8 : memref<125x128xf32, #tpu.memory_space<vmem>>)
      %add3A_160 = arith.constant 6 : i32
      %add3A_161 = arith.addi %add3A_31, %add3A_160 : i32
      "tpu.region"() ({
        %run_scoped3A = tpu.sem_alloc : memref<!tpu.dma_semaphore, #tpu.memory_space<semaphore_mem>>
        %dma_start3A_170 = arith.constant 0 : i32
        %dma_start3A_171 = tpu.memref_slice %arg7[%add3A_161, %dma_start3A_170] : memref<40x125xi32, #tpu.memory_space<vmem>> -> memref<1x125xi32, #tpu.memory_space<vmem>>
        %dma_start3A_172 = tpu.memref_squeeze %dma_start3A_171 : memref<1x125xi32, #tpu.memory_space<vmem>> -> memref<125xi32, #tpu.memory_space<vmem>>
        %dma_start3A_173 = arith.constant 0 : i32
        %dma_start3A_174 = arith.constant 0 : i32
        %dma_start3A_175 = tpu.memref_slice %arg10[%dma_start3A_173, %dma_start3A_174] : memref<10240x128xf32, #tpu.memory_space<vmem_shared>> -> memref<10240x128xf32, #tpu.memory_space<vmem_shared>>
        tpu.enqueue_indirect_dma source(%arg8 : memref<125x128xf32, #tpu.memory_space<vmem>>) target(%dma_start3A_175 : memref<10240x128xf32, #tpu.memory_space<vmem_shared>>) offsets(%dma_start3A_172 : memref<125xi32, #tpu.memory_space<vmem>>) semaphore(%run_scoped3A : memref<!tpu.dma_semaphore, #tpu.memory_space<semaphore_mem>>) {add = true}
        %dma_wait3A_176 = arith.constant 0 : i32
        %dma_wait3A_177 = tpu.memref_slice %arg7[%add3A_161, %dma_wait3A_176] : memref<40x125xi32, #tpu.memory_space<vmem>> -> memref<1x125xi32, #tpu.memory_space<vmem>>
        %dma_wait3A_178 = tpu.memref_squeeze %dma_wait3A_177 : memref<1x125xi32, #tpu.memory_space<vmem>> -> memref<125xi32, #tpu.memory_space<vmem>>
        %dma_wait3A_179 = arith.constant 0 : i32
        %dma_wait3A_180 = arith.constant 0 : i32
        %dma_wait3A_181 = tpu.memref_slice %arg10[%dma_wait3A_179, %dma_wait3A_180] : memref<10240x128xf32, #tpu.memory_space<vmem_shared>> -> memref<10240x128xf32, #tpu.memory_space<vmem_shared>>
        tpu.wait_indirect_dma semaphore(%run_scoped3A : memref<!tpu.dma_semaphore, #tpu.memory_space<semaphore_mem>>) src(%arg8 : memref<125x128xf32, #tpu.memory_space<vmem>>) dst(%dma_wait3A_181 : memref<10240x128xf32, #tpu.memory_space<vmem_shared>>)
        tpu.yield
      }) : () -> ()
      %dma_wait3A_162 = arith.constant 0 : i32
      %dma_wait3A_163 = tpu.memref_slice %arg6[%add3A_147, %dma_wait3A_162] : memref<40x125xi32, #tpu.memory_space<vmem>> -> memref<1x125xi32, #tpu.memory_space<vmem>>
      %dma_wait3A_164 = tpu.memref_squeeze %dma_wait3A_163 : memref<1x125xi32, #tpu.memory_space<vmem>> -> memref<125xi32, #tpu.memory_space<vmem>>
      %dma_wait3A_165 = arith.constant 0 : i32
      %dma_wait3A_166 = arith.constant 0 : i32
      %dma_wait3A_167 = tpu.memref_slice %arg2[%dma_wait3A_165, %dma_wait3A_166] : memref<20000x128xf32, #tpu.memory_space<hbm>> -> memref<20000x128xf32, #tpu.memory_space<hbm>>
      tpu.wait_indirect_dma semaphore(%arg12 : memref<!tpu.dma_semaphore, #tpu.memory_space<semaphore_mem>>) src(%dma_wait3A_167 : memref<20000x128xf32, #tpu.memory_space<hbm>>) dst(%arg9 : memref<125x128xf32, #tpu.memory_space<vmem>>)
      %add3A_168 = arith.constant 7 : i32
      %add3A_169 = arith.addi %add3A_31, %add3A_168 : i32
      "tpu.region"() ({
        %run_scoped3A = tpu.sem_alloc : memref<!tpu.dma_semaphore, #tpu.memory_space<semaphore_mem>>
        %dma_start3A_170 = arith.constant 0 : i32
        %dma_start3A_171 = tpu.memref_slice %arg7[%add3A_169, %dma_start3A_170] : memref<40x125xi32, #tpu.memory_space<vmem>> -> memref<1x125xi32, #tpu.memory_space<vmem>>
        %dma_start3A_172 = tpu.memref_squeeze %dma_start3A_171 : memref<1x125xi32, #tpu.memory_space<vmem>> -> memref<125xi32, #tpu.memory_space<vmem>>
        %dma_start3A_173 = arith.constant 0 : i32
        %dma_start3A_174 = arith.constant 0 : i32
        %dma_start3A_175 = tpu.memref_slice %arg10[%dma_start3A_173, %dma_start3A_174] : memref<10240x128xf32, #tpu.memory_space<vmem_shared>> -> memref<10240x128xf32, #tpu.memory_space<vmem_shared>>
        tpu.enqueue_indirect_dma source(%arg9 : memref<125x128xf32, #tpu.memory_space<vmem>>) target(%dma_start3A_175 : memref<10240x128xf32, #tpu.memory_space<vmem_shared>>) offsets(%dma_start3A_172 : memref<125xi32, #tpu.memory_space<vmem>>) semaphore(%run_scoped3A : memref<!tpu.dma_semaphore, #tpu.memory_space<semaphore_mem>>) {add = true}
        %dma_wait3A_176 = arith.constant 0 : i32
        %dma_wait3A_177 = tpu.memref_slice %arg7[%add3A_169, %dma_wait3A_176] : memref<40x125xi32, #tpu.memory_space<vmem>> -> memref<1x125xi32, #tpu.memory_space<vmem>>
        %dma_wait3A_178 = tpu.memref_squeeze %dma_wait3A_177 : memref<1x125xi32, #tpu.memory_space<vmem>> -> memref<125xi32, #tpu.memory_space<vmem>>
        %dma_wait3A_179 = arith.constant 0 : i32
        %dma_wait3A_180 = arith.constant 0 : i32
        %dma_wait3A_181 = tpu.memref_slice %arg10[%dma_wait3A_179, %dma_wait3A_180] : memref<10240x128xf32, #tpu.memory_space<vmem_shared>> -> memref<10240x128xf32, #tpu.memory_space<vmem_shared>>
        tpu.wait_indirect_dma semaphore(%run_scoped3A : memref<!tpu.dma_semaphore, #tpu.memory_space<semaphore_mem>>) src(%arg9 : memref<125x128xf32, #tpu.memory_space<vmem>>) dst(%dma_wait3A_181 : memref<10240x128xf32, #tpu.memory_space<vmem_shared>>)
        tpu.yield
      }) : () -> ()
    }
    %scan3A_21 = arith.constant 5 : i32
    %barrier3A_22 = arith.constant 0 : index
    tpu.barrier barrier_id(%barrier3A_22)
    %mul3A_23 = arith.constant 640 : i32
    %mul3A_24 = arith.muli %arg1, %mul3A_23 : i32
    %mul3A_25 = arith.constant 640 : i32
    %mul3A_26 = arith.muli %arg1, %mul3A_25 : i32
    "tpu.region"() ({
      %run_scoped3A = tpu.sem_alloc : memref<!tpu.dma_semaphore, #tpu.memory_space<semaphore_mem>>
      %dma_start3A = arith.constant 0 : i32
      %dma_start3A_27 = tpu.memref_slice %arg5[%arg0, %mul3A_26, %dma_start3A] : memref<2x10240x128xf32, #tpu.memory_space<hbm>> -> memref<1x640x128xf32, #tpu.memory_space<hbm>>
      %dma_start3A_28 = tpu.memref_squeeze %dma_start3A_27 : memref<1x640x128xf32, #tpu.memory_space<hbm>> -> memref<640x128xf32, #tpu.memory_space<hbm>>
      %dma_start3A_29 = arith.constant 0 : i32
      %dma_start3A_30 = tpu.memref_slice %arg10[%mul3A_24, %dma_start3A_29] : memref<10240x128xf32, #tpu.memory_space<vmem_shared>> -> memref<640x128xf32, #tpu.memory_space<vmem_shared>>
      tpu.enqueue_dma source(%dma_start3A_30 : memref<640x128xf32, #tpu.memory_space<vmem_shared>>) target(%dma_start3A_28 : memref<640x128xf32, #tpu.memory_space<hbm>>) target_semaphore(%run_scoped3A : memref<!tpu.dma_semaphore, #tpu.memory_space<semaphore_mem>>)
      %dma_wait3A = arith.constant 0 : i32
      %dma_wait3A_31 = tpu.memref_slice %arg5[%arg0, %mul3A_26, %dma_wait3A] : memref<2x10240x128xf32, #tpu.memory_space<hbm>> -> memref<1x640x128xf32, #tpu.memory_space<hbm>>
      %dma_wait3A_32 = tpu.memref_squeeze %dma_wait3A_31 : memref<1x640x128xf32, #tpu.memory_space<hbm>> -> memref<640x128xf32, #tpu.memory_space<hbm>>
      %dma_wait3A_33 = arith.constant 0 : i32
      %dma_wait3A_34 = tpu.memref_slice %arg10[%mul3A_24, %dma_wait3A_33] : memref<10240x128xf32, #tpu.memory_space<vmem_shared>> -> memref<640x128xf32, #tpu.memory_space<vmem_shared>>
      tpu.wait_dma2 semaphore(%run_scoped3A : memref<!tpu.dma_semaphore, #tpu.memory_space<semaphore_mem>>) src(%dma_wait3A_34 : memref<640x128xf32, #tpu.memory_space<vmem_shared>>) dst(%dma_wait3A_32 : memref<640x128xf32, #tpu.memory_space<hbm>>)
      tpu.yield
    }) : () -> ()
    return
  }
}

module attributes {stable_mosaic.version = 14 : i64} {
  func.func @body(%arg0: i32, %arg1: memref<1000x256xf32, #tpu.memory_space<vmem>>, %arg2: memref<1x1000x128xf32, #tpu.memory_space<vmem>>, %arg3: memref<1x1000x128xf32, #tpu.memory_space<vmem>>, %arg4: memref<256x256xf32, #tpu.memory_space<vmem>>, %arg5: memref<1x256xf32, #tpu.memory_space<vmem>>, %arg6: memref<256x256xf32, #tpu.memory_space<vmem>>, %arg7: memref<1x256xf32, #tpu.memory_space<vmem>>, %arg8: memref<1000x256xf32, #tpu.memory_space<vmem>>) attributes {dimension_semantics = [#tpu.dimension_semantics<arbitrary>], iteration_bounds = array<i64: 10>, scalar_prefetch = 0 : i64, scratch_operands = 0 : i64, tpu.core_type = #tpu.core_type<tc>, window_params = [{transform_indices = @transform_0, window_bounds = array<i64: 1000, 256>}, {transform_indices = @transform_1, window_bounds = array<i64: 1, 1000, 128>}, {transform_indices = @transform_2, window_bounds = array<i64: 1, 1000, 128>}, {pipeline_mode = #tpu.pipeline_mode<synchronous>, transform_indices = @transform_3, window_bounds = array<i64: 256, 256>}, {pipeline_mode = #tpu.pipeline_mode<synchronous>, transform_indices = @transform_4, window_bounds = array<i64: 1, 256>}, {pipeline_mode = #tpu.pipeline_mode<synchronous>, transform_indices = @transform_5, window_bounds = array<i64: 256, 256>}, {pipeline_mode = #tpu.pipeline_mode<synchronous>, transform_indices = @transform_6, window_bounds = array<i64: 1, 256>}, {transform_indices = @transform_7, window_bounds = array<i64: 1000, 256>}]} {
    %get3A = arith.constant 0 : index
    %get3A_0 = arith.constant 0 : index
    %get3A_1 = vector.load %arg1[%get3A, %get3A_0] : memref<1000x256xf32, #tpu.memory_space<vmem>>, vector<1000x256xf32>
    %get3A_2 = arith.constant 0 : index
    %get3A_3 = arith.constant 0 : index
    %get3A_4 = arith.constant 0 : index
    %get3A_5 = vector.load %arg2[%get3A_2, %get3A_3, %get3A_4] : memref<1x1000x128xf32, #tpu.memory_space<vmem>>, vector<1x1000x128xf32>
    %get3A_6 = vector.shape_cast %get3A_5 : vector<1x1000x128xf32> to vector<1000x128xf32>
    %get3A_7 = arith.constant 0 : index
    %get3A_8 = arith.constant 0 : index
    %get3A_9 = arith.constant 0 : index
    %get3A_10 = vector.load %arg3[%get3A_7, %get3A_8, %get3A_9] : memref<1x1000x128xf32, #tpu.memory_space<vmem>>, vector<1x1000x128xf32>
    %get3A_11 = vector.shape_cast %get3A_10 : vector<1x1000x128xf32> to vector<1000x128xf32>
    %concatenate3A = tpu.concatenate %get3A_6, %get3A_11 in 1 : vector<1000x128xf32>, vector<1000x128xf32> -> vector<1000x256xf32>
    %add3A = arith.addf %get3A_1, %concatenate3A : vector<1000x256xf32>
    %get3A_12 = arith.constant 0 : index
    %get3A_13 = arith.constant 0 : index
    %get3A_14 = vector.load %arg4[%get3A_12, %get3A_13] : memref<256x256xf32, #tpu.memory_space<vmem>>, vector<256x256xf32>
    %dot_general3A = arith.constant dense<0.000000e+00> : vector<1000x256xf32>
    %dot_general3A_15 = tpu.matmul %add3A, %get3A_14, %dot_general3A {dimension_numbers = #tpu.dot_dimension_numbers<[1], [0], [0], [1], [0, 0, 1, 1], [], []>, transpose_lhs_hint = false} : vector<1000x256xf32>, vector<256x256xf32>, vector<1000x256xf32> -> vector<1000x256xf32>
    %get3A_16 = arith.constant 0 : index
    %get3A_17 = arith.constant 0 : index
    %get3A_18 = vector.load %arg5[%get3A_16, %get3A_17] : memref<1x256xf32, #tpu.memory_space<vmem>>, vector<1x256xf32>
    %add3A_19 = vector.broadcast %get3A_18 : vector<1x256xf32> to vector<1000x256xf32>
    %add3A_20 = arith.addf %dot_general3A_15, %add3A_19 : vector<1000x256xf32>
    %max3A = arith.constant 0.000000e+00 : f32
    %max3A_21 = vector.broadcast %max3A : f32 to vector<1000x256xf32>
    %max3A_22 = arith.maximumf %add3A_20, %max3A_21 : vector<1000x256xf32>
    %get3A_23 = arith.constant 0 : index
    %get3A_24 = arith.constant 0 : index
    %get3A_25 = vector.load %arg6[%get3A_23, %get3A_24] : memref<256x256xf32, #tpu.memory_space<vmem>>, vector<256x256xf32>
    %dot_general3A_26 = arith.constant dense<0.000000e+00> : vector<1000x256xf32>
    %dot_general3A_27 = tpu.matmul %max3A_22, %get3A_25, %dot_general3A_26 {dimension_numbers = #tpu.dot_dimension_numbers<[1], [0], [0], [1], [0, 0, 1, 1], [], []>, transpose_lhs_hint = false} : vector<1000x256xf32>, vector<256x256xf32>, vector<1000x256xf32> -> vector<1000x256xf32>
    %get3A_28 = arith.constant 0 : index
    %get3A_29 = arith.constant 0 : index
    %get3A_30 = vector.load %arg7[%get3A_28, %get3A_29] : memref<1x256xf32, #tpu.memory_space<vmem>>, vector<1x256xf32>
    %add3A_31 = vector.broadcast %get3A_30 : vector<1x256xf32> to vector<1000x256xf32>
    %add3A_32 = arith.addf %dot_general3A_27, %add3A_31 : vector<1000x256xf32>
    %max3A_33 = arith.constant 0.000000e+00 : f32
    %max3A_34 = vector.broadcast %max3A_33 : f32 to vector<1000x256xf32>
    %max3A_35 = arith.maximumf %add3A_32, %max3A_34 : vector<1000x256xf32>
    %swap3A = arith.constant 0 : index
    %swap3A_36 = arith.constant 0 : index
    %swap3A_37 = vector.load %arg8[%swap3A, %swap3A_36] : memref<1000x256xf32, #tpu.memory_space<vmem>>, vector<1000x256xf32>
    tpu.vector_store %arg8[%swap3A, %swap3A_36], %max3A_35 {strides = array<i32>} : memref<1000x256xf32, #tpu.memory_space<vmem>>, vector<1000x256xf32>,
    return
  }
  func.func @transform_0(%arg0: i32) -> (i32, i32) {
    %c0_i32 = arith.constant 0 : i32
    %c0_i32_0 = arith.constant 0 : i32
    return %arg0, %c0_i32 : i32, i32
  }
  func.func @transform_1(%arg0: i32) -> (i32, i32, i32) {
    %c0_i32 = arith.constant 0 : i32
    %c0_i32_0 = arith.constant 0 : i32
    %c0_i32_1 = arith.constant 0 : i32
    return %c0_i32, %arg0, %c0_i32_0 : i32, i32, i32
  }
  func.func @transform_2(%arg0: i32) -> (i32, i32, i32) {
    %c1_i32 = arith.constant 1 : i32
    %c0_i32 = arith.constant 0 : i32
    %c0_i32_0 = arith.constant 0 : i32
    return %c1_i32, %arg0, %c0_i32 : i32, i32, i32
  }
  func.func @transform_3(%arg0: i32) -> (i32, i32) {
    %c0_i32 = arith.constant 0 : i32
    %c0_i32_0 = arith.constant 0 : i32
    %c0_i32_1 = arith.constant 0 : i32
    return %c0_i32, %c0_i32_0 : i32, i32
  }
  func.func @transform_4(%arg0: i32) -> (i32, i32) {
    %c0_i32 = arith.constant 0 : i32
    %c0_i32_0 = arith.constant 0 : i32
    %c0_i32_1 = arith.constant 0 : i32
    return %c0_i32, %c0_i32_0 : i32, i32
  }
  func.func @transform_5(%arg0: i32) -> (i32, i32) {
    %c0_i32 = arith.constant 0 : i32
    %c0_i32_0 = arith.constant 0 : i32
    %c0_i32_1 = arith.constant 0 : i32
    return %c0_i32, %c0_i32_0 : i32, i32
  }
  func.func @transform_6(%arg0: i32) -> (i32, i32) {
    %c0_i32 = arith.constant 0 : i32
    %c0_i32_0 = arith.constant 0 : i32
    %c0_i32_1 = arith.constant 0 : i32
    return %c0_i32, %c0_i32_0 : i32, i32
  }
  func.func @transform_7(%arg0: i32) -> (i32, i32) {
    %c0_i32 = arith.constant 0 : i32
    %c0_i32_0 = arith.constant 0 : i32
    return %arg0, %c0_i32 : i32, i32
  }
}

module attributes {stable_mosaic.version = 14 : i64} {
  func.func @body(%arg0: i32, %arg1: memref<1000x256xf32, #tpu.memory_space<vmem>>, %arg2: memref<1x1000x128xf32, #tpu.memory_space<vmem>>, %arg3: memref<1x1000x128xf32, #tpu.memory_space<vmem>>, %arg4: memref<256x256xf32, #tpu.memory_space<vmem>>, %arg5: memref<1x256xf32, #tpu.memory_space<vmem>>, %arg6: memref<256x256xf32, #tpu.memory_space<vmem>>, %arg7: memref<1x256xf32, #tpu.memory_space<vmem>>, %arg8: memref<1000x256xf32, #tpu.memory_space<vmem>>) attributes {dimension_semantics = [#tpu.dimension_semantics<arbitrary>], iteration_bounds = array<i64: 10>, scalar_prefetch = 0 : i64, scratch_operands = 0 : i64, tpu.core_type = #tpu.core_type<tc>, window_params = [{transform_indices = @transform_0, window_bounds = array<i64: 1000, 256>}, {transform_indices = @transform_1, window_bounds = array<i64: 1, 1000, 128>}, {transform_indices = @transform_2, window_bounds = array<i64: 1, 1000, 128>}, {pipeline_mode = #tpu.pipeline_mode<synchronous>, transform_indices = @transform_3, window_bounds = array<i64: 256, 256>}, {pipeline_mode = #tpu.pipeline_mode<synchronous>, transform_indices = @transform_4, window_bounds = array<i64: 1, 256>}, {pipeline_mode = #tpu.pipeline_mode<synchronous>, transform_indices = @transform_5, window_bounds = array<i64: 256, 256>}, {pipeline_mode = #tpu.pipeline_mode<synchronous>, transform_indices = @transform_6, window_bounds = array<i64: 1, 256>}, {transform_indices = @transform_7, window_bounds = array<i64: 1000, 256>}]} {
    %get3A = arith.constant 0 : index
    %get3A_0 = arith.constant 0 : index
    %get3A_1 = vector.load %arg1[%get3A, %get3A_0] : memref<1000x256xf32, #tpu.memory_space<vmem>>, vector<1000x256xf32>
    %get3A_2 = arith.constant 0 : index
    %get3A_3 = arith.constant 0 : index
    %get3A_4 = arith.constant 0 : index
    %get3A_5 = vector.load %arg2[%get3A_2, %get3A_3, %get3A_4] : memref<1x1000x128xf32, #tpu.memory_space<vmem>>, vector<1x1000x128xf32>
    %get3A_6 = vector.shape_cast %get3A_5 : vector<1x1000x128xf32> to vector<1000x128xf32>
    %get3A_7 = arith.constant 0 : index
    %get3A_8 = arith.constant 0 : index
    %get3A_9 = arith.constant 0 : index
    %get3A_10 = vector.load %arg3[%get3A_7, %get3A_8, %get3A_9] : memref<1x1000x128xf32, #tpu.memory_space<vmem>>, vector<1x1000x128xf32>
    %get3A_11 = vector.shape_cast %get3A_10 : vector<1x1000x128xf32> to vector<1000x128xf32>
    %concatenate3A = tpu.concatenate %get3A_6, %get3A_11 in 1 : vector<1000x128xf32>, vector<1000x128xf32> -> vector<1000x256xf32>
    %add3A = arith.addf %get3A_1, %concatenate3A : vector<1000x256xf32>
    %get3A_12 = arith.constant 0 : index
    %get3A_13 = arith.constant 0 : index
    %get3A_14 = vector.load %arg4[%get3A_12, %get3A_13] : memref<256x256xf32, #tpu.memory_space<vmem>>, vector<256x256xf32>
    %dot_general3A = arith.constant dense<0.000000e+00> : vector<1000x256xf32>
    %dot_general3A_15 = tpu.matmul %add3A, %get3A_14, %dot_general3A {dimension_numbers = #tpu.dot_dimension_numbers<[1], [0], [0], [1], [0, 0, 1, 1], [], []>, transpose_lhs_hint = false} : vector<1000x256xf32>, vector<256x256xf32>, vector<1000x256xf32> -> vector<1000x256xf32>
    %get3A_16 = arith.constant 0 : index
    %get3A_17 = arith.constant 0 : index
    %get3A_18 = vector.load %arg5[%get3A_16, %get3A_17] : memref<1x256xf32, #tpu.memory_space<vmem>>, vector<1x256xf32>
    %add3A_19 = vector.broadcast %get3A_18 : vector<1x256xf32> to vector<1000x256xf32>
    %add3A_20 = arith.addf %dot_general3A_15, %add3A_19 : vector<1000x256xf32>
    %max3A = arith.constant 0.000000e+00 : f32
    %max3A_21 = vector.broadcast %max3A : f32 to vector<1000x256xf32>
    %max3A_22 = arith.maximumf %add3A_20, %max3A_21 : vector<1000x256xf32>
    %get3A_23 = arith.constant 0 : index
    %get3A_24 = arith.constant 0 : index
    %get3A_25 = vector.load %arg6[%get3A_23, %get3A_24] : memref<256x256xf32, #tpu.memory_space<vmem>>, vector<256x256xf32>
    %dot_general3A_26 = arith.constant dense<0.000000e+00> : vector<1000x256xf32>
    %dot_general3A_27 = tpu.matmul %max3A_22, %get3A_25, %dot_general3A_26 {dimension_numbers = #tpu.dot_dimension_numbers<[1], [0], [0], [1], [0, 0, 1, 1], [], []>, transpose_lhs_hint = false} : vector<1000x256xf32>, vector<256x256xf32>, vector<1000x256xf32> -> vector<1000x256xf32>
    %get3A_28 = arith.constant 0 : index
    %get3A_29 = arith.constant 0 : index
    %get3A_30 = vector.load %arg7[%get3A_28, %get3A_29] : memref<1x256xf32, #tpu.memory_space<vmem>>, vector<1x256xf32>
    %add3A_31 = vector.broadcast %get3A_30 : vector<1x256xf32> to vector<1000x256xf32>
    %add3A_32 = arith.addf %dot_general3A_27, %add3A_31 : vector<1000x256xf32>
    %swap3A = arith.constant 0 : index
    %swap3A_33 = arith.constant 0 : index
    %swap3A_34 = vector.load %arg8[%swap3A, %swap3A_33] : memref<1000x256xf32, #tpu.memory_space<vmem>>, vector<1000x256xf32>
    tpu.vector_store %arg8[%swap3A, %swap3A_33], %add3A_32 {strides = array<i32>} : memref<1000x256xf32, #tpu.memory_space<vmem>>, vector<1000x256xf32>,
    return
  }
  func.func @transform_0(%arg0: i32) -> (i32, i32) {
    %c0_i32 = arith.constant 0 : i32
    %c0_i32_0 = arith.constant 0 : i32
    return %arg0, %c0_i32 : i32, i32
  }
  func.func @transform_1(%arg0: i32) -> (i32, i32, i32) {
    %c0_i32 = arith.constant 0 : i32
    %c0_i32_0 = arith.constant 0 : i32
    %c0_i32_1 = arith.constant 0 : i32
    return %c0_i32, %arg0, %c0_i32_0 : i32, i32, i32
  }
  func.func @transform_2(%arg0: i32) -> (i32, i32, i32) {
    %c1_i32 = arith.constant 1 : i32
    %c0_i32 = arith.constant 0 : i32
    %c0_i32_0 = arith.constant 0 : i32
    return %c1_i32, %arg0, %c0_i32 : i32, i32, i32
  }
  func.func @transform_3(%arg0: i32) -> (i32, i32) {
    %c0_i32 = arith.constant 0 : i32
    %c0_i32_0 = arith.constant 0 : i32
    %c0_i32_1 = arith.constant 0 : i32
    return %c0_i32, %c0_i32_0 : i32, i32
  }
  func.func @transform_4(%arg0: i32) -> (i32, i32) {
    %c0_i32 = arith.constant 0 : i32
    %c0_i32_0 = arith.constant 0 : i32
    %c0_i32_1 = arith.constant 0 : i32
    return %c0_i32, %c0_i32_0 : i32, i32
  }
  func.func @transform_5(%arg0: i32) -> (i32, i32) {
    %c0_i32 = arith.constant 0 : i32
    %c0_i32_0 = arith.constant 0 : i32
    %c0_i32_1 = arith.constant 0 : i32
    return %c0_i32, %c0_i32_0 : i32, i32
  }
  func.func @transform_6(%arg0: i32) -> (i32, i32) {
    %c0_i32 = arith.constant 0 : i32
    %c0_i32_0 = arith.constant 0 : i32
    %c0_i32_1 = arith.constant 0 : i32
    return %c0_i32, %c0_i32_0 : i32, i32
  }
  func.func @transform_7(%arg0: i32) -> (i32, i32) {
    %c0_i32 = arith.constant 0 : i32
    %c0_i32_0 = arith.constant 0 : i32
    return %arg0, %c0_i32 : i32, i32
  }
}

</mosaic_0001>

<sc_bundles>
// kernel: kernel.6.cloned.1.call-start
scs
__scs_entry_jumppad:
0x0: {  	(pc) =	sbr.rel $0x88, $3  }
0x1: {  	(tag) =	ssettag $0x0;
	lr =	simm.s32 $0x1  }
0x2: {  	[smem:$0x3F97] =	sst lr;
	_ =	strace $0xD0000000  }
0x3: {  	_ = 	snop  }
0x4: {  	_ = 	snop  }
0x5: {  	_ = 	snop  }
0x6: {  	_ = 	snop  }
0x7: {  	_ = 	snop  }
__scs_overlays_trampoline_lowered:
0x8: {  	[smem:$0x3FA6] =	sst s0  }
0x9: {  	[smem:$0x3FA7] =	sst s1  }
0xa: {  	[smem:$0x3FA8] =	sst s2  }
0xb: {  	[smem:$0x3FA9] =	sst s3  }
0xc: {  	[smem:$0x3FAA] =	sst s4  }
0xd: {  	[smem:$0x3FAB] =	sst s5  }
0xe: {  	[smem:$0x3FAC] =	sst s6  }
0xf: {  	[smem:$0x3FAD] =	sst s7  }
0x10: {  	[smem:$0x3FAE] =	sst s8  }
0x11: {  	[smem:$0x3FAF] =	sst s9;
	s0 =	simm.s32 @!p0 $0x0  }
0x12: {  	s1 =	sld [smem:$0x3F95];
	s0 =	simm.s32 @p0 $0x1  }
0x13: {  	[smem:$0x3FB0] =	sst s0;
	s0 =	simm.s32 @!p1 $0x0  }
0x14: {  	s2 =	sld [smem:$0x3F94];
	s0 =	simm.s32 @p1 $0x1  }
0x15: {  	[smem:$0x3FB1] =	sst s0;
	s0 =	simm.s32 @!p2 $0x0  }
0x16: {  	s3 =	sld [smem:$0x3FDB];
	s0 =	simm.s32 @p2 $0x1  }
0x17: {  	s4 =	simm.s32 $0x1BF5;
	[smem:$0x3FB3] =	sst s0  }
0x18: {  	s0 =	sld [smem:$0x3F96];
	_ =	swait.ge [sflag:s4], $0x0  }
0x19: {  	s7 =	sld [smem:$0x3F97]  }
0x1a: {  	s8 =	sadd.s32 $0xFFFFE003, lr  }
0x1b: {  	s9 =	sadd.s32 $0xFFFFFEF7, lr;
	s5 =	simm.s32 $0xFFFFFFFF;
	p2 =	slt.u32 s8, $0xFFFFF086  }
0x1c: {  	p1 =	slt.u32 s9, $0xF7A;
	s5 =	simm.s32 @!p2 $0x0  }
0x1d: {  	s5 =	simm.s32 @p1 $0x1;
	p0 =	seq.s32 s7, s2  }
0x1e: {  	s7 =	smul.u32 @!p0 $0xF7A, s2;
	p2 =	seq.s32 @!p0 s5, $0x0  }
0x1f: {  	s9 =	smul.u32 $0xF7A, s1;
	s8 =	simm.s32 @!p0 $0x1BF5;
	p2 =	por !p2, p0  }
0x20: {  	[sflag:s8] =	ssyncset.s32 @!p0 $0xFFFFF086;
	s6 =	sadd.s32 @!p0 s3, s7;
	s7 =	simm.s32 @!p0 $0x108  }
0x21: {  	s3 =	sadd.s32 s3, s9;
	s6 =	sadd.s32 @!p0 $0x88, s6;
	s7 =	simm.s32 @p2 $0x1082  }
0x22: {  	[simem:s7], [sflag:s8] =	dma.local @!p0 [hbm:s6], $0xF7A  }
0x23: {  	s9 =	sor.u32 $0xD0000000, s2;
	s6 =	simm.s32 $0x108;
	_ =	swait.ge @!p0 [sflag:s8], $0x0  }
0x24: {  	s3 =	sadd.s32 $0x88, s3;
	s6 =	simm.s32 @!p1 $0x1082;
	[sflag:s4] =	ssyncset.s32 $0xFFFFF086  }
0x25: {  	[simem:s6], [sflag:s4] =	dma.local [hbm:s3], $0xF7A  }
0x26: {  	[smem:$0x3F97] =	sst s1;
	(tag) =	ssettag s2;
	_ =	strace s9  }
0x27: {  	s1 =	sld [smem:$0x3FA7]  }
0x28: {  	s2 =	sld [smem:$0x3FA8]  }
0x29: {  	s4 =	sld [smem:$0x3FAA]  }
0x2a: {  	p0 =	seq.s32 s5, $0x0;
	s5 =	sld [smem:$0x3FAB]  }
0x2b: {  	s6 =	sld [smem:$0x3FAC]  }
0x2c: {  	s7 =	sld [smem:$0x3FAD]  }
0x2d: {  	s3 =	simm.s32 $0x108;
	s8 =	sld [smem:$0x3FAE]  }
0x2e: {  	s3 =	simm.s32 @!p0 $0x1082;
	s9 =	sld [smem:$0x3FAF]  }
0x2f: {  	lr =	sadd.s32 s0, s3;
	s0 =	sld [smem:$0x3FA6]  }
0x30: {  	s3 =	sld [smem:$0x3FA9]  }
0x31: {  	[smem:$0x3FB2] =	sst s10  }
0x32: {  	s10 =	sld [smem:$0x3FB0];
	_ =	sdelay $0x3  }
0x33: {  	p0 =	seq.s32 s10, $0x1;
	s10 =	sld [smem:$0x3FB2];
	_ =	sdelay $0x3  }
0x34: {  	[smem:$0x3FB2] =	sst s10  }
0x35: {  	s10 =	sld [smem:$0x3FB1];
	_ =	sdelay $0x3  }
0x36: {  	p1 =	seq.s32 s10, $0x1;
	s10 =	sld [smem:$0x3FB2];
	_ =	sdelay $0x3  }
0x37: {  	[smem:$0x3FB2] =	sst s10  }
0x38: {  	s10 =	sld [smem:$0x3FB3]  }
0x39: {  	_ = 	snop;
	(pc) =	sbr.ind lr, $3  }
0x3a: {  	_ = 	snop  }
0x3b: {  	_ = 	snop  }
0x3c: {  	p2 =	seq.s32 s10, $0x1;
	s10 =	sld [smem:$0x3FB2]  }
0x3d: {  	_ =	shalt  }
0x3e: {  	_ =	shalt  }
0x3f: {  	_ =	shalt  }
0x40: {  	_ =	shalt  }
0x41: {  	_ =	shalt  }
0x42: {  	_ =	shalt  }
0x43: {  	_ =	shalt  }
0x44: {  	_ =	shalt  }
0x45: {  	_ =	shalt  }
0x46: {  	_ =	shalt  }
0x47: {  	_ =	shalt  }
0x48: {  	_ =	shalt  }
0x49: {  	_ =	shalt  }
0x4a: {  	_ =	shalt  }
0x4b: {  	_ =	shalt  }
0x4c: {  	_ =	shalt  }
0x4d: {  	_ =	shalt  }
0x4e: {  	_ =	shalt  }
0x4f: {  	_ =	shalt  }
0x50: {  	_ =	shalt  }
0x51: {  	_ =	shalt  }
0x52: {  	_ =	shalt  }
0x53: {  	_ =	shalt  }
0x54: {  	_ =	shalt  }
0x55: {  	_ =	shalt  }
0x56: {  	_ =	shalt  }
0x57: {  	_ =	shalt  }
0x58: {  	_ =	shalt  }
0x59: {  	_ =	shalt  }
0x5a: {  	_ =	shalt  }
0x5b: {  	_ =	shalt  }
0x5c: {  	_ =	shalt  }
0x5d: {  	_ =	shalt  }
0x5e: {  	_ =	shalt  }
0x5f: {  	_ =	shalt  }
0x60: {  	_ =	shalt  }
0x61: {  	_ =	shalt  }
0x62: {  	_ =	shalt  }
0x63: {  	_ =	shalt  }
0x64: {  	_ =	shalt  }
0x65: {  	_ =	shalt  }
0x66: {  	_ =	shalt  }
0x67: {  	_ =	shalt  }
0x68: {  	_ =	shalt  }
0x69: {  	_ =	shalt  }
0x6a: {  	_ =	shalt  }
0x6b: {  	_ =	shalt  }
0x6c: {  	_ =	shalt  }
0x6d: {  	_ =	shalt  }
0x6e: {  	_ =	shalt  }
0x6f: {  	_ =	shalt  }
0x70: {  	_ =	shalt  }
0x71: {  	_ =	shalt  }
0x72: {  	_ =	shalt  }
0x73: {  	_ =	shalt  }
0x74: {  	_ =	shalt  }
0x75: {  	_ =	shalt  }
0x76: {  	_ =	shalt  }
0x77: {  	_ =	shalt  }
0x78: {  	_ =	shalt  }
0x79: {  	_ =	shalt  }
0x7a: {  	_ =	shalt  }
0x7b: {  	_ =	shalt  }
0x7c: {  	_ =	shalt  }
0x7d: {  	_ =	shalt  }
0x7e: {  	_ =	shalt  }
0x7f: {  	_ =	shalt  }
0x80: {  	_ =	shalt  }
0x81: {  	_ =	shalt  }
0x82: {  	_ =	shalt  }
0x83: {  	_ =	shalt  }
0x84: {  	_ =	shalt  }
0x85: {  	_ =	shalt  }
0x86: {  	_ =	shalt  }
0x87: {  	_ =	shalt  }
.Lfunc_end0:
.L_simem_size_0:
called_computation_lowered:
.L_overlay_start_0:
0x88: {  	s2 =	sld [smem:$0x3FD9]  }
0x89: {  	s3 =	sld [smem:$0x3FFE];
	_ =	sdelay $0x1  }
0x8a: {  	s1 =	srdreg.scid  }
0x8b: {  	s0 =	sand.u32 $0x1, s1  }
0x8c: {  	s17 =	sshll.u32 s0, $0xA;
	s2 =	sadd.s32 s3, s2  }
0x8d: {  	s2 =	sadd.s32 s2, s17  }
0x8e: {  	[smem:$0x3FBE] =	sst s2  }
0x8f: {  	_ = 	snop  }
0x90: {  	s2 =	sld [smem:$0x3FD0];
	(tm) =	ssettm $0x1  }
0x91: {  	s18 =	sld [smem:$0x3FFB];
	_ =	sdelay $0x3  }
0x92: {  	_ =	strace s18  }
0x93: {  	s3 =	sld [smem:$0x3FFC];
	_ =	sdelay $0x3  }
0x94: {  	_ =	strace s3  }
0x95: {  	s3 =	sld [smem:$0x3FFD];
	_ =	sdelay $0x3  }
0x96: {  	_ =	strace s3  }
0x97: {  	_ =	strace $0x8FFFFFFF  }
0x98: {  	s19 =	sld [smem:$0x3FDB];
	_ =	sdelay $0x1  }
0x99: {  	s4 =	simm.s32 $_scs_section_size  }
0x9a: {  	s5 =	simm.s32 $_size__tile_overlayer_lowered;
	s6 =	simm.s32 $_tile_overlayer_lowered  }
0x9b: {  	s22 =	simm.s32 $0x1BFF;
	s21 =	sshll.u32 s6, $0x1;
	s3 =	sadd.s32 s4, s19  }
0x9c: {  	s7 =	simm.s32 $0x0;
	s20 =	sshll.u32 s5, $0x1;
	s5 =	sadd.s32 s21, s3  }
0x9d: {  	[timem:s7], [sflag:s22] =	dma.local [hbm:s5], s20  }
0x9e: {  	_ =	swait.ge [sflag:s22], s20  }
0x9f: {  	s4 =	ssub.s32 $0x0, s20;
	[sflag:s22] =	ssyncset.done $0x0  }
0xa0: {  	[sflag:s22] =	ssyncadd.s32 s4;
	_ =	sdelay $0x1  }
0xa1: {  	s23 =	simm.s32 $0x1B8B  }
0xa2: {  	_ =	swait.ge [sflag:s23], $0x1  }
0xa3: {  	[sflag:s23] =	ssyncset.done $0x0  }
0xa4: {  	s25 =	simm.s32 $0x1B8E;
	s24 =	sld [smem:$0x3FFE];
	[sflag:s23] =	ssyncadd.s32 $0xFFFFFFFF  }
0xa5: {  	s26 =	simm.s32 $execute0_lowered;
	[smem:$0x3FD2] =	sst s25  }
0xa6: {  	s5 =	sshll.u32 s26, $0x1;
	_ =	strace $0x80000046;
	[dreg:$0x1] =	wrdreg $0xFFFFFFFF  }
0xa7: {  	s28 =	simm.s32 $_size_execute0_lowered;
	s3 =	sadd.s32 s3, s5;
	[dreg:$0x0] =	wrdreg $0x0  }
0xa8: {  	s5 =	sshll.u32 s28, $0x1;
	[dreg:$0x2] =	wrdreg s3  }
0xa9: {  	[dreg:$0x3] =	wrdreg s5  }
0xaa: {  	[dreg:$0x4] =	wrdreg $0xC0  }
0xab: {  	_ =	task [dreg:s7], $0x5FFFF  }
0xac: {  	[dreg:$0x1] =	wrdreg $0xFFFFFFFF  }
0xad: {  	[dreg:$0x0] =	wrdreg $0x60  }
0xae: {  	[dreg:$0x2] =	wrdreg s2  }
0xaf: {  	[dreg:$0x3] =	wrdreg s24  }
0xb0: {  	[dreg:$0x4] =	wrdreg $0xA8000  }
0xb1: {  	[dreg:$0x5] =	wrdreg $0x9  }
0xb2: {  	_ =	task.clear_ibuf [dreg:s7], $0x6FFFF;
	_ =	strace $0x90000046  }
0xb3: {  	s29 =	simm.s32 $0x9;
	_ =	strace $0x80000048  }
0xb4: {  	_ =	swait.ge [sflag:s29], $0x1  }
0xb5: {  	[sflag:s29] =	ssyncadd.s32 $0xFFFFFFFF  }
0xb6: {  	_ =	strace $0x90000048  }
0xb7: {  	_ =	sfence  }
0xb8: {  	s30 =	sld [smem:$0x0];
	_ =	sdelay $0x2  }
0xb9: {  	s31 =	sshll.u32 s1, $0xD;
	s1 =	sshrl.u32 s1, $0x2  }
0xba: {  	s3 =	sand.u32 $0x4000, s31;
	s1 =	sadd.s32 s1, s30  }
0xbb: {  	s0 =	sor.u32 s3, s0;
	s1 =	sshll.u32 s1, $0x11  }
0xbc: {  	s0 =	sor.u32 s1, s0  }
0xbd: {  	s0 =	sadd.s32 $0x8F2B, s0  }
0xbe: {  	[sflag:s0] =	ssyncadd.remote.s32 $0x1  }
0xbf: {  	_ =	sfence.sel $0xFFFF  }
0xc0: {  	[dreg:$0x0] =	wrdreg $0xFFFFFFFF;
	(pc) =	sbr.abs _section_cstart, $3  }
0xc1: {  	[dreg:$0x1] =	wrdreg $0xFFFFFFFF  }
0xc2: {  	_ =	task.clear_ibuf [dreg:s7], $0x2FFFF;
	_ =	strace $0x9FFFFFFF  }
0xc3: {  	(tm) =	ssettm $0x7FFFFFFF  }
tec
execute0_lowered:
.L_overlay_start_1:
0x0: {  	(tag) =	ssettag $0x1  }
0x1: {  	s1 =	rddreg [dreg:$0x0]  }
0x2: {  	s5 =	rddreg [dreg:$0x1]  }
0x3: {  	s0 =	srdreg.scid;
	s3 =	rddreg [dreg:$0x2]  }
0x4: {  	s2 =	rddreg [dreg:$0x3];
	s4 =	simm.s32 $0x0;
	s6 =	sand.u32 $0x1, s0  }
0x5: {  	s17 =	simm.s32 $0x2800;
	s0 =	stileid.u32;
	s7 =	smul.u32 $0x28000, s6  }
0x6: {  	s18 =	simm.s32 $0x3;
	s19 =	simm.s32 $0x1400;
	s8 =	smul.u32 $0x2800, s0  }
0x7: {  	s20 =	simm.s32 $0x7D;
	s21 =	simm.s32 $0x6800;
	s9 =	smul.u32 $0x140000, s6  }
0x8: {  	s22 =	simm.s32 $0x1;
	s23 =	simm.s32 $0x2;
	s10 =	smul.u32 $0x14000, s0  }
0x9: {  	[smem:$0x7FF] =	sst s4;
	s29 =	smul.u32 $0x50000, s0;
	s6 =	ssub.s32 $0x2, s6  }
0xa: {  	_ =	strace $0x80000047;
	s31 =	sshrl.u32 s6, $0x1;
	s7 =	sadd.s32 s8, s7  }
0xb: {  	s28 =	sshrl.u32 s8, $0x3;
	s30 =	sadd.s32 s10, s9;
	s8 =	sshrl.u32 s29, $0x2  }
0xc: {  	s14 =	ssub.s32 s6, s31;
	s7 =	sshrl.u32 s7, $0x3;
	s12 =	sadd.s32 s28, s5  }
0xd: {  	s11 =	sadd.s32 s7, s5;
	s7 =	sshrl.u32 s30, $0x3;
	s10 =	sadd.s32 $0x1C80, s12  }
0xe: {  	s13 =	sadd.s32 s7, s5;
	s5 =	sadd.s32 s8, s3;
	s7 =	sadd.s32 $0x6A00, s11  }
0xf: {  	s8 =	sadd.s32 $0x1A00, s12;
	s9 =	sadd.s32 $0x6C80, s11;
	s12 =	smax.u32 s14, $0x1  }
0x10: {  	s6 =	sadd.s32 $0x12C00, s5;
	s11 =	sadd.s32 $0x10A00, s13;
	s13 =	sadd.s32 $0x3C00, s5  }
0x11: {  	v0 =	vimm.f32 $0.0e+00;
	s14 =	sadd.s32 $0x7800, s5;
	s15 =	sadd.s32 $0xB400, s5;
	s16 =	sadd.s32 $0xF000, s5  }
.LBB2_1:
0x12: {  	s24 =	simm.s32 $0x0;
	s25 =	simm.s32 $0x200  }
.LBB2_2:
0x13: {  	p0 =	sne.s32 s25, $0xF800;
	[tilespmem:s24+$0x2870] =	vst v0  }
0x14: {  	[tilespmem:s24+$0x2800] =	vst v0  }
0x15: {  	[tilespmem:s24+$0x2810] =	vst v0  }
.Ltmp0:
0x16: {  	[tilespmem:s24+$0x2820] =	vst v0;
	(pc) =	sbr.rel @p0 .LBB2_2-.Ltmp0, $4  }
0x17: {  	[tilespmem:s24+$0x2830] =	vst v0  }
0x18: {  	[tilespmem:s24+$0x2840] =	vst v0  }
0x19: {  	[tilespmem:s24+$0x2850] =	vst v0  }
0x1a: {  	[tilespmem:s24+$0x2860] =	vst v0;
	s24 =	sshra.s32 s25, $0x2;
	s25 =	sadd.s32 $0x200, s25  }
0x1b: {  	[tilespmem:s24+$0x2870] =	vst v0  }
0x1c: {  	[tilespmem:s24+$0x2800] =	vst v0  }
0x1d: {  	[tilespmem:s24+$0x2810] =	vst v0  }
0x1e: {  	[tilespmem:s24+$0x2820] =	vst v0  }
0x1f: {  	[tilespmem:s24+$0x2830] =	vst v0  }
0x20: {  	[tilespmem:s24+$0x2840] =	vst v0  }
0x21: {  	[tilespmem:s24+$0x2850] =	vst v0  }
0x22: {  	[tilespmem:s24+$0x2860] =	vst v0  }
0x23: {  	[spmem:s5] =	stream.linear.scatter [tilespmem:s17], [sflag:$0x3], $0x3C00, $0x38;
	[tilespmem:$0x1E800] =	vst v63  }
0x24: {  	_ =	swait.ge [sflag:s18], $0x3C00  }
0x25: {  	[sflag:s18] =	ssyncset.done $0x0  }
0x26: {  	[sflag:s18] =	ssyncadd.s32 $0xFFFFC400  }
0x27: {  	[spmem:s13] =	stream.linear.scatter [tilespmem:s17], [sflag:$0x3], $0x3C00, $0x38;
	[tilespmem:$0x1E800] =	vst v63  }
0x28: {  	_ =	swait.ge [sflag:s18], $0x3C00  }
0x29: {  	[sflag:s18] =	ssyncset.done $0x0  }
0x2a: {  	[sflag:s18] =	ssyncadd.s32 $0xFFFFC400  }
0x2b: {  	[spmem:s14] =	stream.linear.scatter [tilespmem:s17], [sflag:$0x3], $0x3C00, $0x38;
	[tilespmem:$0x1E800] =	vst v63  }
0x2c: {  	_ =	swait.ge [sflag:s18], $0x3C00  }
0x2d: {  	[sflag:s18] =	ssyncset.done $0x0  }
0x2e: {  	[sflag:s18] =	ssyncadd.s32 $0xFFFFC400  }
0x2f: {  	[spmem:s15] =	stream.linear.scatter [tilespmem:s17], [sflag:$0x3], $0x3C00, $0x38;
	[tilespmem:$0x1E800] =	vst v63  }
0x30: {  	_ =	swait.ge [sflag:s18], $0x3C00  }
0x31: {  	[sflag:s18] =	ssyncset.done $0x0  }
0x32: {  	[sflag:s18] =	ssyncadd.s32 $0xFFFFC400  }
0x33: {  	[spmem:s16] =	stream.linear.scatter [tilespmem:s17], [sflag:$0x3], $0x3C00, $0x38;
	[tilespmem:$0x1E800] =	vst v63  }
0x34: {  	_ =	swait.ge [sflag:s18], $0x3C00  }
0x35: {  	[sflag:s18] =	ssyncset.done $0x0  }
0x36: {  	[sflag:s18] =	ssyncadd.s32 $0xFFFFC400  }
0x37: {  	[spmem:s6] =	stream.linear.scatter [tilespmem:s17], [sflag:$0x3], $0x1400, $0x38;
	[tilespmem:$0x1E800] =	vst v63  }
0x38: {  	_ =	swait.ge [sflag:s18], $0x1400  }
0x39: {  	[sflag:s18] =	ssyncset.done $0x0  }
0x3a: {  	[sflag:s18] =	ssyncadd.s32 $0xFFFFEC00  }
0x3b: {  	s30 =	simm.s32 $0x0;
	[bflag:$0x0] =	sbarrier.arrive $0xFFFF  }
0x3c: {  	[tilespmem:s30], [sflag:$0x3] =	stream.linear.gather [hbm4b:s7+s30], $0x1400, $0x38;
	[tilespmem:$0x1E800] =	vst v63  }
0x3d: {  	_ =	swait.ge [sflag:s18], $0x1400  }
0x3e: {  	[sflag:s18] =	ssyncset.done $0x0  }
0x3f: {  	[sflag:s18] =	ssyncadd.s32 $0xFFFFEC00  }
0x40: {  	[tilespmem:s19], [sflag:$0x3] =	stream.linear.gather [hbm4b:s8+s30], $0x1400, $0x38;
	[tilespmem:$0x1E800] =	vst v63  }
0x41: {  	_ =	swait.ge [sflag:s18], $0x1400  }
0x42: {  	[sflag:s18] =	ssyncset.done $0x0  }
0x43: {  	s31 =	simm.s32 $0x0;
	[sflag:s18] =	ssyncadd.s32 $0xFFFFEC00  }
0x44: {  	[tilespmem:s17], [sflag:$0x1] =	stream.indirect.gather [hbm4b:s1+s20], $0x80, s31, s20, $0xb8;
	[tilespmem:$0x1E800] =	vst v63  }
0x45: {  	s25 =	simm.s32 $0x80  }
0x46: {  	[tilespmem:s21], [sflag:$0x2] =	stream.indirect.gather [hbm4b:s1+s20], $0x80, s25, s20, $0xb8;
	[tilespmem:$0x1E800] =	vst v63  }
0x47: {  	_ =	swait.ge [sflag:s22], $0x3E80  }
0x48: {  	[sflag:s22] =	ssyncset.done $0x0  }
0x49: {  	s26 =	simm.s32 $0x1400;
	[sflag:s22] =	ssyncadd.s32 $0xFFFFC180  }
0x4a: {  	[spmem:s3] =	stream.indirect.scatter.add.f32 [tilespmem:s17], [sflag:$0x3], $0x80, s26, s20, $0xb8;
	[tilespmem:$0x1E800] =	vst v63  }
0x4b: {  	_ =	swait.ge [sflag:s18], $0x3E80  }
0x4c: {  	[sflag:s18] =	ssyncset.done $0x0  }
0x4d: {  	s29 =	simm.s32 $0x100;
	[sflag:s18] =	ssyncadd.s32 $0xFFFFC180  }
0x4e: {  	[tilespmem:s17], [sflag:$0x1] =	stream.indirect.gather [hbm4b:s1+s20], $0x80, s29, s20, $0xb8;
	[tilespmem:$0x1E800] =	vst v63  }
0x4f: {  	_ =	swait.ge [sflag:s23], $0x3E80  }
0x50: {  	[sflag:s23] =	ssyncset.done $0x0  }
0x51: {  	s30 =	simm.s32 $0x1480;
	[sflag:s23] =	ssyncadd.s32 $0xFFFFC180  }
0x52: {  	[spmem:s3] =	stream.indirect.scatter.add.f32 [tilespmem:s21], [sflag:$0x3], $0x80, s30, s20, $0xb8;
	[tilespmem:$0x1E800] =	vst v63  }
0x53: {  	_ =	swait.ge [sflag:s18], $0x3E80  }
0x54: {  	[sflag:s18] =	ssyncset.done $0x0  }
0x55: {  	s31 =	simm.s32 $0x180;
	[sflag:s18] =	ssyncadd.s32 $0xFFFFC180  }
0x56: {  	[tilespmem:s21], [sflag:$0x2] =	stream.indirect.gather [hbm4b:s1+s20], $0x80, s31, s20, $0xb8;
	[tilespmem:$0x1E800] =	vst v63  }
0x57: {  	_ =	swait.ge [sflag:s22], $0x3E80  }
0x58: {  	[sflag:s22] =	ssyncset.done $0x0  }
0x59: {  	s25 =	simm.s32 $0x1500;
	[sflag:s22] =	ssyncadd.s32 $0xFFFFC180  }
0x5a: {  	[spmem:s3] =	stream.indirect.scatter.add.f32 [tilespmem:s17], [sflag:$0x3], $0x80, s25, s20, $0xb8;
	[tilespmem:$0x1E800] =	vst v63  }
0x5b: {  	_ =	swait.ge [sflag:s18], $0x3E80  }
0x5c: {  	[sflag:s18] =	ssyncset.done $0x0  }
0x5d: {  	s26 =	simm.s32 $0x200;
	[sflag:s18] =	ssyncadd.s32 $0xFFFFC180  }
0x5e: {  	[tilespmem:s17], [sflag:$0x1] =	stream.indirect.gather [hbm4b:s1+s20], $0x80, s26, s20, $0xb8;
	[tilespmem:$0x1E800] =	vst v63  }
0x5f: {  	_ =	swait.ge [sflag:s23], $0x3E80  }
0x60: {  	[sflag:s23] =	ssyncset.done $0x0  }
0x61: {  	s29 =	simm.s32 $0x1580;
	[sflag:s23] =	ssyncadd.s32 $0xFFFFC180  }
0x62: {  	[spmem:s3] =	stream.indirect.scatter.add.f32 [tilespmem:s21], [sflag:$0x3], $0x80, s29, s20, $0xb8;
	[tilespmem:$0x1E800] =	vst v63  }
0x63: {  	_ =	swait.ge [sflag:s18], $0x3E80  }
0x64: {  	[sflag:s18] =	ssyncset.done $0x0  }
0x65: {  	s30 =	simm.s32 $0x280;
	[sflag:s18] =	ssyncadd.s32 $0xFFFFC180  }
0x66: {  	[tilespmem:s21], [sflag:$0x2] =	stream.indirect.gather [hbm4b:s1+s20], $0x80, s30, s20, $0xb8;
	[tilespmem:$0x1E800] =	vst v63  }
0x67: {  	_ =	swait.ge [sflag:s22], $0x3E80  }
0x68: {  	[sflag:s22] =	ssyncset.done $0x0  }
0x69: {  	s31 =	simm.s32 $0x1600;
	[sflag:s22] =	ssyncadd.s32 $0xFFFFC180  }
0x6a: {  	[spmem:s3] =	stream.indirect.scatter.add.f32 [tilespmem:s17], [sflag:$0x3], $0x80, s31, s20, $0xb8;
	[tilespmem:$0x1E800] =	vst v63  }
0x6b: {  	_ =	swait.ge [sflag:s18], $0x3E80  }
0x6c: {  	[sflag:s18] =	ssyncset.done $0x0  }
0x6d: {  	s25 =	simm.s32 $0x300;
	[sflag:s18] =	ssyncadd.s32 $0xFFFFC180  }
0x6e: {  	[tilespmem:s17], [sflag:$0x1] =	stream.indirect.gather [hbm4b:s1+s20], $0x80, s25, s20, $0xb8;
	[tilespmem:$0x1E800] =	vst v63  }
0x6f: {  	_ =	swait.ge [sflag:s23], $0x3E80  }
0x70: {  	[sflag:s23] =	ssyncset.done $0x0  }
0x71: {  	s26 =	simm.s32 $0x1680;
	[sflag:s23] =	ssyncadd.s32 $0xFFFFC180  }
0x72: {  	[spmem:s3] =	stream.indirect.scatter.add.f32 [tilespmem:s21], [sflag:$0x3], $0x80, s26, s20, $0xb8;
	[tilespmem:$0x1E800] =	vst v63  }
0x73: {  	_ =	swait.ge [sflag:s18], $0x3E80  }
0x74: {  	[sflag:s18] =	ssyncset.done $0x0  }
0x75: {  	s29 =	simm.s32 $0x380;
	[sflag:s18] =	ssyncadd.s32 $0xFFFFC180  }
0x76: {  	[tilespmem:s21], [sflag:$0x2] =	stream.indirect.gather [hbm4b:s1+s20], $0x80, s29, s20, $0xb8;
	[tilespmem:$0x1E800] =	vst v63  }
0x77: {  	_ =	swait.ge [sflag:s22], $0x3E80  }
0x78: {  	[sflag:s22] =	ssyncset.done $0x0  }
0x79: {  	s30 =	simm.s32 $0x1700;
	[sflag:s22] =	ssyncadd.s32 $0xFFFFC180  }
0x7a: {  	[spmem:s3] =	stream.indirect.scatter.add.f32 [tilespmem:s17], [sflag:$0x3], $0x80, s30, s20, $0xb8;
	[tilespmem:$0x1E800] =	vst v63  }
0x7b: {  	_ =	swait.ge [sflag:s18], $0x3E80  }
0x7c: {  	[sflag:s18] =	ssyncset.done $0x0  }
0x7d: {  	[sflag:s18] =	ssyncadd.s32 $0xFFFFC180  }
0x7e: {  	_ =	swait.ge [sflag:s23], $0x3E80  }
0x7f: {  	[sflag:s23] =	ssyncset.done $0x0  }
0x80: {  	s31 =	simm.s32 $0x1780;
	[sflag:s23] =	ssyncadd.s32 $0xFFFFC180  }
0x81: {  	[spmem:s3] =	stream.indirect.scatter.add.f32 [tilespmem:s21], [sflag:$0x3], $0x80, s31, s20, $0xb8;
	[tilespmem:$0x1E800] =	vst v63  }
0x82: {  	_ =	swait.ge [sflag:s18], $0x3E80  }
0x83: {  	s24 =	simm.s32 $0x1000;
	s28 =	simm.s32 $0x2000;
	[sflag:s18] =	ssyncset.done $0x0  }
.LBB2_4:
0x84: {  	s26 =	sshra.s32 s24, $0x2  }
0x85: {  	[sflag:s18] =	ssyncadd.s32 $0xFFFFC180;
	s24 =	smov.u32 s28;
	s25 =	sadd.s32 $0x1000, s28  }
0x86: {  	[tilespmem:s17], [sflag:$0x1] =	stream.indirect.gather [hbm4b:s1+s20], $0x80, s26, s20, $0xb8;
	[tilespmem:$0x1E800] =	vst v63  }
0x87: {  	p0 =	sne.s32 s28, $0x4000;
	s28 =	sadd.s32 $0x80, s26  }
0x88: {  	[tilespmem:s21], [sflag:$0x2] =	stream.indirect.gather [hbm4b:s1+s20], $0x80, s28, s20, $0xb8;
	[tilespmem:$0x1E800] =	vst v63  }
0x89: {  	_ =	swait.ge [sflag:s22], $0x3E80  }
0x8a: {  	[sflag:s22] =	ssyncset.done $0x0  }
0x8b: {  	s28 =	sadd.s32 $0x1400, s26;
	[sflag:s22] =	ssyncadd.s32 $0xFFFFC180  }
0x8c: {  	[spmem:s3] =	stream.indirect.scatter.add.f32 [tilespmem:s17], [sflag:$0x3], $0x80, s28, s20, $0xb8;
	[tilespmem:$0x1E800] =	vst v63  }
0x8d: {  	_ =	swait.ge [sflag:s18], $0x3E80  }
0x8e: {  	[sflag:s18] =	ssyncset.done $0x0  }
0x8f: {  	s28 =	sadd.s32 $0x100, s26;
	[sflag:s18] =	ssyncadd.s32 $0xFFFFC180  }
0x90: {  	[tilespmem:s17], [sflag:$0x1] =	stream.indirect.gather [hbm4b:s1+s20], $0x80, s28, s20, $0xb8;
	[tilespmem:$0x1E800] =	vst v63  }
0x91: {  	_ =	swait.ge [sflag:s23], $0x3E80  }
0x92: {  	[sflag:s23] =	ssyncset.done $0x0  }
0x93: {  	s28 =	sadd.s32 $0x1480, s26;
	[sflag:s23] =	ssyncadd.s32 $0xFFFFC180  }
0x94: {  	[spmem:s3] =	stream.indirect.scatter.add.f32 [tilespmem:s21], [sflag:$0x3], $0x80, s28, s20, $0xb8;
	[tilespmem:$0x1E800] =	vst v63  }
0x95: {  	_ =	swait.ge [sflag:s18], $0x3E80  }
0x96: {  	[sflag:s18] =	ssyncset.done $0x0  }
0x97: {  	s28 =	sadd.s32 $0x180, s26;
	[sflag:s18] =	ssyncadd.s32 $0xFFFFC180  }
0x98: {  	[tilespmem:s21], [sflag:$0x2] =	stream.indirect.gather [hbm4b:s1+s20], $0x80, s28, s20, $0xb8;
	[tilespmem:$0x1E800] =	vst v63  }
0x99: {  	_ =	swait.ge [sflag:s22], $0x3E80  }
0x9a: {  	[sflag:s22] =	ssyncset.done $0x0  }
0x9b: {  	s28 =	sadd.s32 $0x1500, s26;
	[sflag:s22] =	ssyncadd.s32 $0xFFFFC180  }
0x9c: {  	[spmem:s3] =	stream.indirect.scatter.add.f32 [tilespmem:s17], [sflag:$0x3], $0x80, s28, s20, $0xb8;
	[tilespmem:$0x1E800] =	vst v63  }
0x9d: {  	_ =	swait.ge [sflag:s18], $0x3E80  }
0x9e: {  	[sflag:s18] =	ssyncset.done $0x0  }
0x9f: {  	s28 =	sadd.s32 $0x200, s26;
	[sflag:s18] =	ssyncadd.s32 $0xFFFFC180  }
0xa0: {  	[tilespmem:s17], [sflag:$0x1] =	stream.indirect.gather [hbm4b:s1+s20], $0x80, s28, s20, $0xb8;
	[tilespmem:$0x1E800] =	vst v63  }
0xa1: {  	_ =	swait.ge [sflag:s23], $0x3E80  }
0xa2: {  	[sflag:s23] =	ssyncset.done $0x0  }
0xa3: {  	s28 =	sadd.s32 $0x1580, s26;
	[sflag:s23] =	ssyncadd.s32 $0xFFFFC180  }
0xa4: {  	[spmem:s3] =	stream.indirect.scatter.add.f32 [tilespmem:s21], [sflag:$0x3], $0x80, s28, s20, $0xb8;
	[tilespmem:$0x1E800] =	vst v63  }
0xa5: {  	_ =	swait.ge [sflag:s18], $0x3E80  }
0xa6: {  	[sflag:s18] =	ssyncset.done $0x0  }
0xa7: {  	s28 =	sadd.s32 $0x280, s26;
	[sflag:s18] =	ssyncadd.s32 $0xFFFFC180  }
0xa8: {  	[tilespmem:s21], [sflag:$0x2] =	stream.indirect.gather [hbm4b:s1+s20], $0x80, s28, s20, $0xb8;
	[tilespmem:$0x1E800] =	vst v63  }
0xa9: {  	_ =	swait.ge [sflag:s22], $0x3E80  }
0xaa: {  	[sflag:s22] =	ssyncset.done $0x0  }
0xab: {  	s28 =	sadd.s32 $0x1600, s26;
	[sflag:s22] =	ssyncadd.s32 $0xFFFFC180  }
0xac: {  	[spmem:s3] =	stream.indirect.scatter.add.f32 [tilespmem:s17], [sflag:$0x3], $0x80, s28, s20, $0xb8;
	[tilespmem:$0x1E800] =	vst v63  }
0xad: {  	_ =	swait.ge [sflag:s18], $0x3E80  }
0xae: {  	[sflag:s18] =	ssyncset.done $0x0  }
0xaf: {  	s28 =	sadd.s32 $0x300, s26;
	[sflag:s18] =	ssyncadd.s32 $0xFFFFC180  }
0xb0: {  	[tilespmem:s17], [sflag:$0x1] =	stream.indirect.gather [hbm4b:s1+s20], $0x80, s28, s20, $0xb8;
	[tilespmem:$0x1E800] =	vst v63  }
0xb1: {  	_ =	swait.ge [sflag:s23], $0x3E80  }
0xb2: {  	[sflag:s23] =	ssyncset.done $0x0  }
0xb3: {  	s28 =	sadd.s32 $0x1680, s26;
	[sflag:s23] =	ssyncadd.s32 $0xFFFFC180  }
0xb4: {  	[spmem:s3] =	stream.indirect.scatter.add.f32 [tilespmem:s21], [sflag:$0x3], $0x80, s28, s20, $0xb8;
	[tilespmem:$0x1E800] =	vst v63  }
0xb5: {  	_ =	swait.ge [sflag:s18], $0x3E80  }
0xb6: {  	[sflag:s18] =	ssyncset.done $0x0  }
0xb7: {  	s28 =	sadd.s32 $0x380, s26;
	[sflag:s18] =	ssyncadd.s32 $0xFFFFC180  }
0xb8: {  	[tilespmem:s21], [sflag:$0x2] =	stream.indirect.gather [hbm4b:s1+s20], $0x80, s28, s20, $0xb8;
	[tilespmem:$0x1E800] =	vst v63  }
0xb9: {  	_ =	swait.ge [sflag:s22], $0x3E80  }
0xba: {  	[sflag:s22] =	ssyncset.done $0x0  }
0xbb: {  	s28 =	sadd.s32 $0x1700, s26;
	[sflag:s22] =	ssyncadd.s32 $0xFFFFC180  }
0xbc: {  	[spmem:s3] =	stream.indirect.scatter.add.f32 [tilespmem:s17], [sflag:$0x3], $0x80, s28, s20, $0xb8;
	[tilespmem:$0x1E800] =	vst v63  }
0xbd: {  	_ =	swait.ge [sflag:s18], $0x3E80  }
0xbe: {  	[sflag:s18] =	ssyncset.done $0x0  }
0xbf: {  	[sflag:s18] =	ssyncadd.s32 $0xFFFFC180  }
0xc0: {  	_ =	swait.ge [sflag:s23], $0x3E80  }
.Ltmp1:
0xc1: {  	[sflag:s23] =	ssyncset.done $0x0;
	(pc) =	sbr.rel @p0 .LBB2_4-.Ltmp1, $4  }
0xc2: {  	s26 =	sadd.s32 $0x1780, s26;
	[sflag:s23] =	ssyncadd.s32 $0xFFFFC180  }
0xc3: {  	[spmem:s3] =	stream.indirect.scatter.add.f32 [tilespmem:s21], [sflag:$0x3], $0x80, s26, s20, $0xb8;
	[tilespmem:$0x1E800] =	vst v63  }
0xc4: {  	_ =	swait.ge [sflag:s18], $0x3E80  }
0xc5: {  	s28 =	smov.u32 s25;
	[sflag:s18] =	ssyncset.done $0x0  }
0xc6: {  	s24 =	sshra.s32 s24, $0x2;
	[sflag:s18] =	ssyncadd.s32 $0xFFFFC180  }
0xc7: {  	[tilespmem:s17], [sflag:$0x1] =	stream.indirect.gather [hbm4b:s1+s20], $0x80, s24, s20, $0xb8;
	[tilespmem:$0x1E800] =	vst v63  }
0xc8: {  	s25 =	sadd.s32 $0x80, s24  }
0xc9: {  	[tilespmem:s21], [sflag:$0x2] =	stream.indirect.gather [hbm4b:s1+s20], $0x80, s25, s20, $0xb8;
	[tilespmem:$0x1E800] =	vst v63  }
0xca: {  	_ =	swait.ge [sflag:s22], $0x3E80  }
0xcb: {  	[sflag:s22] =	ssyncset.done $0x0  }
0xcc: {  	s29 =	sadd.s32 $0x1400, s24;
	[sflag:s22] =	ssyncadd.s32 $0xFFFFC180  }
0xcd: {  	[spmem:s3] =	stream.indirect.scatter.add.f32 [tilespmem:s17], [sflag:$0x3], $0x80, s29, s20, $0xb8;
	[tilespmem:$0x1E800] =	vst v63  }
0xce: {  	_ =	swait.ge [sflag:s18], $0x3E80  }
0xcf: {  	[sflag:s18] =	ssyncset.done $0x0  }
0xd0: {  	s30 =	sadd.s32 $0x100, s24;
	[sflag:s18] =	ssyncadd.s32 $0xFFFFC180  }
0xd1: {  	[tilespmem:s17], [sflag:$0x1] =	stream.indirect.gather [hbm4b:s1+s20], $0x80, s30, s20, $0xb8;
	[tilespmem:$0x1E800] =	vst v63  }
0xd2: {  	_ =	swait.ge [sflag:s23], $0x3E80  }
0xd3: {  	[sflag:s23] =	ssyncset.done $0x0  }
0xd4: {  	s31 =	sadd.s32 $0x1480, s24;
	[sflag:s23] =	ssyncadd.s32 $0xFFFFC180  }
0xd5: {  	[spmem:s3] =	stream.indirect.scatter.add.f32 [tilespmem:s21], [sflag:$0x3], $0x80, s31, s20, $0xb8;
	[tilespmem:$0x1E800] =	vst v63  }
0xd6: {  	_ =	swait.ge [sflag:s18], $0x3E80  }
0xd7: {  	[sflag:s18] =	ssyncset.done $0x0  }
0xd8: {  	s26 =	sadd.s32 $0x180, s24;
	[sflag:s18] =	ssyncadd.s32 $0xFFFFC180  }
0xd9: {  	[tilespmem:s21], [sflag:$0x2] =	stream.indirect.gather [hbm4b:s1+s20], $0x80, s26, s20, $0xb8;
	[tilespmem:$0x1E800] =	vst v63  }
0xda: {  	_ =	swait.ge [sflag:s22], $0x3E80  }
0xdb: {  	[sflag:s22] =	ssyncset.done $0x0  }
0xdc: {  	s29 =	sadd.s32 $0x1500, s24;
	[sflag:s22] =	ssyncadd.s32 $0xFFFFC180  }
0xdd: {  	[spmem:s3] =	stream.indirect.scatter.add.f32 [tilespmem:s17], [sflag:$0x3], $0x80, s29, s20, $0xb8;
	[tilespmem:$0x1E800] =	vst v63  }
0xde: {  	_ =	swait.ge [sflag:s18], $0x3E80  }
0xdf: {  	[sflag:s18] =	ssyncset.done $0x0  }
0xe0: {  	s30 =	sadd.s32 $0x200, s24;
	[sflag:s18] =	ssyncadd.s32 $0xFFFFC180  }
0xe1: {  	[tilespmem:s17], [sflag:$0x1] =	stream.indirect.gather [hbm4b:s1+s20], $0x80, s30, s20, $0xb8;
	[tilespmem:$0x1E800] =	vst v63  }
0xe2: {  	_ =	swait.ge [sflag:s23], $0x3E80  }
0xe3: {  	[sflag:s23] =	ssyncset.done $0x0  }
0xe4: {  	s31 =	sadd.s32 $0x1580, s24;
	[sflag:s23] =	ssyncadd.s32 $0xFFFFC180  }
0xe5: {  	[spmem:s3] =	stream.indirect.scatter.add.f32 [tilespmem:s21], [sflag:$0x3], $0x80, s31, s20, $0xb8;
	[tilespmem:$0x1E800] =	vst v63  }
0xe6: {  	_ =	swait.ge [sflag:s18], $0x3E80  }
0xe7: {  	[sflag:s18] =	ssyncset.done $0x0  }
0xe8: {  	s26 =	sadd.s32 $0x280, s24;
	[sflag:s18] =	ssyncadd.s32 $0xFFFFC180  }
0xe9: {  	[tilespmem:s21], [sflag:$0x2] =	stream.indirect.gather [hbm4b:s1+s20], $0x80, s26, s20, $0xb8;
	[tilespmem:$0x1E800] =	vst v63  }
0xea: {  	_ =	swait.ge [sflag:s22], $0x3E80  }
0xeb: {  	[sflag:s22] =	ssyncset.done $0x0  }
0xec: {  	s29 =	sadd.s32 $0x1600, s24;
	[sflag:s22] =	ssyncadd.s32 $0xFFFFC180  }
0xed: {  	[spmem:s3] =	stream.indirect.scatter.add.f32 [tilespmem:s17], [sflag:$0x3], $0x80, s29, s20, $0xb8;
	[tilespmem:$0x1E800] =	vst v63  }
0xee: {  	_ =	swait.ge [sflag:s18], $0x3E80  }
0xef: {  	[sflag:s18] =	ssyncset.done $0x0  }
0xf0: {  	s30 =	sadd.s32 $0x300, s24;
	[sflag:s18] =	ssyncadd.s32 $0xFFFFC180  }
0xf1: {  	[tilespmem:s17], [sflag:$0x1] =	stream.indirect.gather [hbm4b:s1+s20], $0x80, s30, s20, $0xb8;
	[tilespmem:$0x1E800] =	vst v63  }
0xf2: {  	_ =	swait.ge [sflag:s23], $0x3E80  }
0xf3: {  	[sflag:s23] =	ssyncset.done $0x0  }
0xf4: {  	s31 =	sadd.s32 $0x1680, s24;
	[sflag:s23] =	ssyncadd.s32 $0xFFFFC180  }
0xf5: {  	[spmem:s3] =	stream.indirect.scatter.add.f32 [tilespmem:s21], [sflag:$0x3], $0x80, s31, s20, $0xb8;
	[tilespmem:$0x1E800] =	vst v63  }
0xf6: {  	_ =	swait.ge [sflag:s18], $0x3E80  }
0xf7: {  	[sflag:s18] =	ssyncset.done $0x0  }
0xf8: {  	s26 =	sadd.s32 $0x380, s24;
	[sflag:s18] =	ssyncadd.s32 $0xFFFFC180  }
0xf9: {  	[tilespmem:s21], [sflag:$0x2] =	stream.indirect.gather [hbm4b:s1+s20], $0x80, s26, s20, $0xb8;
	[tilespmem:$0x1E800] =	vst v63  }
0xfa: {  	_ =	swait.ge [sflag:s22], $0x3E80  }
0xfb: {  	[sflag:s22] =	ssyncset.done $0x0  }
0xfc: {  	s29 =	sadd.s32 $0x1700, s24;
	[sflag:s22] =	ssyncadd.s32 $0xFFFFC180  }
0xfd: {  	[spmem:s3] =	stream.indirect.scatter.add.f32 [tilespmem:s17], [sflag:$0x3], $0x80, s29, s20, $0xb8;
	[tilespmem:$0x1E800] =	vst v63  }
0xfe: {  	_ =	swait.ge [sflag:s18], $0x3E80  }
0xff: {  	[sflag:s18] =	ssyncset.done $0x0  }
0x100: {  	[sflag:s18] =	ssyncadd.s32 $0xFFFFC180  }
0x101: {  	_ =	swait.ge [sflag:s23], $0x3E80  }
0x102: {  	[sflag:s23] =	ssyncset.done $0x0  }
0x103: {  	s24 =	sadd.s32 $0x1780, s24;
	[sflag:s23] =	ssyncadd.s32 $0xFFFFC180  }
0x104: {  	[spmem:s3] =	stream.indirect.scatter.add.f32 [tilespmem:s21], [sflag:$0x3], $0x80, s24, s20, $0xb8;
	[tilespmem:$0x1E800] =	vst v63  }
0x105: {  	_ =	swait.ge [sflag:s18], $0x3E80  }
0x106: {  	[sflag:s18] =	ssyncset.done $0x0  }
0x107: {  	s30 =	simm.s32 $0x0;
	[sflag:s18] =	ssyncadd.s32 $0xFFFFC180  }
0x108: {  	[tilespmem:s30], [sflag:$0x3] =	stream.linear.gather [hbm4b:s9+s30], $0x1400, $0x38;
	[tilespmem:$0x1E800] =	vst v63  }
0x109: {  	_ =	swait.ge [sflag:s18], $0x1400  }
0x10a: {  	[sflag:s18] =	ssyncset.done $0x0  }
0x10b: {  	[sflag:s18] =	ssyncadd.s32 $0xFFFFEC00  }
0x10c: {  	[tilespmem:s19], [sflag:$0x3] =	stream.linear.gather [hbm4b:s10+s30], $0x1400, $0x38;
	[tilespmem:$0x1E800] =	vst v63  }
0x10d: {  	_ =	swait.ge [sflag:s18], $0x1400  }
0x10e: {  	[sflag:s18] =	ssyncset.done $0x0  }
0x10f: {  	s31 =	simm.s32 $0x0;
	[sflag:s18] =	ssyncadd.s32 $0xFFFFEC00  }
0x110: {  	[tilespmem:s17], [sflag:$0x1] =	stream.indirect.gather [hbm4b:s1+s20], $0x80, s31, s20, $0xb8;
	[tilespmem:$0x1E800] =	vst v63  }
0x111: {  	s25 =	simm.s32 $0x80  }
0x112: {  	[tilespmem:s21], [sflag:$0x2] =	stream.indirect.gather [hbm4b:s1+s20], $0x80, s25, s20, $0xb8;
	[tilespmem:$0x1E800] =	vst v63  }
0x113: {  	_ =	swait.ge [sflag:s22], $0x3E80  }
0x114: {  	[sflag:s22] =	ssyncset.done $0x0  }
0x115: {  	s26 =	simm.s32 $0x1400;
	[sflag:s22] =	ssyncadd.s32 $0xFFFFC180  }
0x116: {  	[spmem:s3] =	stream.indirect.scatter.add.f32 [tilespmem:s17], [sflag:$0x3], $0x80, s26, s20, $0xb8;
	[tilespmem:$0x1E800] =	vst v63  }
0x117: {  	_ =	swait.ge [sflag:s18], $0x3E80  }
0x118: {  	[sflag:s18] =	ssyncset.done $0x0  }
0x119: {  	s29 =	simm.s32 $0x100;
	[sflag:s18] =	ssyncadd.s32 $0xFFFFC180  }
0x11a: {  	[tilespmem:s17], [sflag:$0x1] =	stream.indirect.gather [hbm4b:s1+s20], $0x80, s29, s20, $0xb8;
	[tilespmem:$0x1E800] =	vst v63  }
0x11b: {  	_ =	swait.ge [sflag:s23], $0x3E80  }
0x11c: {  	[sflag:s23] =	ssyncset.done $0x0  }
0x11d: {  	s30 =	simm.s32 $0x1480;
	[sflag:s23] =	ssyncadd.s32 $0xFFFFC180  }
0x11e: {  	[spmem:s3] =	stream.indirect.scatter.add.f32 [tilespmem:s21], [sflag:$0x3], $0x80, s30, s20, $0xb8;
	[tilespmem:$0x1E800] =	vst v63  }
0x11f: {  	_ =	swait.ge [sflag:s18], $0x3E80  }
0x120: {  	[sflag:s18] =	ssyncset.done $0x0  }
0x121: {  	s31 =	simm.s32 $0x180;
	[sflag:s18] =	ssyncadd.s32 $0xFFFFC180  }
0x122: {  	[tilespmem:s21], [sflag:$0x2] =	stream.indirect.gather [hbm4b:s1+s20], $0x80, s31, s20, $0xb8;
	[tilespmem:$0x1E800] =	vst v63  }
0x123: {  	_ =	swait.ge [sflag:s22], $0x3E80  }
0x124: {  	[sflag:s22] =	ssyncset.done $0x0  }
0x125: {  	s25 =	simm.s32 $0x1500;
	[sflag:s22] =	ssyncadd.s32 $0xFFFFC180  }
0x126: {  	[spmem:s3] =	stream.indirect.scatter.add.f32 [tilespmem:s17], [sflag:$0x3], $0x80, s25, s20, $0xb8;
	[tilespmem:$0x1E800] =	vst v63  }
0x127: {  	_ =	swait.ge [sflag:s18], $0x3E80  }
0x128: {  	[sflag:s18] =	ssyncset.done $0x0  }
0x129: {  	s26 =	simm.s32 $0x200;
	[sflag:s18] =	ssyncadd.s32 $0xFFFFC180  }
0x12a: {  	[tilespmem:s17], [sflag:$0x1] =	stream.indirect.gather [hbm4b:s1+s20], $0x80, s26, s20, $0xb8;
	[tilespmem:$0x1E800] =	vst v63  }
0x12b: {  	_ =	swait.ge [sflag:s23], $0x3E80  }
0x12c: {  	[sflag:s23] =	ssyncset.done $0x0  }
0x12d: {  	s29 =	simm.s32 $0x1580;
	[sflag:s23] =	ssyncadd.s32 $0xFFFFC180  }
0x12e: {  	[spmem:s3] =	stream.indirect.scatter.add.f32 [tilespmem:s21], [sflag:$0x3], $0x80, s29, s20, $0xb8;
	[tilespmem:$0x1E800] =	vst v63  }
0x12f: {  	_ =	swait.ge [sflag:s18], $0x3E80  }
0x130: {  	[sflag:s18] =	ssyncset.done $0x0  }
0x131: {  	s30 =	simm.s32 $0x280;
	[sflag:s18] =	ssyncadd.s32 $0xFFFFC180  }
0x132: {  	[tilespmem:s21], [sflag:$0x2] =	stream.indirect.gather [hbm4b:s1+s20], $0x80, s30, s20, $0xb8;
	[tilespmem:$0x1E800] =	vst v63  }
0x133: {  	_ =	swait.ge [sflag:s22], $0x3E80  }
0x134: {  	[sflag:s22] =	ssyncset.done $0x0  }
0x135: {  	s31 =	simm.s32 $0x1600;
	[sflag:s22] =	ssyncadd.s32 $0xFFFFC180  }
0x136: {  	[spmem:s3] =	stream.indirect.scatter.add.f32 [tilespmem:s17], [sflag:$0x3], $0x80, s31, s20, $0xb8;
	[tilespmem:$0x1E800] =	vst v63  }
0x137: {  	_ =	swait.ge [sflag:s18], $0x3E80  }
0x138: {  	[sflag:s18] =	ssyncset.done $0x0  }
0x139: {  	s25 =	simm.s32 $0x300;
	[sflag:s18] =	ssyncadd.s32 $0xFFFFC180  }
0x13a: {  	[tilespmem:s17], [sflag:$0x1] =	stream.indirect.gather [hbm4b:s1+s20], $0x80, s25, s20, $0xb8;
	[tilespmem:$0x1E800] =	vst v63  }
0x13b: {  	_ =	swait.ge [sflag:s23], $0x3E80  }
0x13c: {  	[sflag:s23] =	ssyncset.done $0x0  }
0x13d: {  	s26 =	simm.s32 $0x1680;
	[sflag:s23] =	ssyncadd.s32 $0xFFFFC180  }
0x13e: {  	[spmem:s3] =	stream.indirect.scatter.add.f32 [tilespmem:s21], [sflag:$0x3], $0x80, s26, s20, $0xb8;
	[tilespmem:$0x1E800] =	vst v63  }
0x13f: {  	_ =	swait.ge [sflag:s18], $0x3E80  }
0x140: {  	[sflag:s18] =	ssyncset.done $0x0  }
0x141: {  	s29 =	simm.s32 $0x380;
	[sflag:s18] =	ssyncadd.s32 $0xFFFFC180  }
0x142: {  	[tilespmem:s21], [sflag:$0x2] =	stream.indirect.gather [hbm4b:s1+s20], $0x80, s29, s20, $0xb8;
	[tilespmem:$0x1E800] =	vst v63  }
0x143: {  	_ =	swait.ge [sflag:s22], $0x3E80  }
0x144: {  	[sflag:s22] =	ssyncset.done $0x0  }
0x145: {  	s30 =	simm.s32 $0x1700;
	[sflag:s22] =	ssyncadd.s32 $0xFFFFC180  }
0x146: {  	[spmem:s3] =	stream.indirect.scatter.add.f32 [tilespmem:s17], [sflag:$0x3], $0x80, s30, s20, $0xb8;
	[tilespmem:$0x1E800] =	vst v63  }
0x147: {  	_ =	swait.ge [sflag:s18], $0x3E80  }
0x148: {  	[sflag:s18] =	ssyncset.done $0x0  }
0x149: {  	[sflag:s18] =	ssyncadd.s32 $0xFFFFC180  }
0x14a: {  	_ =	swait.ge [sflag:s23], $0x3E80  }
0x14b: {  	[sflag:s23] =	ssyncset.done $0x0  }
0x14c: {  	s31 =	simm.s32 $0x1780;
	[sflag:s23] =	ssyncadd.s32 $0xFFFFC180  }
0x14d: {  	[spmem:s3] =	stream.indirect.scatter.add.f32 [tilespmem:s21], [sflag:$0x3], $0x80, s31, s20, $0xb8;
	[tilespmem:$0x1E800] =	vst v63  }
0x14e: {  	_ =	swait.ge [sflag:s18], $0x3E80  }
0x14f: {  	s28 =	simm.s32 $0x2000;
	s24 =	simm.s32 $0x1000;
	[sflag:s18] =	ssyncset.done $0x0  }
.LBB2_6:
0x150: {  	s26 =	sshra.s32 s24, $0x2  }
0x151: {  	[sflag:s18] =	ssyncadd.s32 $0xFFFFC180;
	s24 =	smov.u32 s28;
	s25 =	sadd.s32 $0x1000, s28  }
0x152: {  	[tilespmem:s17], [sflag:$0x1] =	stream.indirect.gather [hbm4b:s1+s20], $0x80, s26, s20, $0xb8;
	[tilespmem:$0x1E800] =	vst v63  }
0x153: {  	p0 =	sne.s32 s28, $0x4000;
	s28 =	sadd.s32 $0x80, s26  }
0x154: {  	[tilespmem:s21], [sflag:$0x2] =	stream.indirect.gather [hbm4b:s1+s20], $0x80, s28, s20, $0xb8;
	[tilespmem:$0x1E800] =	vst v63  }
0x155: {  	_ =	swait.ge [sflag:s22], $0x3E80  }
0x156: {  	[sflag:s22] =	ssyncset.done $0x0  }
0x157: {  	s28 =	sadd.s32 $0x1400, s26;
	[sflag:s22] =	ssyncadd.s32 $0xFFFFC180  }
0x158: {  	[spmem:s3] =	stream.indirect.scatter.add.f32 [tilespmem:s17], [sflag:$0x3], $0x80, s28, s20, $0xb8;
	[tilespmem:$0x1E800] =	vst v63  }
0x159: {  	_ =	swait.ge [sflag:s18], $0x3E80  }
0x15a: {  	[sflag:s18] =	ssyncset.done $0x0  }
0x15b: {  	s28 =	sadd.s32 $0x100, s26;
	[sflag:s18] =	ssyncadd.s32 $0xFFFFC180  }
0x15c: {  	[tilespmem:s17], [sflag:$0x1] =	stream.indirect.gather [hbm4b:s1+s20], $0x80, s28, s20, $0xb8;
	[tilespmem:$0x1E800] =	vst v63  }
0x15d: {  	_ =	swait.ge [sflag:s23], $0x3E80  }
0x15e: {  	[sflag:s23] =	ssyncset.done $0x0  }
0x15f: {  	s28 =	sadd.s32 $0x1480, s26;
	[sflag:s23] =	ssyncadd.s32 $0xFFFFC180  }
0x160: {  	[spmem:s3] =	stream.indirect.scatter.add.f32 [tilespmem:s21], [sflag:$0x3], $0x80, s28, s20, $0xb8;
	[tilespmem:$0x1E800] =	vst v63  }
0x161: {  	_ =	swait.ge [sflag:s18], $0x3E80  }
0x162: {  	[sflag:s18] =	ssyncset.done $0x0  }
0x163: {  	s28 =	sadd.s32 $0x180, s26;
	[sflag:s18] =	ssyncadd.s32 $0xFFFFC180  }
0x164: {  	[tilespmem:s21], [sflag:$0x2] =	stream.indirect.gather [hbm4b:s1+s20], $0x80, s28, s20, $0xb8;
	[tilespmem:$0x1E800] =	vst v63  }
0x165: {  	_ =	swait.ge [sflag:s22], $0x3E80  }
0x166: {  	[sflag:s22] =	ssyncset.done $0x0  }
0x167: {  	s28 =	sadd.s32 $0x1500, s26;
	[sflag:s22] =	ssyncadd.s32 $0xFFFFC180  }
0x168: {  	[spmem:s3] =	stream.indirect.scatter.add.f32 [tilespmem:s17], [sflag:$0x3], $0x80, s28, s20, $0xb8;
	[tilespmem:$0x1E800] =	vst v63  }
0x169: {  	_ =	swait.ge [sflag:s18], $0x3E80  }
0x16a: {  	[sflag:s18] =	ssyncset.done $0x0  }
0x16b: {  	s28 =	sadd.s32 $0x200, s26;
	[sflag:s18] =	ssyncadd.s32 $0xFFFFC180  }
0x16c: {  	[tilespmem:s17], [sflag:$0x1] =	stream.indirect.gather [hbm4b:s1+s20], $0x80, s28, s20, $0xb8;
	[tilespmem:$0x1E800] =	vst v63  }
0x16d: {  	_ =	swait.ge [sflag:s23], $0x3E80  }
0x16e: {  	[sflag:s23] =	ssyncset.done $0x0  }
0x16f: {  	s28 =	sadd.s32 $0x1580, s26;
	[sflag:s23] =	ssyncadd.s32 $0xFFFFC180  }
0x170: {  	[spmem:s3] =	stream.indirect.scatter.add.f32 [tilespmem:s21], [sflag:$0x3], $0x80, s28, s20, $0xb8;
	[tilespmem:$0x1E800] =	vst v63  }
0x171: {  	_ =	swait.ge [sflag:s18], $0x3E80  }
0x172: {  	[sflag:s18] =	ssyncset.done $0x0  }
0x173: {  	s28 =	sadd.s32 $0x280, s26;
	[sflag:s18] =	ssyncadd.s32 $0xFFFFC180  }
0x174: {  	[tilespmem:s21], [sflag:$0x2] =	stream.indirect.gather [hbm4b:s1+s20], $0x80, s28, s20, $0xb8;
	[tilespmem:$0x1E800] =	vst v63  }
0x175: {  	_ =	swait.ge [sflag:s22], $0x3E80  }
0x176: {  	[sflag:s22] =	ssyncset.done $0x0  }
0x177: {  	s28 =	sadd.s32 $0x1600, s26;
	[sflag:s22] =	ssyncadd.s32 $0xFFFFC180  }
0x178: {  	[spmem:s3] =	stream.indirect.scatter.add.f32 [tilespmem:s17], [sflag:$0x3], $0x80, s28, s20, $0xb8;
	[tilespmem:$0x1E800] =	vst v63  }
0x179: {  	_ =	swait.ge [sflag:s18], $0x3E80  }
0x17a: {  	[sflag:s18] =	ssyncset.done $0x0  }
0x17b: {  	s28 =	sadd.s32 $0x300, s26;
	[sflag:s18] =	ssyncadd.s32 $0xFFFFC180  }
0x17c: {  	[tilespmem:s17], [sflag:$0x1] =	stream.indirect.gather [hbm4b:s1+s20], $0x80, s28, s20, $0xb8;
	[tilespmem:$0x1E800] =	vst v63  }
0x17d: {  	_ =	swait.ge [sflag:s23], $0x3E80  }
0x17e: {  	[sflag:s23] =	ssyncset.done $0x0  }
0x17f: {  	s28 =	sadd.s32 $0x1680, s26;
	[sflag:s23] =	ssyncadd.s32 $0xFFFFC180  }
0x180: {  	[spmem:s3] =	stream.indirect.scatter.add.f32 [tilespmem:s21], [sflag:$0x3], $0x80, s28, s20, $0xb8;
	[tilespmem:$0x1E800] =	vst v63  }
0x181: {  	_ =	swait.ge [sflag:s18], $0x3E80  }
0x182: {  	[sflag:s18] =	ssyncset.done $0x0  }
0x183: {  	s28 =	sadd.s32 $0x380, s26;
	[sflag:s18] =	ssyncadd.s32 $0xFFFFC180  }
0x184: {  	[tilespmem:s21], [sflag:$0x2] =	stream.indirect.gather [hbm4b:s1+s20], $0x80, s28, s20, $0xb8;
	[tilespmem:$0x1E800] =	vst v63  }
0x185: {  	_ =	swait.ge [sflag:s22], $0x3E80  }
0x186: {  	[sflag:s22] =	ssyncset.done $0x0  }
0x187: {  	s28 =	sadd.s32 $0x1700, s26;
	[sflag:s22] =	ssyncadd.s32 $0xFFFFC180  }
0x188: {  	[spmem:s3] =	stream.indirect.scatter.add.f32 [tilespmem:s17], [sflag:$0x3], $0x80, s28, s20, $0xb8;
	[tilespmem:$0x1E800] =	vst v63  }
0x189: {  	_ =	swait.ge [sflag:s18], $0x3E80  }
0x18a: {  	[sflag:s18] =	ssyncset.done $0x0  }
0x18b: {  	[sflag:s18] =	ssyncadd.s32 $0xFFFFC180  }
0x18c: {  	_ =	swait.ge [sflag:s23], $0x3E80  }
.Ltmp2:
0x18d: {  	[sflag:s23] =	ssyncset.done $0x0;
	(pc) =	sbr.rel @p0 .LBB2_6-.Ltmp2, $4  }
0x18e: {  	s26 =	sadd.s32 $0x1780, s26;
	[sflag:s23] =	ssyncadd.s32 $0xFFFFC180  }
0x18f: {  	[spmem:s3] =	stream.indirect.scatter.add.f32 [tilespmem:s21], [sflag:$0x3], $0x80, s26, s20, $0xb8;
	[tilespmem:$0x1E800] =	vst v63  }
0x190: {  	_ =	swait.ge [sflag:s18], $0x3E80  }
0x191: {  	s28 =	smov.u32 s25;
	[sflag:s18] =	ssyncset.done $0x0  }
0x192: {  	s24 =	sshra.s32 s24, $0x2;
	[sflag:s18] =	ssyncadd.s32 $0xFFFFC180  }
0x193: {  	[tilespmem:s17], [sflag:$0x1] =	stream.indirect.gather [hbm4b:s1+s20], $0x80, s24, s20, $0xb8;
	[tilespmem:$0x1E800] =	vst v63  }
0x194: {  	s25 =	sadd.s32 $0x80, s24  }
0x195: {  	[tilespmem:s21], [sflag:$0x2] =	stream.indirect.gather [hbm4b:s1+s20], $0x80, s25, s20, $0xb8;
	[tilespmem:$0x1E800] =	vst v63  }
0x196: {  	_ =	swait.ge [sflag:s22], $0x3E80  }
0x197: {  	[sflag:s22] =	ssyncset.done $0x0  }
0x198: {  	s26 =	sadd.s32 $0x1400, s24;
	[sflag:s22] =	ssyncadd.s32 $0xFFFFC180  }
0x199: {  	[spmem:s3] =	stream.indirect.scatter.add.f32 [tilespmem:s17], [sflag:$0x3], $0x80, s26, s20, $0xb8;
	[tilespmem:$0x1E800] =	vst v63  }
0x19a: {  	_ =	swait.ge [sflag:s18], $0x3E80  }
0x19b: {  	[sflag:s18] =	ssyncset.done $0x0  }
0x19c: {  	s28 =	sadd.s32 $0x100, s24;
	[sflag:s18] =	ssyncadd.s32 $0xFFFFC180  }
0x19d: {  	[tilespmem:s17], [sflag:$0x1] =	stream.indirect.gather [hbm4b:s1+s20], $0x80, s28, s20, $0xb8;
	[tilespmem:$0x1E800] =	vst v63  }
0x19e: {  	_ =	swait.ge [sflag:s23], $0x3E80  }
0x19f: {  	[sflag:s23] =	ssyncset.done $0x0  }
0x1a0: {  	s29 =	sadd.s32 $0x1480, s24;
	[sflag:s23] =	ssyncadd.s32 $0xFFFFC180  }
0x1a1: {  	[spmem:s3] =	stream.indirect.scatter.add.f32 [tilespmem:s21], [sflag:$0x3], $0x80, s29, s20, $0xb8;
	[tilespmem:$0x1E800] =	vst v63  }
0x1a2: {  	_ =	swait.ge [sflag:s18], $0x3E80  }
0x1a3: {  	[sflag:s18] =	ssyncset.done $0x0  }
0x1a4: {  	s30 =	sadd.s32 $0x180, s24;
	[sflag:s18] =	ssyncadd.s32 $0xFFFFC180  }
0x1a5: {  	[tilespmem:s21], [sflag:$0x2] =	stream.indirect.gather [hbm4b:s1+s20], $0x80, s30, s20, $0xb8;
	[tilespmem:$0x1E800] =	vst v63  }
0x1a6: {  	_ =	swait.ge [sflag:s22], $0x3E80  }
0x1a7: {  	[sflag:s22] =	ssyncset.done $0x0  }
0x1a8: {  	s31 =	sadd.s32 $0x1500, s24;
	[sflag:s22] =	ssyncadd.s32 $0xFFFFC180  }
0x1a9: {  	[spmem:s3] =	stream.indirect.scatter.add.f32 [tilespmem:s17], [sflag:$0x3], $0x80, s31, s20, $0xb8;
	[tilespmem:$0x1E800] =	vst v63  }
0x1aa: {  	_ =	swait.ge [sflag:s18], $0x3E80  }
0x1ab: {  	[sflag:s18] =	ssyncset.done $0x0  }
0x1ac: {  	s26 =	sadd.s32 $0x200, s24;
	[sflag:s18] =	ssyncadd.s32 $0xFFFFC180  }
0x1ad: {  	[tilespmem:s17], [sflag:$0x1] =	stream.indirect.gather [hbm4b:s1+s20], $0x80, s26, s20, $0xb8;
	[tilespmem:$0x1E800] =	vst v63  }
0x1ae: {  	_ =	swait.ge [sflag:s23], $0x3E80  }
0x1af: {  	[sflag:s23] =	ssyncset.done $0x0  }
0x1b0: {  	s28 =	sadd.s32 $0x1580, s24;
	[sflag:s23] =	ssyncadd.s32 $0xFFFFC180  }
0x1b1: {  	[spmem:s3] =	stream.indirect.scatter.add.f32 [tilespmem:s21], [sflag:$0x3], $0x80, s28, s20, $0xb8;
	[tilespmem:$0x1E800] =	vst v63  }
0x1b2: {  	_ =	swait.ge [sflag:s18], $0x3E80  }
0x1b3: {  	[sflag:s18] =	ssyncset.done $0x0  }
0x1b4: {  	s29 =	sadd.s32 $0x280, s24;
	[sflag:s18] =	ssyncadd.s32 $0xFFFFC180  }
0x1b5: {  	[tilespmem:s21], [sflag:$0x2] =	stream.indirect.gather [hbm4b:s1+s20], $0x80, s29, s20, $0xb8;
	[tilespmem:$0x1E800] =	vst v63  }
0x1b6: {  	_ =	swait.ge [sflag:s22], $0x3E80  }
0x1b7: {  	[sflag:s22] =	ssyncset.done $0x0  }
0x1b8: {  	s30 =	sadd.s32 $0x1600, s24;
	[sflag:s22] =	ssyncadd.s32 $0xFFFFC180  }
0x1b9: {  	[spmem:s3] =	stream.indirect.scatter.add.f32 [tilespmem:s17], [sflag:$0x3], $0x80, s30, s20, $0xb8;
	[tilespmem:$0x1E800] =	vst v63  }
0x1ba: {  	_ =	swait.ge [sflag:s18], $0x3E80  }
0x1bb: {  	[sflag:s18] =	ssyncset.done $0x0  }
0x1bc: {  	s31 =	sadd.s32 $0x300, s24;
	[sflag:s18] =	ssyncadd.s32 $0xFFFFC180  }
0x1bd: {  	[tilespmem:s17], [sflag:$0x1] =	stream.indirect.gather [hbm4b:s1+s20], $0x80, s31, s20, $0xb8;
	[tilespmem:$0x1E800] =	vst v63  }
0x1be: {  	_ =	swait.ge [sflag:s23], $0x3E80  }
0x1bf: {  	[sflag:s23] =	ssyncset.done $0x0  }
0x1c0: {  	s26 =	sadd.s32 $0x1680, s24;
	[sflag:s23] =	ssyncadd.s32 $0xFFFFC180  }
0x1c1: {  	[spmem:s3] =	stream.indirect.scatter.add.f32 [tilespmem:s21], [sflag:$0x3], $0x80, s26, s20, $0xb8;
	[tilespmem:$0x1E800] =	vst v63  }
0x1c2: {  	_ =	swait.ge [sflag:s18], $0x3E80  }
0x1c3: {  	[sflag:s18] =	ssyncset.done $0x0  }
0x1c4: {  	s28 =	sadd.s32 $0x380, s24;
	[sflag:s18] =	ssyncadd.s32 $0xFFFFC180  }
0x1c5: {  	[tilespmem:s21], [sflag:$0x2] =	stream.indirect.gather [hbm4b:s1+s20], $0x80, s28, s20, $0xb8;
	[tilespmem:$0x1E800] =	vst v63  }
0x1c6: {  	_ =	swait.ge [sflag:s22], $0x3E80  }
0x1c7: {  	[sflag:s22] =	ssyncset.done $0x0  }
0x1c8: {  	s29 =	sadd.s32 $0x1700, s24;
	[sflag:s22] =	ssyncadd.s32 $0xFFFFC180  }
0x1c9: {  	[spmem:s3] =	stream.indirect.scatter.add.f32 [tilespmem:s17], [sflag:$0x3], $0x80, s29, s20, $0xb8;
	[tilespmem:$0x1E800] =	vst v63  }
0x1ca: {  	_ =	swait.ge [sflag:s18], $0x3E80  }
0x1cb: {  	[sflag:s18] =	ssyncset.done $0x0  }
0x1cc: {  	[sflag:s18] =	ssyncadd.s32 $0xFFFFC180  }
0x1cd: {  	_ =	swait.ge [sflag:s23], $0x3E80  }
0x1ce: {  	[sflag:s23] =	ssyncset.done $0x0  }
0x1cf: {  	s24 =	sadd.s32 $0x1780, s24;
	[sflag:s23] =	ssyncadd.s32 $0xFFFFC180  }
0x1d0: {  	[spmem:s3] =	stream.indirect.scatter.add.f32 [tilespmem:s21], [sflag:$0x3], $0x80, s24, s20, $0xb8;
	[tilespmem:$0x1E800] =	vst v63  }
0x1d1: {  	s4 =	sadd.s32 $0x1, s4;
	_ =	swait.ge [sflag:s18], $0x3E80  }
0x1d2: {  	p0 =	sne.s32 s4, s12;
	[sflag:s18] =	ssyncset.done $0x0  }
0x1d3: {  	s30 =	sshll.u32 s0, $0x6;
	s31 =	sshrl.u32 s5, $0x3;
	[sflag:s18] =	ssyncadd.s32 $0xFFFFC180  }
.Ltmp3:
0x1d4: {  	s24 =	sor.u32 $0x1C03, s30;
	[bflag:$0x0] =	sbarrier.arrive $0xFFFF;
	(pc) =	sbr.rel @p0 .LBB2_1-.Ltmp3, $4  }
0x1d5: {  	[hbm:s11], [sflag:s24] =	dma.local [spmem:s31], $0x2800  }
0x1d6: {  	_ =	swait.ge [sflag:s18], $0x2800  }
0x1d7: {  	[sflag:s18] =	ssyncset.done $0x0  }
0x1d8: {  	[sflag:s18] =	ssyncadd.s32 $0xFFFFD800  }
0x1d9: {  	_ =	sfence.sel $0x180000  }
0x1da: {  	[bflag:$0x0] =	sbarrier.arrive $0xFFFF  }
0x1db: {  	p0 =	sne.s32 s0, $0x0;
	_ =	strace $0x90000047  }
0x1dc: {  	s0 =	sadd.s32 @!p0 $0x100000, s2;
	[bflag:$0x2] =	sbarrier.arrive $0xFFFF  }
0x1dd: {  	[sflag:s0] =	ssyncadd.tile.s32 @!p0 $0x1;
	_ =	shalt  }
.Lfunc_end2:
_tile_overlayer_lowered:
.L_overlay_start_2:
0x1de: {  	(tag) =	ssettag $0x2  }
0x1df: {  	s0 =	rddreg [dreg:$0x0];
	s2 =	stileid.u32  }
0x1e0: {  	s1 =	rddreg [dreg:$0x1];
	p0 =	sne.s32 s2, $0x0  }
0x1e1: {  	s3 =	rddreg [dreg:$0x2];
	[bflag:$0x3] =	sbarrier.arrive $0xFFFF;
	s2 =	simm.s32 @!p0 $0x1C03  }
0x1e2: {  	[timem:s3], [sflag:s2] =	dma.local @!p0 [hbm:s0], s1  }
0x1e3: {  	s0 =	simm.s32 @!p0 $0x3  }
0x1e4: {  	_ =	swait.ge @!p0 [sflag:s0], s1  }
0x1e5: {  	s1 =	ssub.s32 @!p0 $0x0, s1;
	[sflag:s0] =	ssyncset.done @!p0 $0x0  }
0x1e6: {  	[sflag:s0] =	ssyncadd.s32 @!p0 s1  }
0x1e7: {  	[bflag:$0x3] =	sbarrier.arrive $0xFFFF  }
0x1e8: {  	_ =	shalt  }

// kernel: kernel.9.cloned.1.call-start
scs
__scs_entry_jumppad:
0x0: {  	(pc) =	sbr.rel $0x88, $3  }
0x1: {  	(tag) =	ssettag $0x0;
	lr =	simm.s32 $0x1  }
0x2: {  	[smem:$0x3F97] =	sst lr;
	_ =	strace $0xD0000000  }
0x3: {  	_ = 	snop  }
0x4: {  	_ = 	snop  }
0x5: {  	_ = 	snop  }
0x6: {  	_ = 	snop  }
0x7: {  	_ = 	snop  }
__scs_overlays_trampoline_lowered:
0x8: {  	[smem:$0x3FA6] =	sst s0  }
0x9: {  	[smem:$0x3FA7] =	sst s1  }
0xa: {  	[smem:$0x3FA8] =	sst s2  }
0xb: {  	[smem:$0x3FA9] =	sst s3  }
0xc: {  	[smem:$0x3FAA] =	sst s4  }
0xd: {  	[smem:$0x3FAB] =	sst s5  }
0xe: {  	[smem:$0x3FAC] =	sst s6  }
0xf: {  	[smem:$0x3FAD] =	sst s7  }
0x10: {  	[smem:$0x3FAE] =	sst s8  }
0x11: {  	[smem:$0x3FAF] =	sst s9;
	s0 =	simm.s32 @!p0 $0x0  }
0x12: {  	s1 =	sld [smem:$0x3F95];
	s0 =	simm.s32 @p0 $0x1  }
0x13: {  	[smem:$0x3FB0] =	sst s0;
	s0 =	simm.s32 @!p1 $0x0  }
0x14: {  	s2 =	sld [smem:$0x3F94];
	s0 =	simm.s32 @p1 $0x1  }
0x15: {  	[smem:$0x3FB1] =	sst s0;
	s0 =	simm.s32 @!p2 $0x0  }
0x16: {  	s3 =	sld [smem:$0x3FDB];
	s0 =	simm.s32 @p2 $0x1  }
0x17: {  	s4 =	simm.s32 $0x1BF5;
	[smem:$0x3FB3] =	sst s0  }
0x18: {  	s0 =	sld [smem:$0x3F96];
	_ =	swait.ge [sflag:s4], $0x0  }
0x19: {  	s7 =	sld [smem:$0x3F97]  }
0x1a: {  	s8 =	sadd.s32 $0xFFFFE003, lr  }
0x1b: {  	s9 =	sadd.s32 $0xFFFFFEF7, lr;
	s5 =	simm.s32 $0xFFFFFFFF;
	p2 =	slt.u32 s8, $0xFFFFF086  }
0x1c: {  	p1 =	slt.u32 s9, $0xF7A;
	s5 =	simm.s32 @!p2 $0x0  }
0x1d: {  	s5 =	simm.s32 @p1 $0x1;
	p0 =	seq.s32 s7, s2  }
0x1e: {  	s7 =	smul.u32 @!p0 $0xF7A, s2;
	p2 =	seq.s32 @!p0 s5, $0x0  }
0x1f: {  	s9 =	smul.u32 $0xF7A, s1;
	s8 =	simm.s32 @!p0 $0x1BF5;
	p2 =	por !p2, p0  }
0x20: {  	[sflag:s8] =	ssyncset.s32 @!p0 $0xFFFFF086;
	s6 =	sadd.s32 @!p0 s3, s7;
	s7 =	simm.s32 @!p0 $0x108  }
0x21: {  	s3 =	sadd.s32 s3, s9;
	s6 =	sadd.s32 @!p0 $0x88, s6;
	s7 =	simm.s32 @p2 $0x1082  }
0x22: {  	[simem:s7], [sflag:s8] =	dma.local @!p0 [hbm:s6], $0xF7A  }
0x23: {  	s9 =	sor.u32 $0xD0000000, s2;
	s6 =	simm.s32 $0x108;
	_ =	swait.ge @!p0 [sflag:s8], $0x0  }
0x24: {  	s3 =	sadd.s32 $0x88, s3;
	s6 =	simm.s32 @!p1 $0x1082;
	[sflag:s4] =	ssyncset.s32 $0xFFFFF086  }
0x25: {  	[simem:s6], [sflag:s4] =	dma.local [hbm:s3], $0xF7A  }
0x26: {  	[smem:$0x3F97] =	sst s1;
	(tag) =	ssettag s2;
	_ =	strace s9  }
0x27: {  	s1 =	sld [smem:$0x3FA7]  }
0x28: {  	s2 =	sld [smem:$0x3FA8]  }
0x29: {  	s4 =	sld [smem:$0x3FAA]  }
0x2a: {  	p0 =	seq.s32 s5, $0x0;
	s5 =	sld [smem:$0x3FAB]  }
0x2b: {  	s6 =	sld [smem:$0x3FAC]  }
0x2c: {  	s7 =	sld [smem:$0x3FAD]  }
0x2d: {  	s3 =	simm.s32 $0x108;
	s8 =	sld [smem:$0x3FAE]  }
0x2e: {  	s3 =	simm.s32 @!p0 $0x1082;
	s9 =	sld [smem:$0x3FAF]  }
0x2f: {  	lr =	sadd.s32 s0, s3;
	s0 =	sld [smem:$0x3FA6]  }
0x30: {  	s3 =	sld [smem:$0x3FA9]  }
0x31: {  	[smem:$0x3FB2] =	sst s10  }
0x32: {  	s10 =	sld [smem:$0x3FB0];
	_ =	sdelay $0x3  }
0x33: {  	p0 =	seq.s32 s10, $0x1;
	s10 =	sld [smem:$0x3FB2];
	_ =	sdelay $0x3  }
0x34: {  	[smem:$0x3FB2] =	sst s10  }
0x35: {  	s10 =	sld [smem:$0x3FB1];
	_ =	sdelay $0x3  }
0x36: {  	p1 =	seq.s32 s10, $0x1;
	s10 =	sld [smem:$0x3FB2];
	_ =	sdelay $0x3  }
0x37: {  	[smem:$0x3FB2] =	sst s10  }
0x38: {  	s10 =	sld [smem:$0x3FB3]  }
0x39: {  	_ = 	snop;
	(pc) =	sbr.ind lr, $3  }
0x3a: {  	_ = 	snop  }
0x3b: {  	_ = 	snop  }
0x3c: {  	p2 =	seq.s32 s10, $0x1;
	s10 =	sld [smem:$0x3FB2]  }
0x3d: {  	_ =	shalt  }
0x3e: {  	_ =	shalt  }
0x3f: {  	_ =	shalt  }
0x40: {  	_ =	shalt  }
0x41: {  	_ =	shalt  }
0x42: {  	_ =	shalt  }
0x43: {  	_ =	shalt  }
0x44: {  	_ =	shalt  }
0x45: {  	_ =	shalt  }
0x46: {  	_ =	shalt  }
0x47: {  	_ =	shalt  }
0x48: {  	_ =	shalt  }
0x49: {  	_ =	shalt  }
0x4a: {  	_ =	shalt  }
0x4b: {  	_ =	shalt  }
0x4c: {  	_ =	shalt  }
0x4d: {  	_ =	shalt  }
0x4e: {  	_ =	shalt  }
0x4f: {  	_ =	shalt  }
0x50: {  	_ =	shalt  }
0x51: {  	_ =	shalt  }
0x52: {  	_ =	shalt  }
0x53: {  	_ =	shalt  }
0x54: {  	_ =	shalt  }
0x55: {  	_ =	shalt  }
0x56: {  	_ =	shalt  }
0x57: {  	_ =	shalt  }
0x58: {  	_ =	shalt  }
0x59: {  	_ =	shalt  }
0x5a: {  	_ =	shalt  }
0x5b: {  	_ =	shalt  }
0x5c: {  	_ =	shalt  }
0x5d: {  	_ =	shalt  }
0x5e: {  	_ =	shalt  }
0x5f: {  	_ =	shalt  }
0x60: {  	_ =	shalt  }
0x61: {  	_ =	shalt  }
0x62: {  	_ =	shalt  }
0x63: {  	_ =	shalt  }
0x64: {  	_ =	shalt  }
0x65: {  	_ =	shalt  }
0x66: {  	_ =	shalt  }
0x67: {  	_ =	shalt  }
0x68: {  	_ =	shalt  }
0x69: {  	_ =	shalt  }
0x6a: {  	_ =	shalt  }
0x6b: {  	_ =	shalt  }
0x6c: {  	_ =	shalt  }
0x6d: {  	_ =	shalt  }
0x6e: {  	_ =	shalt  }
0x6f: {  	_ =	shalt  }
0x70: {  	_ =	shalt  }
0x71: {  	_ =	shalt  }
0x72: {  	_ =	shalt  }
0x73: {  	_ =	shalt  }
0x74: {  	_ =	shalt  }
0x75: {  	_ =	shalt  }
0x76: {  	_ =	shalt  }
0x77: {  	_ =	shalt  }
0x78: {  	_ =	shalt  }
0x79: {  	_ =	shalt  }
0x7a: {  	_ =	shalt  }
0x7b: {  	_ =	shalt  }
0x7c: {  	_ =	shalt  }
0x7d: {  	_ =	shalt  }
0x7e: {  	_ =	shalt  }
0x7f: {  	_ =	shalt  }
0x80: {  	_ =	shalt  }
0x81: {  	_ =	shalt  }
0x82: {  	_ =	shalt  }
0x83: {  	_ =	shalt  }
0x84: {  	_ =	shalt  }
0x85: {  	_ =	shalt  }
0x86: {  	_ =	shalt  }
0x87: {  	_ =	shalt  }
.Lfunc_end0:
.L_simem_size_0:
called_computation.1_lowered:
.L_overlay_start_0:
0x88: {  	s2 =	sld [smem:$0x3FD9]  }
0x89: {  	s3 =	sld [smem:$0x3FFE];
	_ =	sdelay $0x1  }
0x8a: {  	s1 =	srdreg.scid  }
0x8b: {  	s0 =	sand.u32 $0x1, s1  }
0x8c: {  	s17 =	sshll.u32 s0, $0xA;
	s2 =	sadd.s32 s3, s2  }
0x8d: {  	s2 =	sadd.s32 s2, s17  }
0x8e: {  	[smem:$0x3FBE] =	sst s2  }
0x8f: {  	_ = 	snop  }
0x90: {  	s2 =	sld [smem:$0x3FD0];
	(tm) =	ssettm $0x1  }
0x91: {  	s18 =	sld [smem:$0x3FFB];
	_ =	sdelay $0x3  }
0x92: {  	_ =	strace s18  }
0x93: {  	s3 =	sld [smem:$0x3FFC];
	_ =	sdelay $0x3  }
0x94: {  	_ =	strace s3  }
0x95: {  	s3 =	sld [smem:$0x3FFD];
	_ =	sdelay $0x3  }
0x96: {  	_ =	strace s3  }
0x97: {  	_ =	strace $0x8FFFFFFF  }
0x98: {  	s19 =	sld [smem:$0x3FDB];
	_ =	sdelay $0x1  }
0x99: {  	s4 =	simm.s32 $_scs_section_size  }
0x9a: {  	s5 =	simm.s32 $_size__tile_overlayer_lowered;
	s6 =	simm.s32 $_tile_overlayer_lowered  }
0x9b: {  	s22 =	simm.s32 $0x1BFF;
	s21 =	sshll.u32 s6, $0x1;
	s3 =	sadd.s32 s4, s19  }
0x9c: {  	s7 =	simm.s32 $0x0;
	s20 =	sshll.u32 s5, $0x1;
	s5 =	sadd.s32 s21, s3  }
0x9d: {  	[timem:s7], [sflag:s22] =	dma.local [hbm:s5], s20  }
0x9e: {  	_ =	swait.ge [sflag:s22], s20  }
0x9f: {  	s4 =	ssub.s32 $0x0, s20;
	[sflag:s22] =	ssyncset.done $0x0  }
0xa0: {  	[sflag:s22] =	ssyncadd.s32 s4;
	_ =	sdelay $0x1  }
0xa1: {  	s23 =	simm.s32 $0x1B8B  }
0xa2: {  	_ =	swait.ge [sflag:s23], $0x1  }
0xa3: {  	[sflag:s23] =	ssyncset.done $0x0  }
0xa4: {  	s25 =	simm.s32 $0x1B8E;
	s24 =	sld [smem:$0x3FFE];
	[sflag:s23] =	ssyncadd.s32 $0xFFFFFFFF  }
0xa5: {  	s26 =	simm.s32 $execute0_lowered;
	[smem:$0x3FD2] =	sst s25  }
0xa6: {  	s5 =	sshll.u32 s26, $0x1;
	_ =	strace $0x80000049;
	[dreg:$0x1] =	wrdreg $0xFFFFFFFF  }
0xa7: {  	s28 =	simm.s32 $_size_execute0_lowered;
	s3 =	sadd.s32 s3, s5;
	[dreg:$0x0] =	wrdreg $0x0  }
0xa8: {  	s5 =	sshll.u32 s28, $0x1;
	[dreg:$0x2] =	wrdreg s3  }
0xa9: {  	[dreg:$0x3] =	wrdreg s5  }
0xaa: {  	[dreg:$0x4] =	wrdreg $0xC0  }
0xab: {  	_ =	task [dreg:s7], $0x5FFFF  }
0xac: {  	[dreg:$0x1] =	wrdreg $0xFFFFFFFF  }
0xad: {  	[dreg:$0x0] =	wrdreg $0x60  }
0xae: {  	[dreg:$0x2] =	wrdreg s2  }
0xaf: {  	[dreg:$0x3] =	wrdreg s24  }
0xb0: {  	[dreg:$0x4] =	wrdreg $0xA8000  }
0xb1: {  	[dreg:$0x5] =	wrdreg $0x9  }
0xb2: {  	_ =	task.clear_ibuf [dreg:s7], $0x6FFFF;
	_ =	strace $0x90000049  }
0xb3: {  	s29 =	simm.s32 $0x9;
	_ =	strace $0x8000004B  }
0xb4: {  	_ =	swait.ge [sflag:s29], $0x1  }
0xb5: {  	[sflag:s29] =	ssyncadd.s32 $0xFFFFFFFF  }
0xb6: {  	_ =	strace $0x9000004B  }
0xb7: {  	_ =	sfence  }
0xb8: {  	s30 =	sld [smem:$0x0];
	_ =	sdelay $0x2  }
0xb9: {  	s31 =	sshll.u32 s1, $0xD;
	s1 =	sshrl.u32 s1, $0x2  }
0xba: {  	s3 =	sand.u32 $0x4000, s31;
	s1 =	sadd.s32 s1, s30  }
0xbb: {  	s0 =	sor.u32 s3, s0;
	s1 =	sshll.u32 s1, $0x11  }
0xbc: {  	s0 =	sor.u32 s1, s0  }
0xbd: {  	s0 =	sadd.s32 $0x8F2B, s0  }
0xbe: {  	[sflag:s0] =	ssyncadd.remote.s32 $0x1  }
0xbf: {  	_ =	sfence.sel $0xFFFF  }
0xc0: {  	[dreg:$0x0] =	wrdreg $0xFFFFFFFF;
	(pc) =	sbr.abs _section_cstart, $3  }
0xc1: {  	[dreg:$0x1] =	wrdreg $0xFFFFFFFF  }
0xc2: {  	_ =	task.clear_ibuf [dreg:s7], $0x2FFFF;
	_ =	strace $0x9FFFFFFF  }
0xc3: {  	(tm) =	ssettm $0x7FFFFFFF  }
tec
execute0_lowered:
.L_overlay_start_1:
0x0: {  	(tag) =	ssettag $0x1  }
0x1: {  	s1 =	rddreg [dreg:$0x0]  }
0x2: {  	s5 =	rddreg [dreg:$0x1]  }
0x3: {  	s0 =	srdreg.scid;
	s3 =	rddreg [dreg:$0x2]  }
0x4: {  	s2 =	rddreg [dreg:$0x3];
	s4 =	simm.s32 $0x0;
	s6 =	sand.u32 $0x1, s0  }
0x5: {  	s17 =	simm.s32 $0x2800;
	s0 =	stileid.u32;
	s7 =	smul.u32 $0x28000, s6  }
0x6: {  	s18 =	simm.s32 $0x3;
	s19 =	simm.s32 $0x1400;
	s8 =	smul.u32 $0x2800, s0  }
0x7: {  	s20 =	simm.s32 $0x7D;
	s21 =	simm.s32 $0x6800;
	s9 =	smul.u32 $0x140000, s6  }
0x8: {  	s22 =	simm.s32 $0x1;
	s23 =	simm.s32 $0x2;
	s10 =	smul.u32 $0x14000, s0  }
0x9: {  	[smem:$0x7FF] =	sst s4;
	s29 =	smul.u32 $0x50000, s0;
	s6 =	ssub.s32 $0x2, s6  }
0xa: {  	_ =	strace $0x8000004A;
	s31 =	sshrl.u32 s6, $0x1;
	s7 =	sadd.s32 s8, s7  }
0xb: {  	s28 =	sshrl.u32 s8, $0x3;
	s30 =	sadd.s32 s10, s9;
	s8 =	sshrl.u32 s29, $0x2  }
0xc: {  	s14 =	ssub.s32 s6, s31;
	s7 =	sshrl.u32 s7, $0x3;
	s12 =	sadd.s32 s28, s5  }
0xd: {  	s11 =	sadd.s32 s7, s5;
	s7 =	sshrl.u32 s30, $0x3;
	s10 =	sadd.s32 $0x1C80, s12  }
0xe: {  	s13 =	sadd.s32 s7, s5;
	s5 =	sadd.s32 s8, s3;
	s7 =	sadd.s32 $0x6A00, s11  }
0xf: {  	s8 =	sadd.s32 $0x1A00, s12;
	s9 =	sadd.s32 $0x6C80, s11;
	s12 =	smax.u32 s14, $0x1  }
0x10: {  	s6 =	sadd.s32 $0x12C00, s5;
	s11 =	sadd.s32 $0x10A00, s13;
	s13 =	sadd.s32 $0x3C00, s5  }
0x11: {  	v0 =	vimm.f32 $0.0e+00;
	s14 =	sadd.s32 $0x7800, s5;
	s15 =	sadd.s32 $0xB400, s5;
	s16 =	sadd.s32 $0xF000, s5  }
.LBB2_1:
0x12: {  	s24 =	simm.s32 $0x0;
	s25 =	simm.s32 $0x200  }
.LBB2_2:
0x13: {  	p0 =	sne.s32 s25, $0xF800;
	[tilespmem:s24+$0x2870] =	vst v0  }
0x14: {  	[tilespmem:s24+$0x2800] =	vst v0  }
0x15: {  	[tilespmem:s24+$0x2810] =	vst v0  }
.Ltmp0:
0x16: {  	[tilespmem:s24+$0x2820] =	vst v0;
	(pc) =	sbr.rel @p0 .LBB2_2-.Ltmp0, $4  }
0x17: {  	[tilespmem:s24+$0x2830] =	vst v0  }
0x18: {  	[tilespmem:s24+$0x2840] =	vst v0  }
0x19: {  	[tilespmem:s24+$0x2850] =	vst v0  }
0x1a: {  	[tilespmem:s24+$0x2860] =	vst v0;
	s24 =	sshra.s32 s25, $0x2;
	s25 =	sadd.s32 $0x200, s25  }
0x1b: {  	[tilespmem:s24+$0x2870] =	vst v0  }
0x1c: {  	[tilespmem:s24+$0x2800] =	vst v0  }
0x1d: {  	[tilespmem:s24+$0x2810] =	vst v0  }
0x1e: {  	[tilespmem:s24+$0x2820] =	vst v0  }
0x1f: {  	[tilespmem:s24+$0x2830] =	vst v0  }
0x20: {  	[tilespmem:s24+$0x2840] =	vst v0  }
0x21: {  	[tilespmem:s24+$0x2850] =	vst v0  }
0x22: {  	[tilespmem:s24+$0x2860] =	vst v0  }
0x23: {  	[spmem:s5] =	stream.linear.scatter [tilespmem:s17], [sflag:$0x3], $0x3C00, $0x38;
	[tilespmem:$0x1E800] =	vst v63  }
0x24: {  	_ =	swait.ge [sflag:s18], $0x3C00  }
0x25: {  	[sflag:s18] =	ssyncset.done $0x0  }
0x26: {  	[sflag:s18] =	ssyncadd.s32 $0xFFFFC400  }
0x27: {  	[spmem:s13] =	stream.linear.scatter [tilespmem:s17], [sflag:$0x3], $0x3C00, $0x38;
	[tilespmem:$0x1E800] =	vst v63  }
0x28: {  	_ =	swait.ge [sflag:s18], $0x3C00  }
0x29: {  	[sflag:s18] =	ssyncset.done $0x0  }
0x2a: {  	[sflag:s18] =	ssyncadd.s32 $0xFFFFC400  }
0x2b: {  	[spmem:s14] =	stream.linear.scatter [tilespmem:s17], [sflag:$0x3], $0x3C00, $0x38;
	[tilespmem:$0x1E800] =	vst v63  }
0x2c: {  	_ =	swait.ge [sflag:s18], $0x3C00  }
0x2d: {  	[sflag:s18] =	ssyncset.done $0x0  }
0x2e: {  	[sflag:s18] =	ssyncadd.s32 $0xFFFFC400  }
0x2f: {  	[spmem:s15] =	stream.linear.scatter [tilespmem:s17], [sflag:$0x3], $0x3C00, $0x38;
	[tilespmem:$0x1E800] =	vst v63  }
0x30: {  	_ =	swait.ge [sflag:s18], $0x3C00  }
0x31: {  	[sflag:s18] =	ssyncset.done $0x0  }
0x32: {  	[sflag:s18] =	ssyncadd.s32 $0xFFFFC400  }
0x33: {  	[spmem:s16] =	stream.linear.scatter [tilespmem:s17], [sflag:$0x3], $0x3C00, $0x38;
	[tilespmem:$0x1E800] =	vst v63  }
0x34: {  	_ =	swait.ge [sflag:s18], $0x3C00  }
0x35: {  	[sflag:s18] =	ssyncset.done $0x0  }
0x36: {  	[sflag:s18] =	ssyncadd.s32 $0xFFFFC400  }
0x37: {  	[spmem:s6] =	stream.linear.scatter [tilespmem:s17], [sflag:$0x3], $0x1400, $0x38;
	[tilespmem:$0x1E800] =	vst v63  }
0x38: {  	_ =	swait.ge [sflag:s18], $0x1400  }
0x39: {  	[sflag:s18] =	ssyncset.done $0x0  }
0x3a: {  	[sflag:s18] =	ssyncadd.s32 $0xFFFFEC00  }
0x3b: {  	s30 =	simm.s32 $0x0;
	[bflag:$0x0] =	sbarrier.arrive $0xFFFF  }
0x3c: {  	[tilespmem:s30], [sflag:$0x3] =	stream.linear.gather [hbm4b:s7+s30], $0x1400, $0x38;
	[tilespmem:$0x1E800] =	vst v63  }
0x3d: {  	_ =	swait.ge [sflag:s18], $0x1400  }
0x3e: {  	[sflag:s18] =	ssyncset.done $0x0  }
0x3f: {  	[sflag:s18] =	ssyncadd.s32 $0xFFFFEC00  }
0x40: {  	[tilespmem:s19], [sflag:$0x3] =	stream.linear.gather [hbm4b:s8+s30], $0x1400, $0x38;
	[tilespmem:$0x1E800] =	vst v63  }
0x41: {  	_ =	swait.ge [sflag:s18], $0x1400  }
0x42: {  	[sflag:s18] =	ssyncset.done $0x0  }
0x43: {  	s31 =	simm.s32 $0x0;
	[sflag:s18] =	ssyncadd.s32 $0xFFFFEC00  }
0x44: {  	[tilespmem:s17], [sflag:$0x1] =	stream.indirect.gather [hbm4b:s1+s20], $0x80, s31, s20, $0xb8;
	[tilespmem:$0x1E800] =	vst v63  }
0x45: {  	s25 =	simm.s32 $0x80  }
0x46: {  	[tilespmem:s21], [sflag:$0x2] =	stream.indirect.gather [hbm4b:s1+s20], $0x80, s25, s20, $0xb8;
	[tilespmem:$0x1E800] =	vst v63  }
0x47: {  	_ =	swait.ge [sflag:s22], $0x3E80  }
0x48: {  	[sflag:s22] =	ssyncset.done $0x0  }
0x49: {  	s26 =	simm.s32 $0x1400;
	[sflag:s22] =	ssyncadd.s32 $0xFFFFC180  }
0x4a: {  	[spmem:s3] =	stream.indirect.scatter.add.f32 [tilespmem:s17], [sflag:$0x3], $0x80, s26, s20, $0xb8;
	[tilespmem:$0x1E800] =	vst v63  }
0x4b: {  	_ =	swait.ge [sflag:s18], $0x3E80  }
0x4c: {  	[sflag:s18] =	ssyncset.done $0x0  }
0x4d: {  	s29 =	simm.s32 $0x100;
	[sflag:s18] =	ssyncadd.s32 $0xFFFFC180  }
0x4e: {  	[tilespmem:s17], [sflag:$0x1] =	stream.indirect.gather [hbm4b:s1+s20], $0x80, s29, s20, $0xb8;
	[tilespmem:$0x1E800] =	vst v63  }
0x4f: {  	_ =	swait.ge [sflag:s23], $0x3E80  }
0x50: {  	[sflag:s23] =	ssyncset.done $0x0  }
0x51: {  	s30 =	simm.s32 $0x1480;
	[sflag:s23] =	ssyncadd.s32 $0xFFFFC180  }
0x52: {  	[spmem:s3] =	stream.indirect.scatter.add.f32 [tilespmem:s21], [sflag:$0x3], $0x80, s30, s20, $0xb8;
	[tilespmem:$0x1E800] =	vst v63  }
0x53: {  	_ =	swait.ge [sflag:s18], $0x3E80  }
0x54: {  	[sflag:s18] =	ssyncset.done $0x0  }
0x55: {  	s31 =	simm.s32 $0x180;
	[sflag:s18] =	ssyncadd.s32 $0xFFFFC180  }
0x56: {  	[tilespmem:s21], [sflag:$0x2] =	stream.indirect.gather [hbm4b:s1+s20], $0x80, s31, s20, $0xb8;
	[tilespmem:$0x1E800] =	vst v63  }
0x57: {  	_ =	swait.ge [sflag:s22], $0x3E80  }
0x58: {  	[sflag:s22] =	ssyncset.done $0x0  }
0x59: {  	s25 =	simm.s32 $0x1500;
	[sflag:s22] =	ssyncadd.s32 $0xFFFFC180  }
0x5a: {  	[spmem:s3] =	stream.indirect.scatter.add.f32 [tilespmem:s17], [sflag:$0x3], $0x80, s25, s20, $0xb8;
	[tilespmem:$0x1E800] =	vst v63  }
0x5b: {  	_ =	swait.ge [sflag:s18], $0x3E80  }
0x5c: {  	[sflag:s18] =	ssyncset.done $0x0  }
0x5d: {  	s26 =	simm.s32 $0x200;
	[sflag:s18] =	ssyncadd.s32 $0xFFFFC180  }
0x5e: {  	[tilespmem:s17], [sflag:$0x1] =	stream.indirect.gather [hbm4b:s1+s20], $0x80, s26, s20, $0xb8;
	[tilespmem:$0x1E800] =	vst v63  }
0x5f: {  	_ =	swait.ge [sflag:s23], $0x3E80  }
0x60: {  	[sflag:s23] =	ssyncset.done $0x0  }
0x61: {  	s29 =	simm.s32 $0x1580;
	[sflag:s23] =	ssyncadd.s32 $0xFFFFC180  }
0x62: {  	[spmem:s3] =	stream.indirect.scatter.add.f32 [tilespmem:s21], [sflag:$0x3], $0x80, s29, s20, $0xb8;
	[tilespmem:$0x1E800] =	vst v63  }
0x63: {  	_ =	swait.ge [sflag:s18], $0x3E80  }
0x64: {  	[sflag:s18] =	ssyncset.done $0x0  }
0x65: {  	s30 =	simm.s32 $0x280;
	[sflag:s18] =	ssyncadd.s32 $0xFFFFC180  }
0x66: {  	[tilespmem:s21], [sflag:$0x2] =	stream.indirect.gather [hbm4b:s1+s20], $0x80, s30, s20, $0xb8;
	[tilespmem:$0x1E800] =	vst v63  }
0x67: {  	_ =	swait.ge [sflag:s22], $0x3E80  }
0x68: {  	[sflag:s22] =	ssyncset.done $0x0  }
0x69: {  	s31 =	simm.s32 $0x1600;
	[sflag:s22] =	ssyncadd.s32 $0xFFFFC180  }
0x6a: {  	[spmem:s3] =	stream.indirect.scatter.add.f32 [tilespmem:s17], [sflag:$0x3], $0x80, s31, s20, $0xb8;
	[tilespmem:$0x1E800] =	vst v63  }
0x6b: {  	_ =	swait.ge [sflag:s18], $0x3E80  }
0x6c: {  	[sflag:s18] =	ssyncset.done $0x0  }
0x6d: {  	s25 =	simm.s32 $0x300;
	[sflag:s18] =	ssyncadd.s32 $0xFFFFC180  }
0x6e: {  	[tilespmem:s17], [sflag:$0x1] =	stream.indirect.gather [hbm4b:s1+s20], $0x80, s25, s20, $0xb8;
	[tilespmem:$0x1E800] =	vst v63  }
0x6f: {  	_ =	swait.ge [sflag:s23], $0x3E80  }
0x70: {  	[sflag:s23] =	ssyncset.done $0x0  }
0x71: {  	s26 =	simm.s32 $0x1680;
	[sflag:s23] =	ssyncadd.s32 $0xFFFFC180  }
0x72: {  	[spmem:s3] =	stream.indirect.scatter.add.f32 [tilespmem:s21], [sflag:$0x3], $0x80, s26, s20, $0xb8;
	[tilespmem:$0x1E800] =	vst v63  }
0x73: {  	_ =	swait.ge [sflag:s18], $0x3E80  }
0x74: {  	[sflag:s18] =	ssyncset.done $0x0  }
0x75: {  	s29 =	simm.s32 $0x380;
	[sflag:s18] =	ssyncadd.s32 $0xFFFFC180  }
0x76: {  	[tilespmem:s21], [sflag:$0x2] =	stream.indirect.gather [hbm4b:s1+s20], $0x80, s29, s20, $0xb8;
	[tilespmem:$0x1E800] =	vst v63  }
0x77: {  	_ =	swait.ge [sflag:s22], $0x3E80  }
0x78: {  	[sflag:s22] =	ssyncset.done $0x0  }
0x79: {  	s30 =	simm.s32 $0x1700;
	[sflag:s22] =	ssyncadd.s32 $0xFFFFC180  }
0x7a: {  	[spmem:s3] =	stream.indirect.scatter.add.f32 [tilespmem:s17], [sflag:$0x3], $0x80, s30, s20, $0xb8;
	[tilespmem:$0x1E800] =	vst v63  }
0x7b: {  	_ =	swait.ge [sflag:s18], $0x3E80  }
0x7c: {  	[sflag:s18] =	ssyncset.done $0x0  }
0x7d: {  	[sflag:s18] =	ssyncadd.s32 $0xFFFFC180  }
0x7e: {  	_ =	swait.ge [sflag:s23], $0x3E80  }
0x7f: {  	[sflag:s23] =	ssyncset.done $0x0  }
0x80: {  	s31 =	simm.s32 $0x1780;
	[sflag:s23] =	ssyncadd.s32 $0xFFFFC180  }
0x81: {  	[spmem:s3] =	stream.indirect.scatter.add.f32 [tilespmem:s21], [sflag:$0x3], $0x80, s31, s20, $0xb8;
	[tilespmem:$0x1E800] =	vst v63  }
0x82: {  	_ =	swait.ge [sflag:s18], $0x3E80  }
0x83: {  	s24 =	simm.s32 $0x1000;
	s28 =	simm.s32 $0x2000;
	[sflag:s18] =	ssyncset.done $0x0  }
.LBB2_4:
0x84: {  	s26 =	sshra.s32 s24, $0x2  }
0x85: {  	[sflag:s18] =	ssyncadd.s32 $0xFFFFC180;
	s24 =	smov.u32 s28;
	s25 =	sadd.s32 $0x1000, s28  }
0x86: {  	[tilespmem:s17], [sflag:$0x1] =	stream.indirect.gather [hbm4b:s1+s20], $0x80, s26, s20, $0xb8;
	[tilespmem:$0x1E800] =	vst v63  }
0x87: {  	p0 =	sne.s32 s28, $0x4000;
	s28 =	sadd.s32 $0x80, s26  }
0x88: {  	[tilespmem:s21], [sflag:$0x2] =	stream.indirect.gather [hbm4b:s1+s20], $0x80, s28, s20, $0xb8;
	[tilespmem:$0x1E800] =	vst v63  }
0x89: {  	_ =	swait.ge [sflag:s22], $0x3E80  }
0x8a: {  	[sflag:s22] =	ssyncset.done $0x0  }
0x8b: {  	s28 =	sadd.s32 $0x1400, s26;
	[sflag:s22] =	ssyncadd.s32 $0xFFFFC180  }
0x8c: {  	[spmem:s3] =	stream.indirect.scatter.add.f32 [tilespmem:s17], [sflag:$0x3], $0x80, s28, s20, $0xb8;
	[tilespmem:$0x1E800] =	vst v63  }
0x8d: {  	_ =	swait.ge [sflag:s18], $0x3E80  }
0x8e: {  	[sflag:s18] =	ssyncset.done $0x0  }
0x8f: {  	s28 =	sadd.s32 $0x100, s26;
	[sflag:s18] =	ssyncadd.s32 $0xFFFFC180  }
0x90: {  	[tilespmem:s17], [sflag:$0x1] =	stream.indirect.gather [hbm4b:s1+s20], $0x80, s28, s20, $0xb8;
	[tilespmem:$0x1E800] =	vst v63  }
0x91: {  	_ =	swait.ge [sflag:s23], $0x3E80  }
0x92: {  	[sflag:s23] =	ssyncset.done $0x0  }
0x93: {  	s28 =	sadd.s32 $0x1480, s26;
	[sflag:s23] =	ssyncadd.s32 $0xFFFFC180  }
0x94: {  	[spmem:s3] =	stream.indirect.scatter.add.f32 [tilespmem:s21], [sflag:$0x3], $0x80, s28, s20, $0xb8;
	[tilespmem:$0x1E800] =	vst v63  }
0x95: {  	_ =	swait.ge [sflag:s18], $0x3E80  }
0x96: {  	[sflag:s18] =	ssyncset.done $0x0  }
0x97: {  	s28 =	sadd.s32 $0x180, s26;
	[sflag:s18] =	ssyncadd.s32 $0xFFFFC180  }
0x98: {  	[tilespmem:s21], [sflag:$0x2] =	stream.indirect.gather [hbm4b:s1+s20], $0x80, s28, s20, $0xb8;
	[tilespmem:$0x1E800] =	vst v63  }
0x99: {  	_ =	swait.ge [sflag:s22], $0x3E80  }
0x9a: {  	[sflag:s22] =	ssyncset.done $0x0  }
0x9b: {  	s28 =	sadd.s32 $0x1500, s26;
	[sflag:s22] =	ssyncadd.s32 $0xFFFFC180  }
0x9c: {  	[spmem:s3] =	stream.indirect.scatter.add.f32 [tilespmem:s17], [sflag:$0x3], $0x80, s28, s20, $0xb8;
	[tilespmem:$0x1E800] =	vst v63  }
0x9d: {  	_ =	swait.ge [sflag:s18], $0x3E80  }
0x9e: {  	[sflag:s18] =	ssyncset.done $0x0  }
0x9f: {  	s28 =	sadd.s32 $0x200, s26;
	[sflag:s18] =	ssyncadd.s32 $0xFFFFC180  }
0xa0: {  	[tilespmem:s17], [sflag:$0x1] =	stream.indirect.gather [hbm4b:s1+s20], $0x80, s28, s20, $0xb8;
	[tilespmem:$0x1E800] =	vst v63  }
0xa1: {  	_ =	swait.ge [sflag:s23], $0x3E80  }
0xa2: {  	[sflag:s23] =	ssyncset.done $0x0  }
0xa3: {  	s28 =	sadd.s32 $0x1580, s26;
	[sflag:s23] =	ssyncadd.s32 $0xFFFFC180  }
0xa4: {  	[spmem:s3] =	stream.indirect.scatter.add.f32 [tilespmem:s21], [sflag:$0x3], $0x80, s28, s20, $0xb8;
	[tilespmem:$0x1E800] =	vst v63  }
0xa5: {  	_ =	swait.ge [sflag:s18], $0x3E80  }
0xa6: {  	[sflag:s18] =	ssyncset.done $0x0  }
0xa7: {  	s28 =	sadd.s32 $0x280, s26;
	[sflag:s18] =	ssyncadd.s32 $0xFFFFC180  }
0xa8: {  	[tilespmem:s21], [sflag:$0x2] =	stream.indirect.gather [hbm4b:s1+s20], $0x80, s28, s20, $0xb8;
	[tilespmem:$0x1E800] =	vst v63  }
0xa9: {  	_ =	swait.ge [sflag:s22], $0x3E80  }
0xaa: {  	[sflag:s22] =	ssyncset.done $0x0  }
0xab: {  	s28 =	sadd.s32 $0x1600, s26;
	[sflag:s22] =	ssyncadd.s32 $0xFFFFC180  }
0xac: {  	[spmem:s3] =	stream.indirect.scatter.add.f32 [tilespmem:s17], [sflag:$0x3], $0x80, s28, s20, $0xb8;
	[tilespmem:$0x1E800] =	vst v63  }
0xad: {  	_ =	swait.ge [sflag:s18], $0x3E80  }
0xae: {  	[sflag:s18] =	ssyncset.done $0x0  }
0xaf: {  	s28 =	sadd.s32 $0x300, s26;
	[sflag:s18] =	ssyncadd.s32 $0xFFFFC180  }
0xb0: {  	[tilespmem:s17], [sflag:$0x1] =	stream.indirect.gather [hbm4b:s1+s20], $0x80, s28, s20, $0xb8;
	[tilespmem:$0x1E800] =	vst v63  }
0xb1: {  	_ =	swait.ge [sflag:s23], $0x3E80  }
0xb2: {  	[sflag:s23] =	ssyncset.done $0x0  }
0xb3: {  	s28 =	sadd.s32 $0x1680, s26;
	[sflag:s23] =	ssyncadd.s32 $0xFFFFC180  }
0xb4: {  	[spmem:s3] =	stream.indirect.scatter.add.f32 [tilespmem:s21], [sflag:$0x3], $0x80, s28, s20, $0xb8;
	[tilespmem:$0x1E800] =	vst v63  }
0xb5: {  	_ =	swait.ge [sflag:s18], $0x3E80  }
0xb6: {  	[sflag:s18] =	ssyncset.done $0x0  }
0xb7: {  	s28 =	sadd.s32 $0x380, s26;
	[sflag:s18] =	ssyncadd.s32 $0xFFFFC180  }
0xb8: {  	[tilespmem:s21], [sflag:$0x2] =	stream.indirect.gather [hbm4b:s1+s20], $0x80, s28, s20, $0xb8;
	[tilespmem:$0x1E800] =	vst v63  }
0xb9: {  	_ =	swait.ge [sflag:s22], $0x3E80  }
0xba: {  	[sflag:s22] =	ssyncset.done $0x0  }
0xbb: {  	s28 =	sadd.s32 $0x1700, s26;
	[sflag:s22] =	ssyncadd.s32 $0xFFFFC180  }
0xbc: {  	[spmem:s3] =	stream.indirect.scatter.add.f32 [tilespmem:s17], [sflag:$0x3], $0x80, s28, s20, $0xb8;
	[tilespmem:$0x1E800] =	vst v63  }
0xbd: {  	_ =	swait.ge [sflag:s18], $0x3E80  }
0xbe: {  	[sflag:s18] =	ssyncset.done $0x0  }
0xbf: {  	[sflag:s18] =	ssyncadd.s32 $0xFFFFC180  }
0xc0: {  	_ =	swait.ge [sflag:s23], $0x3E80  }
.Ltmp1:
0xc1: {  	[sflag:s23] =	ssyncset.done $0x0;
	(pc) =	sbr.rel @p0 .LBB2_4-.Ltmp1, $4  }
0xc2: {  	s26 =	sadd.s32 $0x1780, s26;
	[sflag:s23] =	ssyncadd.s32 $0xFFFFC180  }
0xc3: {  	[spmem:s3] =	stream.indirect.scatter.add.f32 [tilespmem:s21], [sflag:$0x3], $0x80, s26, s20, $0xb8;
	[tilespmem:$0x1E800] =	vst v63  }
0xc4: {  	_ =	swait.ge [sflag:s18], $0x3E80  }
0xc5: {  	s28 =	smov.u32 s25;
	[sflag:s18] =	ssyncset.done $0x0  }
0xc6: {  	s24 =	sshra.s32 s24, $0x2;
	[sflag:s18] =	ssyncadd.s32 $0xFFFFC180  }
0xc7: {  	[tilespmem:s17], [sflag:$0x1] =	stream.indirect.gather [hbm4b:s1+s20], $0x80, s24, s20, $0xb8;
	[tilespmem:$0x1E800] =	vst v63  }
0xc8: {  	s25 =	sadd.s32 $0x80, s24  }
0xc9: {  	[tilespmem:s21], [sflag:$0x2] =	stream.indirect.gather [hbm4b:s1+s20], $0x80, s25, s20, $0xb8;
	[tilespmem:$0x1E800] =	vst v63  }
0xca: {  	_ =	swait.ge [sflag:s22], $0x3E80  }
0xcb: {  	[sflag:s22] =	ssyncset.done $0x0  }
0xcc: {  	s29 =	sadd.s32 $0x1400, s24;
	[sflag:s22] =	ssyncadd.s32 $0xFFFFC180  }
0xcd: {  	[spmem:s3] =	stream.indirect.scatter.add.f32 [tilespmem:s17], [sflag:$0x3], $0x80, s29, s20, $0xb8;
	[tilespmem:$0x1E800] =	vst v63  }
0xce: {  	_ =	swait.ge [sflag:s18], $0x3E80  }
0xcf: {  	[sflag:s18] =	ssyncset.done $0x0  }
0xd0: {  	s30 =	sadd.s32 $0x100, s24;
	[sflag:s18] =	ssyncadd.s32 $0xFFFFC180  }
0xd1: {  	[tilespmem:s17], [sflag:$0x1] =	stream.indirect.gather [hbm4b:s1+s20], $0x80, s30, s20, $0xb8;
	[tilespmem:$0x1E800] =	vst v63  }
0xd2: {  	_ =	swait.ge [sflag:s23], $0x3E80  }
0xd3: {  	[sflag:s23] =	ssyncset.done $0x0  }
0xd4: {  	s31 =	sadd.s32 $0x1480, s24;
	[sflag:s23] =	ssyncadd.s32 $0xFFFFC180  }
0xd5: {  	[spmem:s3] =	stream.indirect.scatter.add.f32 [tilespmem:s21], [sflag:$0x3], $0x80, s31, s20, $0xb8;
	[tilespmem:$0x1E800] =	vst v63  }
0xd6: {  	_ =	swait.ge [sflag:s18], $0x3E80  }
0xd7: {  	[sflag:s18] =	ssyncset.done $0x0  }
0xd8: {  	s26 =	sadd.s32 $0x180, s24;
	[sflag:s18] =	ssyncadd.s32 $0xFFFFC180  }
0xd9: {  	[tilespmem:s21], [sflag:$0x2] =	stream.indirect.gather [hbm4b:s1+s20], $0x80, s26, s20, $0xb8;
	[tilespmem:$0x1E800] =	vst v63  }
0xda: {  	_ =	swait.ge [sflag:s22], $0x3E80  }
0xdb: {  	[sflag:s22] =	ssyncset.done $0x0  }
0xdc: {  	s29 =	sadd.s32 $0x1500, s24;
	[sflag:s22] =	ssyncadd.s32 $0xFFFFC180  }
0xdd: {  	[spmem:s3] =	stream.indirect.scatter.add.f32 [tilespmem:s17], [sflag:$0x3], $0x80, s29, s20, $0xb8;
	[tilespmem:$0x1E800] =	vst v63  }
0xde: {  	_ =	swait.ge [sflag:s18], $0x3E80  }
0xdf: {  	[sflag:s18] =	ssyncset.done $0x0  }
0xe0: {  	s30 =	sadd.s32 $0x200, s24;
	[sflag:s18] =	ssyncadd.s32 $0xFFFFC180  }
0xe1: {  	[tilespmem:s17], [sflag:$0x1] =	stream.indirect.gather [hbm4b:s1+s20], $0x80, s30, s20, $0xb8;
	[tilespmem:$0x1E800] =	vst v63  }
0xe2: {  	_ =	swait.ge [sflag:s23], $0x3E80  }
0xe3: {  	[sflag:s23] =	ssyncset.done $0x0  }
0xe4: {  	s31 =	sadd.s32 $0x1580, s24;
	[sflag:s23] =	ssyncadd.s32 $0xFFFFC180  }
0xe5: {  	[spmem:s3] =	stream.indirect.scatter.add.f32 [tilespmem:s21], [sflag:$0x3], $0x80, s31, s20, $0xb8;
	[tilespmem:$0x1E800] =	vst v63  }
0xe6: {  	_ =	swait.ge [sflag:s18], $0x3E80  }
0xe7: {  	[sflag:s18] =	ssyncset.done $0x0  }
0xe8: {  	s26 =	sadd.s32 $0x280, s24;
	[sflag:s18] =	ssyncadd.s32 $0xFFFFC180  }
0xe9: {  	[tilespmem:s21], [sflag:$0x2] =	stream.indirect.gather [hbm4b:s1+s20], $0x80, s26, s20, $0xb8;
	[tilespmem:$0x1E800] =	vst v63  }
0xea: {  	_ =	swait.ge [sflag:s22], $0x3E80  }
0xeb: {  	[sflag:s22] =	ssyncset.done $0x0  }
0xec: {  	s29 =	sadd.s32 $0x1600, s24;
	[sflag:s22] =	ssyncadd.s32 $0xFFFFC180  }
0xed: {  	[spmem:s3] =	stream.indirect.scatter.add.f32 [tilespmem:s17], [sflag:$0x3], $0x80, s29, s20, $0xb8;
	[tilespmem:$0x1E800] =	vst v63  }
0xee: {  	_ =	swait.ge [sflag:s18], $0x3E80  }
0xef: {  	[sflag:s18] =	ssyncset.done $0x0  }
0xf0: {  	s30 =	sadd.s32 $0x300, s24;
	[sflag:s18] =	ssyncadd.s32 $0xFFFFC180  }
0xf1: {  	[tilespmem:s17], [sflag:$0x1] =	stream.indirect.gather [hbm4b:s1+s20], $0x80, s30, s20, $0xb8;
	[tilespmem:$0x1E800] =	vst v63  }
0xf2: {  	_ =	swait.ge [sflag:s23], $0x3E80  }
0xf3: {  	[sflag:s23] =	ssyncset.done $0x0  }
0xf4: {  	s31 =	sadd.s32 $0x1680, s24;
	[sflag:s23] =	ssyncadd.s32 $0xFFFFC180  }
0xf5: {  	[spmem:s3] =	stream.indirect.scatter.add.f32 [tilespmem:s21], [sflag:$0x3], $0x80, s31, s20, $0xb8;
	[tilespmem:$0x1E800] =	vst v63  }
0xf6: {  	_ =	swait.ge [sflag:s18], $0x3E80  }
0xf7: {  	[sflag:s18] =	ssyncset.done $0x0  }
0xf8: {  	s26 =	sadd.s32 $0x380, s24;
	[sflag:s18] =	ssyncadd.s32 $0xFFFFC180  }
0xf9: {  	[tilespmem:s21], [sflag:$0x2] =	stream.indirect.gather [hbm4b:s1+s20], $0x80, s26, s20, $0xb8;
	[tilespmem:$0x1E800] =	vst v63  }
0xfa: {  	_ =	swait.ge [sflag:s22], $0x3E80  }
0xfb: {  	[sflag:s22] =	ssyncset.done $0x0  }
0xfc: {  	s29 =	sadd.s32 $0x1700, s24;
	[sflag:s22] =	ssyncadd.s32 $0xFFFFC180  }
0xfd: {  	[spmem:s3] =	stream.indirect.scatter.add.f32 [tilespmem:s17], [sflag:$0x3], $0x80, s29, s20, $0xb8;
	[tilespmem:$0x1E800] =	vst v63  }
0xfe: {  	_ =	swait.ge [sflag:s18], $0x3E80  }
0xff: {  	[sflag:s18] =	ssyncset.done $0x0  }
0x100: {  	[sflag:s18] =	ssyncadd.s32 $0xFFFFC180  }
0x101: {  	_ =	swait.ge [sflag:s23], $0x3E80  }
0x102: {  	[sflag:s23] =	ssyncset.done $0x0  }
0x103: {  	s24 =	sadd.s32 $0x1780, s24;
	[sflag:s23] =	ssyncadd.s32 $0xFFFFC180  }
0x104: {  	[spmem:s3] =	stream.indirect.scatter.add.f32 [tilespmem:s21], [sflag:$0x3], $0x80, s24, s20, $0xb8;
	[tilespmem:$0x1E800] =	vst v63  }
0x105: {  	_ =	swait.ge [sflag:s18], $0x3E80  }
0x106: {  	[sflag:s18] =	ssyncset.done $0x0  }
0x107: {  	s30 =	simm.s32 $0x0;
	[sflag:s18] =	ssyncadd.s32 $0xFFFFC180  }
0x108: {  	[tilespmem:s30], [sflag:$0x3] =	stream.linear.gather [hbm4b:s9+s30], $0x1400, $0x38;
	[tilespmem:$0x1E800] =	vst v63  }
0x109: {  	_ =	swait.ge [sflag:s18], $0x1400  }
0x10a: {  	[sflag:s18] =	ssyncset.done $0x0  }
0x10b: {  	[sflag:s18] =	ssyncadd.s32 $0xFFFFEC00  }
0x10c: {  	[tilespmem:s19], [sflag:$0x3] =	stream.linear.gather [hbm4b:s10+s30], $0x1400, $0x38;
	[tilespmem:$0x1E800] =	vst v63  }
0x10d: {  	_ =	swait.ge [sflag:s18], $0x1400  }
0x10e: {  	[sflag:s18] =	ssyncset.done $0x0  }
0x10f: {  	s31 =	simm.s32 $0x0;
	[sflag:s18] =	ssyncadd.s32 $0xFFFFEC00  }
0x110: {  	[tilespmem:s17], [sflag:$0x1] =	stream.indirect.gather [hbm4b:s1+s20], $0x80, s31, s20, $0xb8;
	[tilespmem:$0x1E800] =	vst v63  }
0x111: {  	s25 =	simm.s32 $0x80  }
0x112: {  	[tilespmem:s21], [sflag:$0x2] =	stream.indirect.gather [hbm4b:s1+s20], $0x80, s25, s20, $0xb8;
	[tilespmem:$0x1E800] =	vst v63  }
0x113: {  	_ =	swait.ge [sflag:s22], $0x3E80  }
0x114: {  	[sflag:s22] =	ssyncset.done $0x0  }
0x115: {  	s26 =	simm.s32 $0x1400;
	[sflag:s22] =	ssyncadd.s32 $0xFFFFC180  }
0x116: {  	[spmem:s3] =	stream.indirect.scatter.add.f32 [tilespmem:s17], [sflag:$0x3], $0x80, s26, s20, $0xb8;
	[tilespmem:$0x1E800] =	vst v63  }
0x117: {  	_ =	swait.ge [sflag:s18], $0x3E80  }
0x118: {  	[sflag:s18] =	ssyncset.done $0x0  }
0x119: {  	s29 =	simm.s32 $0x100;
	[sflag:s18] =	ssyncadd.s32 $0xFFFFC180  }
0x11a: {  	[tilespmem:s17], [sflag:$0x1] =	stream.indirect.gather [hbm4b:s1+s20], $0x80, s29, s20, $0xb8;
	[tilespmem:$0x1E800] =	vst v63  }
0x11b: {  	_ =	swait.ge [sflag:s23], $0x3E80  }
0x11c: {  	[sflag:s23] =	ssyncset.done $0x0  }
0x11d: {  	s30 =	simm.s32 $0x1480;
	[sflag:s23] =	ssyncadd.s32 $0xFFFFC180  }
0x11e: {  	[spmem:s3] =	stream.indirect.scatter.add.f32 [tilespmem:s21], [sflag:$0x3], $0x80, s30, s20, $0xb8;
	[tilespmem:$0x1E800] =	vst v63  }
0x11f: {  	_ =	swait.ge [sflag:s18], $0x3E80  }
0x120: {  	[sflag:s18] =	ssyncset.done $0x0  }
0x121: {  	s31 =	simm.s32 $0x180;
	[sflag:s18] =	ssyncadd.s32 $0xFFFFC180  }
0x122: {  	[tilespmem:s21], [sflag:$0x2] =	stream.indirect.gather [hbm4b:s1+s20], $0x80, s31, s20, $0xb8;
	[tilespmem:$0x1E800] =	vst v63  }
0x123: {  	_ =	swait.ge [sflag:s22], $0x3E80  }
0x124: {  	[sflag:s22] =	ssyncset.done $0x0  }
0x125: {  	s25 =	simm.s32 $0x1500;
	[sflag:s22] =	ssyncadd.s32 $0xFFFFC180  }
0x126: {  	[spmem:s3] =	stream.indirect.scatter.add.f32 [tilespmem:s17], [sflag:$0x3], $0x80, s25, s20, $0xb8;
	[tilespmem:$0x1E800] =	vst v63  }
0x127: {  	_ =	swait.ge [sflag:s18], $0x3E80  }
0x128: {  	[sflag:s18] =	ssyncset.done $0x0  }
0x129: {  	s26 =	simm.s32 $0x200;
	[sflag:s18] =	ssyncadd.s32 $0xFFFFC180  }
0x12a: {  	[tilespmem:s17], [sflag:$0x1] =	stream.indirect.gather [hbm4b:s1+s20], $0x80, s26, s20, $0xb8;
	[tilespmem:$0x1E800] =	vst v63  }
0x12b: {  	_ =	swait.ge [sflag:s23], $0x3E80  }
0x12c: {  	[sflag:s23] =	ssyncset.done $0x0  }
0x12d: {  	s29 =	simm.s32 $0x1580;
	[sflag:s23] =	ssyncadd.s32 $0xFFFFC180  }
0x12e: {  	[spmem:s3] =	stream.indirect.scatter.add.f32 [tilespmem:s21], [sflag:$0x3], $0x80, s29, s20, $0xb8;
	[tilespmem:$0x1E800] =	vst v63  }
0x12f: {  	_ =	swait.ge [sflag:s18], $0x3E80  }
0x130: {  	[sflag:s18] =	ssyncset.done $0x0  }
0x131: {  	s30 =	simm.s32 $0x280;
	[sflag:s18] =	ssyncadd.s32 $0xFFFFC180  }
0x132: {  	[tilespmem:s21], [sflag:$0x2] =	stream.indirect.gather [hbm4b:s1+s20], $0x80, s30, s20, $0xb8;
	[tilespmem:$0x1E800] =	vst v63  }
0x133: {  	_ =	swait.ge [sflag:s22], $0x3E80  }
0x134: {  	[sflag:s22] =	ssyncset.done $0x0  }
0x135: {  	s31 =	simm.s32 $0x1600;
	[sflag:s22] =	ssyncadd.s32 $0xFFFFC180  }
0x136: {  	[spmem:s3] =	stream.indirect.scatter.add.f32 [tilespmem:s17], [sflag:$0x3], $0x80, s31, s20, $0xb8;
	[tilespmem:$0x1E800] =	vst v63  }
0x137: {  	_ =	swait.ge [sflag:s18], $0x3E80  }
0x138: {  	[sflag:s18] =	ssyncset.done $0x0  }
0x139: {  	s25 =	simm.s32 $0x300;
	[sflag:s18] =	ssyncadd.s32 $0xFFFFC180  }
0x13a: {  	[tilespmem:s17], [sflag:$0x1] =	stream.indirect.gather [hbm4b:s1+s20], $0x80, s25, s20, $0xb8;
	[tilespmem:$0x1E800] =	vst v63  }
0x13b: {  	_ =	swait.ge [sflag:s23], $0x3E80  }
0x13c: {  	[sflag:s23] =	ssyncset.done $0x0  }
0x13d: {  	s26 =	simm.s32 $0x1680;
	[sflag:s23] =	ssyncadd.s32 $0xFFFFC180  }
0x13e: {  	[spmem:s3] =	stream.indirect.scatter.add.f32 [tilespmem:s21], [sflag:$0x3], $0x80, s26, s20, $0xb8;
	[tilespmem:$0x1E800] =	vst v63  }
0x13f: {  	_ =	swait.ge [sflag:s18], $0x3E80  }
0x140: {  	[sflag:s18] =	ssyncset.done $0x0  }
0x141: {  	s29 =	simm.s32 $0x380;
	[sflag:s18] =	ssyncadd.s32 $0xFFFFC180  }
0x142: {  	[tilespmem:s21], [sflag:$0x2] =	stream.indirect.gather [hbm4b:s1+s20], $0x80, s29, s20, $0xb8;
	[tilespmem:$0x1E800] =	vst v63  }
0x143: {  	_ =	swait.ge [sflag:s22], $0x3E80  }
0x144: {  	[sflag:s22] =	ssyncset.done $0x0  }
0x145: {  	s30 =	simm.s32 $0x1700;
	[sflag:s22] =	ssyncadd.s32 $0xFFFFC180  }
0x146: {  	[spmem:s3] =	stream.indirect.scatter.add.f32 [tilespmem:s17], [sflag:$0x3], $0x80, s30, s20, $0xb8;
	[tilespmem:$0x1E800] =	vst v63  }
0x147: {  	_ =	swait.ge [sflag:s18], $0x3E80  }
0x148: {  	[sflag:s18] =	ssyncset.done $0x0  }
0x149: {  	[sflag:s18] =	ssyncadd.s32 $0xFFFFC180  }
0x14a: {  	_ =	swait.ge [sflag:s23], $0x3E80  }
0x14b: {  	[sflag:s23] =	ssyncset.done $0x0  }
0x14c: {  	s31 =	simm.s32 $0x1780;
	[sflag:s23] =	ssyncadd.s32 $0xFFFFC180  }
0x14d: {  	[spmem:s3] =	stream.indirect.scatter.add.f32 [tilespmem:s21], [sflag:$0x3], $0x80, s31, s20, $0xb8;
	[tilespmem:$0x1E800] =	vst v63  }
0x14e: {  	_ =	swait.ge [sflag:s18], $0x3E80  }
0x14f: {  	s28 =	simm.s32 $0x2000;
	s24 =	simm.s32 $0x1000;
	[sflag:s18] =	ssyncset.done $0x0  }
.LBB2_6:
0x150: {  	s26 =	sshra.s32 s24, $0x2  }
0x151: {  	[sflag:s18] =	ssyncadd.s32 $0xFFFFC180;
	s24 =	smov.u32 s28;
	s25 =	sadd.s32 $0x1000, s28  }
0x152: {  	[tilespmem:s17], [sflag:$0x1] =	stream.indirect.gather [hbm4b:s1+s20], $0x80, s26, s20, $0xb8;
	[tilespmem:$0x1E800] =	vst v63  }
0x153: {  	p0 =	sne.s32 s28, $0x4000;
	s28 =	sadd.s32 $0x80, s26  }
0x154: {  	[tilespmem:s21], [sflag:$0x2] =	stream.indirect.gather [hbm4b:s1+s20], $0x80, s28, s20, $0xb8;
	[tilespmem:$0x1E800] =	vst v63  }
0x155: {  	_ =	swait.ge [sflag:s22], $0x3E80  }
0x156: {  	[sflag:s22] =	ssyncset.done $0x0  }
0x157: {  	s28 =	sadd.s32 $0x1400, s26;
	[sflag:s22] =	ssyncadd.s32 $0xFFFFC180  }
0x158: {  	[spmem:s3] =	stream.indirect.scatter.add.f32 [tilespmem:s17], [sflag:$0x3], $0x80, s28, s20, $0xb8;
	[tilespmem:$0x1E800] =	vst v63  }
0x159: {  	_ =	swait.ge [sflag:s18], $0x3E80  }
0x15a: {  	[sflag:s18] =	ssyncset.done $0x0  }
0x15b: {  	s28 =	sadd.s32 $0x100, s26;
	[sflag:s18] =	ssyncadd.s32 $0xFFFFC180  }
0x15c: {  	[tilespmem:s17], [sflag:$0x1] =	stream.indirect.gather [hbm4b:s1+s20], $0x80, s28, s20, $0xb8;
	[tilespmem:$0x1E800] =	vst v63  }
0x15d: {  	_ =	swait.ge [sflag:s23], $0x3E80  }
0x15e: {  	[sflag:s23] =	ssyncset.done $0x0  }
0x15f: {  	s28 =	sadd.s32 $0x1480, s26;
	[sflag:s23] =	ssyncadd.s32 $0xFFFFC180  }
0x160: {  	[spmem:s3] =	stream.indirect.scatter.add.f32 [tilespmem:s21], [sflag:$0x3], $0x80, s28, s20, $0xb8;
	[tilespmem:$0x1E800] =	vst v63  }
0x161: {  	_ =	swait.ge [sflag:s18], $0x3E80  }
0x162: {  	[sflag:s18] =	ssyncset.done $0x0  }
0x163: {  	s28 =	sadd.s32 $0x180, s26;
	[sflag:s18] =	ssyncadd.s32 $0xFFFFC180  }
0x164: {  	[tilespmem:s21], [sflag:$0x2] =	stream.indirect.gather [hbm4b:s1+s20], $0x80, s28, s20, $0xb8;
	[tilespmem:$0x1E800] =	vst v63  }
0x165: {  	_ =	swait.ge [sflag:s22], $0x3E80  }
0x166: {  	[sflag:s22] =	ssyncset.done $0x0  }
0x167: {  	s28 =	sadd.s32 $0x1500, s26;
	[sflag:s22] =	ssyncadd.s32 $0xFFFFC180  }
0x168: {  	[spmem:s3] =	stream.indirect.scatter.add.f32 [tilespmem:s17], [sflag:$0x3], $0x80, s28, s20, $0xb8;
	[tilespmem:$0x1E800] =	vst v63  }
0x169: {  	_ =	swait.ge [sflag:s18], $0x3E80  }
0x16a: {  	[sflag:s18] =	ssyncset.done $0x0  }
0x16b: {  	s28 =	sadd.s32 $0x200, s26;
	[sflag:s18] =	ssyncadd.s32 $0xFFFFC180  }
0x16c: {  	[tilespmem:s17], [sflag:$0x1] =	stream.indirect.gather [hbm4b:s1+s20], $0x80, s28, s20, $0xb8;
	[tilespmem:$0x1E800] =	vst v63  }
0x16d: {  	_ =	swait.ge [sflag:s23], $0x3E80  }
0x16e: {  	[sflag:s23] =	ssyncset.done $0x0  }
0x16f: {  	s28 =	sadd.s32 $0x1580, s26;
	[sflag:s23] =	ssyncadd.s32 $0xFFFFC180  }
0x170: {  	[spmem:s3] =	stream.indirect.scatter.add.f32 [tilespmem:s21], [sflag:$0x3], $0x80, s28, s20, $0xb8;
	[tilespmem:$0x1E800] =	vst v63  }
0x171: {  	_ =	swait.ge [sflag:s18], $0x3E80  }
0x172: {  	[sflag:s18] =	ssyncset.done $0x0  }
0x173: {  	s28 =	sadd.s32 $0x280, s26;
	[sflag:s18] =	ssyncadd.s32 $0xFFFFC180  }
0x174: {  	[tilespmem:s21], [sflag:$0x2] =	stream.indirect.gather [hbm4b:s1+s20], $0x80, s28, s20, $0xb8;
	[tilespmem:$0x1E800] =	vst v63  }
0x175: {  	_ =	swait.ge [sflag:s22], $0x3E80  }
0x176: {  	[sflag:s22] =	ssyncset.done $0x0  }
0x177: {  	s28 =	sadd.s32 $0x1600, s26;
	[sflag:s22] =	ssyncadd.s32 $0xFFFFC180  }
0x178: {  	[spmem:s3] =	stream.indirect.scatter.add.f32 [tilespmem:s17], [sflag:$0x3], $0x80, s28, s20, $0xb8;
	[tilespmem:$0x1E800] =	vst v63  }
0x179: {  	_ =	swait.ge [sflag:s18], $0x3E80  }
0x17a: {  	[sflag:s18] =	ssyncset.done $0x0  }
0x17b: {  	s28 =	sadd.s32 $0x300, s26;
	[sflag:s18] =	ssyncadd.s32 $0xFFFFC180  }
0x17c: {  	[tilespmem:s17], [sflag:$0x1] =	stream.indirect.gather [hbm4b:s1+s20], $0x80, s28, s20, $0xb8;
	[tilespmem:$0x1E800] =	vst v63  }
0x17d: {  	_ =	swait.ge [sflag:s23], $0x3E80  }
0x17e: {  	[sflag:s23] =	ssyncset.done $0x0  }
0x17f: {  	s28 =	sadd.s32 $0x1680, s26;
	[sflag:s23] =	ssyncadd.s32 $0xFFFFC180  }
0x180: {  	[spmem:s3] =	stream.indirect.scatter.add.f32 [tilespmem:s21], [sflag:$0x3], $0x80, s28, s20, $0xb8;
	[tilespmem:$0x1E800] =	vst v63  }
0x181: {  	_ =	swait.ge [sflag:s18], $0x3E80  }
0x182: {  	[sflag:s18] =	ssyncset.done $0x0  }
0x183: {  	s28 =	sadd.s32 $0x380, s26;
	[sflag:s18] =	ssyncadd.s32 $0xFFFFC180  }
0x184: {  	[tilespmem:s21], [sflag:$0x2] =	stream.indirect.gather [hbm4b:s1+s20], $0x80, s28, s20, $0xb8;
	[tilespmem:$0x1E800] =	vst v63  }
0x185: {  	_ =	swait.ge [sflag:s22], $0x3E80  }
0x186: {  	[sflag:s22] =	ssyncset.done $0x0  }
0x187: {  	s28 =	sadd.s32 $0x1700, s26;
	[sflag:s22] =	ssyncadd.s32 $0xFFFFC180  }
0x188: {  	[spmem:s3] =	stream.indirect.scatter.add.f32 [tilespmem:s17], [sflag:$0x3], $0x80, s28, s20, $0xb8;
	[tilespmem:$0x1E800] =	vst v63  }
0x189: {  	_ =	swait.ge [sflag:s18], $0x3E80  }
0x18a: {  	[sflag:s18] =	ssyncset.done $0x0  }
0x18b: {  	[sflag:s18] =	ssyncadd.s32 $0xFFFFC180  }
0x18c: {  	_ =	swait.ge [sflag:s23], $0x3E80  }
.Ltmp2:
0x18d: {  	[sflag:s23] =	ssyncset.done $0x0;
	(pc) =	sbr.rel @p0 .LBB2_6-.Ltmp2, $4  }
0x18e: {  	s26 =	sadd.s32 $0x1780, s26;
	[sflag:s23] =	ssyncadd.s32 $0xFFFFC180  }
0x18f: {  	[spmem:s3] =	stream.indirect.scatter.add.f32 [tilespmem:s21], [sflag:$0x3], $0x80, s26, s20, $0xb8;
	[tilespmem:$0x1E800] =	vst v63  }
0x190: {  	_ =	swait.ge [sflag:s18], $0x3E80  }
0x191: {  	s28 =	smov.u32 s25;
	[sflag:s18] =	ssyncset.done $0x0  }
0x192: {  	s24 =	sshra.s32 s24, $0x2;
	[sflag:s18] =	ssyncadd.s32 $0xFFFFC180  }
0x193: {  	[tilespmem:s17], [sflag:$0x1] =	stream.indirect.gather [hbm4b:s1+s20], $0x80, s24, s20, $0xb8;
	[tilespmem:$0x1E800] =	vst v63  }
0x194: {  	s25 =	sadd.s32 $0x80, s24  }
0x195: {  	[tilespmem:s21], [sflag:$0x2] =	stream.indirect.gather [hbm4b:s1+s20], $0x80, s25, s20, $0xb8;
	[tilespmem:$0x1E800] =	vst v63  }
0x196: {  	_ =	swait.ge [sflag:s22], $0x3E80  }
0x197: {  	[sflag:s22] =	ssyncset.done $0x0  }
0x198: {  	s26 =	sadd.s32 $0x1400, s24;
	[sflag:s22] =	ssyncadd.s32 $0xFFFFC180  }
0x199: {  	[spmem:s3] =	stream.indirect.scatter.add.f32 [tilespmem:s17], [sflag:$0x3], $0x80, s26, s20, $0xb8;
	[tilespmem:$0x1E800] =	vst v63  }
0x19a: {  	_ =	swait.ge [sflag:s18], $0x3E80  }
0x19b: {  	[sflag:s18] =	ssyncset.done $0x0  }
0x19c: {  	s28 =	sadd.s32 $0x100, s24;
	[sflag:s18] =	ssyncadd.s32 $0xFFFFC180  }
0x19d: {  	[tilespmem:s17], [sflag:$0x1] =	stream.indirect.gather [hbm4b:s1+s20], $0x80, s28, s20, $0xb8;
	[tilespmem:$0x1E800] =	vst v63  }
0x19e: {  	_ =	swait.ge [sflag:s23], $0x3E80  }
0x19f: {  	[sflag:s23] =	ssyncset.done $0x0  }
0x1a0: {  	s29 =	sadd.s32 $0x1480, s24;
	[sflag:s23] =	ssyncadd.s32 $0xFFFFC180  }
0x1a1: {  	[spmem:s3] =	stream.indirect.scatter.add.f32 [tilespmem:s21], [sflag:$0x3], $0x80, s29, s20, $0xb8;
	[tilespmem:$0x1E800] =	vst v63  }
0x1a2: {  	_ =	swait.ge [sflag:s18], $0x3E80  }
0x1a3: {  	[sflag:s18] =	ssyncset.done $0x0  }
0x1a4: {  	s30 =	sadd.s32 $0x180, s24;
	[sflag:s18] =	ssyncadd.s32 $0xFFFFC180  }
0x1a5: {  	[tilespmem:s21], [sflag:$0x2] =	stream.indirect.gather [hbm4b:s1+s20], $0x80, s30, s20, $0xb8;
	[tilespmem:$0x1E800] =	vst v63  }
0x1a6: {  	_ =	swait.ge [sflag:s22], $0x3E80  }
0x1a7: {  	[sflag:s22] =	ssyncset.done $0x0  }
0x1a8: {  	s31 =	sadd.s32 $0x1500, s24;
	[sflag:s22] =	ssyncadd.s32 $0xFFFFC180  }
0x1a9: {  	[spmem:s3] =	stream.indirect.scatter.add.f32 [tilespmem:s17], [sflag:$0x3], $0x80, s31, s20, $0xb8;
	[tilespmem:$0x1E800] =	vst v63  }
0x1aa: {  	_ =	swait.ge [sflag:s18], $0x3E80  }
0x1ab: {  	[sflag:s18] =	ssyncset.done $0x0  }
0x1ac: {  	s26 =	sadd.s32 $0x200, s24;
	[sflag:s18] =	ssyncadd.s32 $0xFFFFC180  }
0x1ad: {  	[tilespmem:s17], [sflag:$0x1] =	stream.indirect.gather [hbm4b:s1+s20], $0x80, s26, s20, $0xb8;
	[tilespmem:$0x1E800] =	vst v63  }
0x1ae: {  	_ =	swait.ge [sflag:s23], $0x3E80  }
0x1af: {  	[sflag:s23] =	ssyncset.done $0x0  }
0x1b0: {  	s28 =	sadd.s32 $0x1580, s24;
	[sflag:s23] =	ssyncadd.s32 $0xFFFFC180  }
0x1b1: {  	[spmem:s3] =	stream.indirect.scatter.add.f32 [tilespmem:s21], [sflag:$0x3], $0x80, s28, s20, $0xb8;
	[tilespmem:$0x1E800] =	vst v63  }
0x1b2: {  	_ =	swait.ge [sflag:s18], $0x3E80  }
0x1b3: {  	[sflag:s18] =	ssyncset.done $0x0  }
0x1b4: {  	s29 =	sadd.s32 $0x280, s24;
	[sflag:s18] =	ssyncadd.s32 $0xFFFFC180  }
0x1b5: {  	[tilespmem:s21], [sflag:$0x2] =	stream.indirect.gather [hbm4b:s1+s20], $0x80, s29, s20, $0xb8;
	[tilespmem:$0x1E800] =	vst v63  }
0x1b6: {  	_ =	swait.ge [sflag:s22], $0x3E80  }
0x1b7: {  	[sflag:s22] =	ssyncset.done $0x0  }
0x1b8: {  	s30 =	sadd.s32 $0x1600, s24;
	[sflag:s22] =	ssyncadd.s32 $0xFFFFC180  }
0x1b9: {  	[spmem:s3] =	stream.indirect.scatter.add.f32 [tilespmem:s17], [sflag:$0x3], $0x80, s30, s20, $0xb8;
	[tilespmem:$0x1E800] =	vst v63  }
0x1ba: {  	_ =	swait.ge [sflag:s18], $0x3E80  }
0x1bb: {  	[sflag:s18] =	ssyncset.done $0x0  }
0x1bc: {  	s31 =	sadd.s32 $0x300, s24;
	[sflag:s18] =	ssyncadd.s32 $0xFFFFC180  }
0x1bd: {  	[tilespmem:s17], [sflag:$0x1] =	stream.indirect.gather [hbm4b:s1+s20], $0x80, s31, s20, $0xb8;
	[tilespmem:$0x1E800] =	vst v63  }
0x1be: {  	_ =	swait.ge [sflag:s23], $0x3E80  }
0x1bf: {  	[sflag:s23] =	ssyncset.done $0x0  }
0x1c0: {  	s26 =	sadd.s32 $0x1680, s24;
	[sflag:s23] =	ssyncadd.s32 $0xFFFFC180  }
0x1c1: {  	[spmem:s3] =	stream.indirect.scatter.add.f32 [tilespmem:s21], [sflag:$0x3], $0x80, s26, s20, $0xb8;
	[tilespmem:$0x1E800] =	vst v63  }
0x1c2: {  	_ =	swait.ge [sflag:s18], $0x3E80  }
0x1c3: {  	[sflag:s18] =	ssyncset.done $0x0  }
0x1c4: {  	s28 =	sadd.s32 $0x380, s24;
	[sflag:s18] =	ssyncadd.s32 $0xFFFFC180  }
0x1c5: {  	[tilespmem:s21], [sflag:$0x2] =	stream.indirect.gather [hbm4b:s1+s20], $0x80, s28, s20, $0xb8;
	[tilespmem:$0x1E800] =	vst v63  }
0x1c6: {  	_ =	swait.ge [sflag:s22], $0x3E80  }
0x1c7: {  	[sflag:s22] =	ssyncset.done $0x0  }
0x1c8: {  	s29 =	sadd.s32 $0x1700, s24;
	[sflag:s22] =	ssyncadd.s32 $0xFFFFC180  }
0x1c9: {  	[spmem:s3] =	stream.indirect.scatter.add.f32 [tilespmem:s17], [sflag:$0x3], $0x80, s29, s20, $0xb8;
	[tilespmem:$0x1E800] =	vst v63  }
0x1ca: {  	_ =	swait.ge [sflag:s18], $0x3E80  }
0x1cb: {  	[sflag:s18] =	ssyncset.done $0x0  }
0x1cc: {  	[sflag:s18] =	ssyncadd.s32 $0xFFFFC180  }
0x1cd: {  	_ =	swait.ge [sflag:s23], $0x3E80  }
0x1ce: {  	[sflag:s23] =	ssyncset.done $0x0  }
0x1cf: {  	s24 =	sadd.s32 $0x1780, s24;
	[sflag:s23] =	ssyncadd.s32 $0xFFFFC180  }
0x1d0: {  	[spmem:s3] =	stream.indirect.scatter.add.f32 [tilespmem:s21], [sflag:$0x3], $0x80, s24, s20, $0xb8;
	[tilespmem:$0x1E800] =	vst v63  }
0x1d1: {  	s4 =	sadd.s32 $0x1, s4;
	_ =	swait.ge [sflag:s18], $0x3E80  }
0x1d2: {  	p0 =	sne.s32 s4, s12;
	[sflag:s18] =	ssyncset.done $0x0  }
0x1d3: {  	s30 =	sshll.u32 s0, $0x6;
	s31 =	sshrl.u32 s5, $0x3;
	[sflag:s18] =	ssyncadd.s32 $0xFFFFC180  }
.Ltmp3:
0x1d4: {  	s24 =	sor.u32 $0x1C03, s30;
	[bflag:$0x0] =	sbarrier.arrive $0xFFFF;
	(pc) =	sbr.rel @p0 .LBB2_1-.Ltmp3, $4  }
0x1d5: {  	[hbm:s11], [sflag:s24] =	dma.local [spmem:s31], $0x2800  }
0x1d6: {  	_ =	swait.ge [sflag:s18], $0x2800  }
0x1d7: {  	[sflag:s18] =	ssyncset.done $0x0  }
0x1d8: {  	[sflag:s18] =	ssyncadd.s32 $0xFFFFD800  }
0x1d9: {  	_ =	sfence.sel $0x180000  }
0x1da: {  	[bflag:$0x0] =	sbarrier.arrive $0xFFFF  }
0x1db: {  	p0 =	sne.s32 s0, $0x0;
	_ =	strace $0x9000004A  }
0x1dc: {  	s0 =	sadd.s32 @!p0 $0x100000, s2;
	[bflag:$0x2] =	sbarrier.arrive $0xFFFF  }
0x1dd: {  	[sflag:s0] =	ssyncadd.tile.s32 @!p0 $0x1;
	_ =	shalt  }
.Lfunc_end2:
_tile_overlayer_lowered:
.L_overlay_start_2:
0x1de: {  	(tag) =	ssettag $0x2  }
0x1df: {  	s0 =	rddreg [dreg:$0x0];
	s2 =	stileid.u32  }
0x1e0: {  	s1 =	rddreg [dreg:$0x1];
	p0 =	sne.s32 s2, $0x0  }
0x1e1: {  	s3 =	rddreg [dreg:$0x2];
	[bflag:$0x3] =	sbarrier.arrive $0xFFFF;
	s2 =	simm.s32 @!p0 $0x1C03  }
0x1e2: {  	[timem:s3], [sflag:s2] =	dma.local @!p0 [hbm:s0], s1  }
0x1e3: {  	s0 =	simm.s32 @!p0 $0x3  }
0x1e4: {  	_ =	swait.ge @!p0 [sflag:s0], s1  }
0x1e5: {  	s1 =	ssub.s32 @!p0 $0x0, s1;
	[sflag:s0] =	ssyncset.done @!p0 $0x0  }
0x1e6: {  	[sflag:s0] =	ssyncadd.s32 @!p0 s1  }
0x1e7: {  	[bflag:$0x3] =	sbarrier.arrive $0xFFFF  }
0x1e8: {  	_ =	shalt  }

</sc_bundles>
